<compile_context>
chip_gen: v7x
topology: tpu7x:2x2x1
jax: 0.10.2.dev20260603
libtpu: 0.0.44.dev20260713+nightly
codegen_flags: <defaults>
</compile_context>

<pallas_src>
import functools

import jax
import jax.numpy as jnp
import numpy as np
from jax import lax
from jax.experimental import pallas as pl
from jax.experimental.pallas import tpu as pltpu
from jax.experimental.pallas import tpu_sc as plsc

_SCALE = 10.0
_B = 64
_C = 100000
_NEG = int(0.01 * (_C - 1))
_RANK = _NEG + 1
_NC = 2
_NS = 16
_L = 16
_NW = _NC * _NS
_RPW = _B // _NW
_NV = _C // _L
_HI = np.uint32(0x80000000)


def _bc(x, dt):
    return lax.bitcast_convert_type(x, dt)


def _vfull(val, dt):
    return jnp.full((16,), val, dt)


def _sortable(v):
    bu = _bc(v, jnp.uint32)
    asr = lax.shift_right_arithmetic(_bc(v, jnp.int32), _vfull(31, jnp.int32))
    flip = _bc(asr, jnp.uint32) | _vfull(_HI, jnp.uint32)
    return bu ^ flip


def _unsortable(k):
    b = jnp.where(k >= _vfull(_HI, jnp.uint32), k ^ _vfull(_HI, jnp.uint32), ~k)
    return _bc(b, jnp.float32)


def _sc_body(x_hbm, t_hbm, out_hbm, row, hist, tvm, outb):
    cid = lax.axis_index("c")
    sid = lax.axis_index("s")
    wid = sid * _NC + cid
    lane = lax.iota(jnp.int32, 16)
    fones = jnp.ones((16,), jnp.float32)
    fzeros = jnp.zeros((16,), jnp.float32)

    pltpu.sync_copy(t_hbm, tvm)

    def zb(i, _):
        hist[pl.ds(i * 16, 16)] = fzeros
        return jnp.int32(0)

    outv = jnp.zeros((16,), jnp.float32)

    for j in range(_RPW):
        r = wid * _RPW + j
        pltpu.sync_copy(x_hbm.at[r], row)

        lax.fori_loop(0, 256, zb, jnp.int32(0), unroll=8)

        @plsc.parallel_loop(0, _NV, unroll=10)
        def s1(i):
            v = row[pl.ds(i * 16, 16)]
            k = _sortable(v)
            bk = _bc(lax.shift_right_logical(k, _vfull(24, jnp.uint32)),
                     jnp.int32)
            plsc.addupdate_scatter(hist, [bk * 16 + lane], fones)

        trv = plsc.load_gather(tvm, [jnp.broadcast_to(r, (16,))])
        posv = plsc.load_gather(row, [trv])
        keyt = _sortable(posv)

        bmax = jnp.int32(255)

        def scan_down(need):
            def cond(car):
                b, cum, cab = car
                return jnp.logical_and(cum < need, b >= 0)

            def body(car):
                b, cum, cab = car
                s = jnp.sum(hist[pl.ds(b * 16, 16)])
                return (b - 1, cum + s, cum)

            b, _, cab = lax.while_loop(
                cond, body, (bmax, jnp.float32(0), jnp.float32(0)))
            return b + 1, cab

        b1, catot = scan_down(jnp.float32(_RANK))
        b1v = jnp.broadcast_to(b1, (16,)).astype(jnp.uint32)
        need = jnp.float32(_RANK) - catot

        @plsc.parallel_loop(
            0, _NV, carry=jnp.zeros((16,), jnp.int32), unroll=10)
        def s3(i, wv):
            v = row[pl.ds(i * 16, 16)]
            k = _sortable(v)
            ge = lax.shift_right_logical(k, _vfull(24, jnp.uint32)) >= b1v
            mi = ge.astype(jnp.int32)
            incl = plsc.cumsum(mi)
            plsc.store_scatter(row, [wv + incl - mi], v, mask=ge)
            return wv + plsc.all_reduce_population_count(ge)

        w = jnp.max(s3)
        nv2 = lax.div(w + 15, jnp.int32(16))

        def smx(i, mxi):
            v = row[pl.ds(i * 16, 16)]
            ki = _bc(_sortable(v) ^ _vfull(_HI, jnp.uint32), jnp.int32)
            valid = (i * 16 + lane) < w
            return jnp.maximum(
                mxi, jnp.where(valid, ki,
                               jnp.full((16,), jnp.iinfo(jnp.int32).min,
                                        jnp.int32)))

        mxi = lax.fori_loop(
            0, nv2, smx, jnp.full((16,), jnp.iinfo(jnp.int32).min, jnp.int32))
        kmx = _bc(jnp.broadcast_to(jnp.max(mxi), (16,)),
                  jnp.uint32) ^ _vfull(_HI, jnp.uint32)
        m_v = _unsortable(kmx)

        prefv = b1v
        for shift in (16, 8, 0):
            lax.fori_loop(0, 256, zb, jnp.int32(0), unroll=8)

            def s4(i, _, shift=shift, prefv=prefv):
                v = row[pl.ds(i * 16, 16)]
                k = _sortable(v)
                valid = (i * 16 + lane) < w
                match = lax.shift_right_logical(
                    k, _vfull(shift + 8, jnp.uint32)) == prefv
                bk = _bc(lax.shift_right_logical(k, _vfull(shift, jnp.uint32))
                         & _vfull(0xFF, jnp.uint32), jnp.int32)
                plsc.addupdate_scatter(
                    hist, [bk * 16 + lane], fones,
                    mask=jnp.logical_and(valid, match))
                return jnp.int32(0)

            lax.fori_loop(0, nv2, s4, jnp.int32(0))

            def cond2(car, need=need):
                b, cum, cab = car
                return jnp.logical_and(cum < need, b >= 0)

            def body2(car):
                b, cum, cab = car
                s = jnp.sum(hist[pl.ds(b * 16, 16)])
                return (b - 1, cum + s, cum)

            bafter, _, cab = lax.while_loop(
                cond2, body2, (jnp.int32(255), jnp.float32(0), jnp.float32(0)))
            bsel = bafter + 1
            prefv = (lax.shift_left(prefv, _vfull(8, jnp.uint32))
                     | jnp.broadcast_to(bsel, (16,)).astype(jnp.uint32))
            need = need - cab
            catot = catot + cab

        vprime = prefv

        def s5(i, e):
            v = row[pl.ds(i * 16, 16)]
            k = _sortable(v)
            gt = jnp.logical_and(k > vprime, (i * 16 + lane) < w)
            return e + jnp.where(gt, jnp.exp(_SCALE * (v - m_v)), 0.0)

        e2 = lax.fori_loop(0, nv2, s5, jnp.zeros((16,), jnp.float32))

        eab = jnp.broadcast_to(jnp.sum(e2), (16,))
        tgtf = jnp.where(keyt > vprime, 1.0, 0.0)
        epos = jnp.exp(_SCALE * (posv - m_v))
        vpf = _unsortable(vprime)
        catf = jnp.broadcast_to(catot, (16,))
        sumexp = (eab - tgtf * epos
                  + (_vfull(float(_NEG), jnp.float32) - catf + tgtf)
                  * jnp.exp(_SCALE * (vpf - m_v))
                  + epos)
        outv = jnp.where(lane == 3 * j, sumexp, outv)
        outv = jnp.where(lane == 3 * j + 1, m_v, outv)
        outv = jnp.where(lane == 3 * j + 2, posv, outv)

    outb[...] = outv
    pltpu.sync_copy(outb, out_hbm.at[wid])


_sc_call = functools.partial(
    pl.kernel,
    out_type=jax.ShapeDtypeStruct((_NW, 16), jnp.float32),
    mesh=plsc.VectorSubcoreMesh(core_axis_name="c", subcore_axis_name="s"),
    compiler_params=pltpu.CompilerParams(needs_layout_passes=False),
    scratch_types=[
        pltpu.VMEM((_C,), jnp.float32),
        pltpu.VMEM((256 * 16,), jnp.float32),
        pltpu.VMEM((_B,), jnp.int32),
        pltpu.VMEM((16,), jnp.float32),
    ],
)(_sc_body)


def _fin_body(a_ref, o_ref):
    a = a_ref[...]
    tot = jnp.float32(0.0)
    for j in range(_RPW):
        se = a[:, 3 * j:3 * j + 1]
        m = a[:, 3 * j + 1:3 * j + 2]
        ps = a[:, 3 * j + 2:3 * j + 3]
        tot = tot + jnp.sum(_SCALE * m + jnp.log(se) - _SCALE * ps)
    o_ref[0, 0] = tot * (1.0 / _B)


@jax.jit
def kernel(logits, targets):
    parts = _sc_call(logits, targets.astype(jnp.int32))
    out = pl.pallas_call(
        _fin_body,
        out_specs=pl.BlockSpec(memory_space=pltpu.SMEM),
        out_shape=jax.ShapeDtypeStruct((1, 1), jnp.float32),
    )(parts)
    return out[0, 0]

# --- scband reference (transcript-rebuilt; emitter-appended) ---
"""Pipeline reference for scband-mmcl-30588757082558 (READ-ONLY COPY).

The authoritative reference and input builder live on the scoring server;
editing this copy changes nothing except your own understanding.
"""

import jax, jax.numpy as jnp
import numpy as np

DELTA = 5.0
R = 0.01

def setup_inputs(seed: int = 0) -> dict:
    key = jax.random.key(seed)
    k1, k2 = jax.random.split(key)
    logits = jax.random.normal(k1, (64, 100000), dtype=jnp.float32)
    targets = jax.random.randint(k2, (64,), 0, 100000, dtype=jnp.int32)
    return {"logits": logits, "targets": targets}

def reference(logits, targets):
    # Faithful translation of MMCL.forward with multi_targets=None:
    # each sample has exactly one positive (its target), so pos_idx has length 1
    # and the loop always takes the `results.shape[0] == 1` branch:
    #   l = cross_entropy(10 * hard_neg_logit[None, :], [0])
    B, C = logits.shape
    # neg_num = r * (~multilabel).sum() = r * (C - 1), identical for every row
    neg_num = int(R * (C - 1))
    # argsort of detached logits, descending
    sorted_idx = jnp.argsort(-logits, axis=1)
    # remove the positive index from the sorted negatives (stable compaction)
    mask = sorted_idx != targets[:, None]
    order = jnp.argsort(jnp.logical_not(mask), axis=1)  # stable: negatives keep order, positive pushed last
    compact = jnp.take_along_axis(sorted_idx, order, axis=1)
    hn_idx = compact[:, :neg_num]
    # hard_neg_logit = logit[cat(pos_idx, hn_idx)]
    pos_logit = jnp.take_along_axis(logits, targets[:, None], axis=1)      # [B, 1]
    hn_logit = jnp.take_along_axis(logits, hn_idx, axis=1)                 # [B, neg_num]
    hard = jnp.concatenate([pos_logit, hn_logit], axis=1)                  # [B, 1 + neg_num]
    # cross_entropy(10 * hard, target=0) per row
    logp = jax.nn.log_softmax(10.0 * hard, axis=1)
    per_row_loss = -logp[:, 0]
    return jnp.mean(per_row_loss)

if __name__ == "__main__":
    import jax
    _d = setup_inputs()
    print(jax.jit(kernel)(*tuple(_d.values())))

</pallas_src>

<mosaic_0001>
#map = affine_map<(d0, d1) -> (0, 0)>
#map1 = affine_map<(d0, d1) -> (0)>
module attributes {stable_mosaic.version = 14 : i64} {
  func.func @_sc_body(%arg0: i32, %arg1: i32, %arg2: memref<64x100000xf32, #tpu.memory_space<hbm>>, %arg3: memref<64xi32, #tpu.memory_space<hbm>>, %arg4: memref<32x16xf32, #tpu.memory_space<hbm>>, %arg5: memref<100000xf32, #tpu.memory_space<vmem>>, %arg6: memref<4096xf32, #tpu.memory_space<vmem>>, %arg7: memref<64xi32, #tpu.memory_space<vmem>>, %arg8: memref<16xf32, #tpu.memory_space<vmem>>) attributes {dimension_semantics = [#tpu.dimension_semantics<core_parallel>, #tpu.dimension_semantics<subcore_parallel>], iteration_bounds = array<i64: 2, 16>, scalar_prefetch = 0 : i64, scratch_operands = 4 : i64, tpu.core_type = #tpu.core_type<sc_vector_subcore>, window_params = [{transform_indices = #map}, {transform_indices = #map1}, {transform_indices = #map}]} {
    %mul3A = arith.constant 2 : i32
    %mul3A_0 = arith.muli %arg1, %mul3A : i32
    %add3A = arith.addi %mul3A_0, %arg0 : i32
    %iota3A = tpu.iota {dimensions = array<i32: 0>} : vector<16xi32>
    %broadcast_in_dim3A = arith.constant 1.000000e+00 : f32
    %broadcast_in_dim3A_1 = vector.broadcast %broadcast_in_dim3A : f32 to vector<16xf32>
    %broadcast_in_dim3A_2 = arith.constant 0.000000e+00 : f32
    %broadcast_in_dim3A_3 = vector.broadcast %broadcast_in_dim3A_2 : f32 to vector<16xf32>
    "tpu.region"() ({
      %run_scoped3A = tpu.sem_alloc : memref<!tpu.dma_semaphore, #tpu.memory_space<semaphore_mem>>
      tpu.enqueue_dma source(%arg3 : memref<64xi32, #tpu.memory_space<hbm>>) target(%arg7 : memref<64xi32, #tpu.memory_space<vmem>>) target_semaphore(%run_scoped3A : memref<!tpu.dma_semaphore, #tpu.memory_space<semaphore_mem>>)
      tpu.wait_dma2 semaphore(%run_scoped3A : memref<!tpu.dma_semaphore, #tpu.memory_space<semaphore_mem>>) src(%arg3 : memref<64xi32, #tpu.memory_space<hbm>>) dst(%arg7 : memref<64xi32, #tpu.memory_space<vmem>>)
      tpu.yield
    }) : () -> ()
    %broadcast_in_dim3A_4 = arith.constant 0.000000e+00 : f32
    %broadcast_in_dim3A_5 = vector.broadcast %broadcast_in_dim3A_4 : f32 to vector<16xf32>
    %mul3A_6 = arith.constant 2 : i32
    %mul3A_7 = arith.muli %add3A, %mul3A_6 : i32
    %add3A_8 = arith.constant 0 : i32
    %add3A_9 = arith.addi %mul3A_7, %add3A_8 : i32
    "tpu.region"() ({
      %run_scoped3A = tpu.sem_alloc : memref<!tpu.dma_semaphore, #tpu.memory_space<semaphore_mem>>
      %dma_start3A = arith.constant 0 : i32
      %dma_start3A_493 = tpu.memref_slice %arg2[%add3A_9, %dma_start3A] : memref<64x100000xf32, #tpu.memory_space<hbm>> -> memref<1x100000xf32, #tpu.memory_space<hbm>>
      %dma_start3A_494 = tpu.memref_squeeze %dma_start3A_493 : memref<1x100000xf32, #tpu.memory_space<hbm>> -> memref<100000xf32, #tpu.memory_space<hbm>>
      %dma_start3A_495 = arith.constant 0 : i32
      %dma_start3A_496 = tpu.memref_slice %arg2[%add3A_9, %dma_start3A_495] : memref<64x100000xf32, #tpu.memory_space<hbm>> -> memref<1x100000xf32, #tpu.memory_space<hbm>>
      %dma_start3A_497 = tpu.memref_squeeze %dma_start3A_496 : memref<1x100000xf32, #tpu.memory_space<hbm>> -> memref<100000xf32, #tpu.memory_space<hbm>>
      tpu.enqueue_dma source(%dma_start3A_497 : memref<100000xf32, #tpu.memory_space<hbm>>) target(%arg5 : memref<100000xf32, #tpu.memory_space<vmem>>) target_semaphore(%run_scoped3A : memref<!tpu.dma_semaphore, #tpu.memory_space<semaphore_mem>>)
      %dma_wait3A = arith.constant 0 : i32
      %dma_wait3A_498 = tpu.memref_slice %arg2[%add3A_9, %dma_wait3A] : memref<64x100000xf32, #tpu.memory_space<hbm>> -> memref<1x100000xf32, #tpu.memory_space<hbm>>
      %dma_wait3A_499 = tpu.memref_squeeze %dma_wait3A_498 : memref<1x100000xf32, #tpu.memory_space<hbm>> -> memref<100000xf32, #tpu.memory_space<hbm>>
      %dma_wait3A_500 = arith.constant 0 : i32
      %dma_wait3A_501 = tpu.memref_slice %arg2[%add3A_9, %dma_wait3A_500] : memref<64x100000xf32, #tpu.memory_space<hbm>> -> memref<1x100000xf32, #tpu.memory_space<hbm>>
      %dma_wait3A_502 = tpu.memref_squeeze %dma_wait3A_501 : memref<1x100000xf32, #tpu.memory_space<hbm>> -> memref<100000xf32, #tpu.memory_space<hbm>>
      tpu.wait_dma2 semaphore(%run_scoped3A : memref<!tpu.dma_semaphore, #tpu.memory_space<semaphore_mem>>) src(%dma_wait3A_502 : memref<100000xf32, #tpu.memory_space<hbm>>) dst(%arg5 : memref<100000xf32, #tpu.memory_space<vmem>>)
      tpu.yield
    }) : () -> ()
    %scan3A = arith.constant 0 : i32
    %scan3A_10 = arith.constant 0 : i32
    %scan3A_11 = arith.constant 256 : i32
    %scan3A_12 = arith.addi %scan3A_10, %scan3A_11 : i32
    %scan3A_13 = arith.constant 8 : i32
    %scan3A_14 = scf.for %scan3A_493 = %scan3A_10 to %scan3A_12 step %scan3A_13 iter_args(%scan3A_494 = %scan3A) -> (i32)  : i32 {
      %mul3A_495 = arith.constant 16 : i32
      %mul3A_496 = arith.muli %scan3A_493, %mul3A_495 : i32
      %swap3A_497 = arith.index_cast %mul3A_496 : i32 to index
      %swap3A_498 = tpu.vector_load %arg6[%swap3A_497] {strides = array<i32>} : memref<4096xf32, #tpu.memory_space<vmem>>, vector<16xf32>,
      tpu.vector_store %arg6[%swap3A_497], %broadcast_in_dim3A_3 {strides = array<i32>} : memref<4096xf32, #tpu.memory_space<vmem>>, vector<16xf32>,
      %scan3A_499 = arith.constant 0 : i32
      %scan3A_500 = arith.constant 1 : i32
      %scan3A_501 = arith.addi %scan3A_493, %scan3A_500 : i32
      %mul3A_502 = arith.constant 16 : i32
      %mul3A_503 = arith.muli %scan3A_501, %mul3A_502 : i32
      %swap3A_504 = arith.index_cast %mul3A_503 : i32 to index
      %swap3A_505 = tpu.vector_load %arg6[%swap3A_504] {strides = array<i32>} : memref<4096xf32, #tpu.memory_space<vmem>>, vector<16xf32>,
      tpu.vector_store %arg6[%swap3A_504], %broadcast_in_dim3A_3 {strides = array<i32>} : memref<4096xf32, #tpu.memory_space<vmem>>, vector<16xf32>,
      %scan3A_506 = arith.constant 0 : i32
      %scan3A_507 = arith.constant 2 : i32
      %scan3A_508 = arith.addi %scan3A_493, %scan3A_507 : i32
      %mul3A_509 = arith.constant 16 : i32
      %mul3A_510 = arith.muli %scan3A_508, %mul3A_509 : i32
      %swap3A_511 = arith.index_cast %mul3A_510 : i32 to index
      %swap3A_512 = tpu.vector_load %arg6[%swap3A_511] {strides = array<i32>} : memref<4096xf32, #tpu.memory_space<vmem>>, vector<16xf32>,
      tpu.vector_store %arg6[%swap3A_511], %broadcast_in_dim3A_3 {strides = array<i32>} : memref<4096xf32, #tpu.memory_space<vmem>>, vector<16xf32>,
      %scan3A_513 = arith.constant 0 : i32
      %scan3A_514 = arith.constant 3 : i32
      %scan3A_515 = arith.addi %scan3A_493, %scan3A_514 : i32
      %mul3A_516 = arith.constant 16 : i32
      %mul3A_517 = arith.muli %scan3A_515, %mul3A_516 : i32
      %swap3A_518 = arith.index_cast %mul3A_517 : i32 to index
      %swap3A_519 = tpu.vector_load %arg6[%swap3A_518] {strides = array<i32>} : memref<4096xf32, #tpu.memory_space<vmem>>, vector<16xf32>,
      tpu.vector_store %arg6[%swap3A_518], %broadcast_in_dim3A_3 {strides = array<i32>} : memref<4096xf32, #tpu.memory_space<vmem>>, vector<16xf32>,
      %scan3A_520 = arith.constant 0 : i32
      %scan3A_521 = arith.constant 4 : i32
      %scan3A_522 = arith.addi %scan3A_493, %scan3A_521 : i32
      %mul3A_523 = arith.constant 16 : i32
      %mul3A_524 = arith.muli %scan3A_522, %mul3A_523 : i32
      %swap3A_525 = arith.index_cast %mul3A_524 : i32 to index
      %swap3A_526 = tpu.vector_load %arg6[%swap3A_525] {strides = array<i32>} : memref<4096xf32, #tpu.memory_space<vmem>>, vector<16xf32>,
      tpu.vector_store %arg6[%swap3A_525], %broadcast_in_dim3A_3 {strides = array<i32>} : memref<4096xf32, #tpu.memory_space<vmem>>, vector<16xf32>,
      %scan3A_527 = arith.constant 0 : i32
      %scan3A_528 = arith.constant 5 : i32
      %scan3A_529 = arith.addi %scan3A_493, %scan3A_528 : i32
      %mul3A_530 = arith.constant 16 : i32
      %mul3A_531 = arith.muli %scan3A_529, %mul3A_530 : i32
      %swap3A_532 = arith.index_cast %mul3A_531 : i32 to index
      %swap3A_533 = tpu.vector_load %arg6[%swap3A_532] {strides = array<i32>} : memref<4096xf32, #tpu.memory_space<vmem>>, vector<16xf32>,
      tpu.vector_store %arg6[%swap3A_532], %broadcast_in_dim3A_3 {strides = array<i32>} : memref<4096xf32, #tpu.memory_space<vmem>>, vector<16xf32>,
      %scan3A_534 = arith.constant 0 : i32
      %scan3A_535 = arith.constant 6 : i32
      %scan3A_536 = arith.addi %scan3A_493, %scan3A_535 : i32
      %mul3A_537 = arith.constant 16 : i32
      %mul3A_538 = arith.muli %scan3A_536, %mul3A_537 : i32
      %swap3A_539 = arith.index_cast %mul3A_538 : i32 to index
      %swap3A_540 = tpu.vector_load %arg6[%swap3A_539] {strides = array<i32>} : memref<4096xf32, #tpu.memory_space<vmem>>, vector<16xf32>,
      tpu.vector_store %arg6[%swap3A_539], %broadcast_in_dim3A_3 {strides = array<i32>} : memref<4096xf32, #tpu.memory_space<vmem>>, vector<16xf32>,
      %scan3A_541 = arith.constant 0 : i32
      %scan3A_542 = arith.constant 7 : i32
      %scan3A_543 = arith.addi %scan3A_493, %scan3A_542 : i32
      %mul3A_544 = arith.constant 16 : i32
      %mul3A_545 = arith.muli %scan3A_543, %mul3A_544 : i32
      %swap3A_546 = arith.index_cast %mul3A_545 : i32 to index
      %swap3A_547 = tpu.vector_load %arg6[%swap3A_546] {strides = array<i32>} : memref<4096xf32, #tpu.memory_space<vmem>>, vector<16xf32>,
      tpu.vector_store %arg6[%swap3A_546], %broadcast_in_dim3A_3 {strides = array<i32>} : memref<4096xf32, #tpu.memory_space<vmem>>, vector<16xf32>,
      %scan3A_548 = arith.constant 0 : i32
      scf.yield %scan3A_548 : i32
    }
    %scan3A_15 = arith.constant 256 : i32
    %parallel_loop3A = arith.constant 0 : i32
    %parallel_loop3A_16 = arith.constant 6250 : i32
    %parallel_loop3A_17 = arith.constant 1 : i32
    scf.for %parallel_loop3A_493 = %parallel_loop3A to %parallel_loop3A_16 step %parallel_loop3A_17  : i32 {
      %parallel_loop3A_494 = arith.constant 16 : i32
      %parallel_loop3A_495 = arith.muli %parallel_loop3A_493, %parallel_loop3A_494 : i32
      %parallel_loop3A_496 = arith.index_cast %parallel_loop3A_495 : i32 to index
      %parallel_loop3A_497 = tpu.vector_load %arg5[%parallel_loop3A_496] {strides = array<i32>} : memref<100000xf32, #tpu.memory_space<vmem>>, vector<16xf32>,
      %parallel_loop3A_498 = tpu.bitcast %parallel_loop3A_497 : vector<16xf32> -> vector<16xi32>
      %parallel_loop3A_499 = tpu.bitcast %parallel_loop3A_497 : vector<16xf32> -> vector<16xi32>
      %parallel_loop3A_500 = arith.constant 31 : i32
      %parallel_loop3A_501 = vector.broadcast %parallel_loop3A_500 : i32 to vector<16xi32>
      %parallel_loop3A_502 = arith.shrsi %parallel_loop3A_499, %parallel_loop3A_501 : vector<16xi32>
      %parallel_loop3A_503 = tpu.bitcast %parallel_loop3A_502 : vector<16xi32> -> vector<16xi32>
      %parallel_loop3A_504 = arith.constant -2147483648 : i32
      %parallel_loop3A_505 = vector.broadcast %parallel_loop3A_504 : i32 to vector<16xi32>
      %parallel_loop3A_506 = arith.ori %parallel_loop3A_503, %parallel_loop3A_505 : vector<16xi32>
      %parallel_loop3A_507 = arith.xori %parallel_loop3A_498, %parallel_loop3A_506 : vector<16xi32>
      %parallel_loop3A_508 = arith.constant 24 : i32
      %parallel_loop3A_509 = vector.broadcast %parallel_loop3A_508 : i32 to vector<16xi32>
      %parallel_loop3A_510 = arith.shrui %parallel_loop3A_507, %parallel_loop3A_509 : vector<16xi32>
      %parallel_loop3A_511 = tpu.bitcast %parallel_loop3A_510 : vector<16xi32> -> vector<16xi32>
      %parallel_loop3A_512 = arith.constant 16 : i32
      %parallel_loop3A_513 = vector.broadcast %parallel_loop3A_512 : i32 to vector<16xi32>
      %parallel_loop3A_514 = arith.muli %parallel_loop3A_511, %parallel_loop3A_513 : vector<16xi32>
      %parallel_loop3A_515 = arith.addi %parallel_loop3A_514, %iota3A : vector<16xi32>
      tpu.vector_store_idx %arg6[%parallel_loop3A_515], %broadcast_in_dim3A_1 {add = true} : memref<4096xf32, #tpu.memory_space<vmem>>[vector<16xi32>], vector<16xf32>,
    } {sc.loop_unroll_factor = 10 : i64, sc.parallel_access}
    %broadcast_in_dim3A_18 = vector.broadcast %add3A_9 : i32 to vector<16xi32>
    %gather3A = tpu.vector_load_idx %arg7[%broadcast_in_dim3A_18] : memref<64xi32, #tpu.memory_space<vmem>>[vector<16xi32>], vector<16xi32>,
    %gather3A_19 = tpu.vector_load_idx %arg5[%gather3A] : memref<100000xf32, #tpu.memory_space<vmem>>[vector<16xi32>], vector<16xf32>,
    %bitcast_convert_type3A = tpu.bitcast %gather3A_19 : vector<16xf32> -> vector<16xi32>
    %bitcast_convert_type3A_20 = tpu.bitcast %gather3A_19 : vector<16xf32> -> vector<16xi32>
    %broadcast_in_dim3A_21 = arith.constant 31 : i32
    %broadcast_in_dim3A_22 = vector.broadcast %broadcast_in_dim3A_21 : i32 to vector<16xi32>
    %shift_right_arithmetic3A = arith.shrsi %bitcast_convert_type3A_20, %broadcast_in_dim3A_22 : vector<16xi32>
    %bitcast_convert_type3A_23 = tpu.bitcast %shift_right_arithmetic3A : vector<16xi32> -> vector<16xi32>
    %broadcast_in_dim3A_24 = arith.constant -2147483648 : i32
    %broadcast_in_dim3A_25 = vector.broadcast %broadcast_in_dim3A_24 : i32 to vector<16xi32>
    %or3A = arith.ori %bitcast_convert_type3A_23, %broadcast_in_dim3A_25 : vector<16xi32>
    %xor3A = arith.xori %bitcast_convert_type3A, %or3A : vector<16xi32>
    %while3A = arith.constant 1.000000e+03 : f32
    %while3A_26 = arith.constant 255 : i32
    %while3A_27 = arith.constant 0.000000e+00 : f32
    %while3A_28 = arith.constant 0.000000e+00 : f32
    %while3A_29:3 = scf.while (%while3A_493 = %while3A_26, %while3A_494 = %while3A_27, %while3A_495 = %while3A_28) : (i32, f32, f32) -> (i32, f32, f32) {
      %lt3A = arith.cmpf olt, %while3A_494, %while3A : f32
      %ge3A_496 = arith.constant 0 : i32
      %ge3A_497 = arith.cmpi sge, %while3A_493, %ge3A_496 : i32
      %and3A = arith.andi %lt3A, %ge3A_497 : i1
      scf.condition(%and3A) %while3A_493, %while3A_494, %while3A_495 : i32, f32, f32
    } do {
    ^bb0(%while3A_493: i32, %while3A_494: f32, %while3A_495: f32):
      %mul3A_496 = arith.constant 16 : i32
      %mul3A_497 = arith.muli %while3A_493, %mul3A_496 : i32
      %get3A = arith.index_cast %mul3A_497 : i32 to index
      %get3A_498 = tpu.vector_load %arg6[%get3A] {strides = array<i32>} : memref<4096xf32, #tpu.memory_space<vmem>>, vector<16xf32>,
      %reduce_sum3A_499 = arith.constant true
      %reduce_sum3A_500 = vector.broadcast %reduce_sum3A_499 : i1 to vector<16xi1>
      %reduce_sum3A_501 = tpu.scan <sum>, %get3A_498 masked %reduce_sum3A_500 : vector<16xf32>, vector<16xi1> -> vector<16xf32>
      %reduce_sum3A_502 = vector.extract %reduce_sum3A_501[15] : f32 from vector<16xf32>
      %sub3A_503 = arith.constant 1 : i32
      %sub3A_504 = arith.subi %while3A_493, %sub3A_503 : i32
      %add3A_505 = arith.addf %while3A_494, %reduce_sum3A_502 : f32
      scf.yield %sub3A_504, %add3A_505, %while3A_494 : i32, f32, f32
    }
    %add3A_30 = arith.constant 1 : i32
    %add3A_31 = arith.addi %while3A_29#0, %add3A_30 : i32
    %broadcast_in_dim3A_32 = vector.broadcast %add3A_31 : i32 to vector<16xi32>
    %sub3A = arith.constant 1.000000e+03 : f32
    %sub3A_33 = arith.subf %sub3A, %while3A_29#2 : f32
    %broadcast_in_dim3A_34 = arith.constant 0 : i32
    %broadcast_in_dim3A_35 = vector.broadcast %broadcast_in_dim3A_34 : i32 to vector<16xi32>
    %parallel_loop3A_36 = arith.constant 0 : i32
    %parallel_loop3A_37 = arith.constant 6250 : i32
    %parallel_loop3A_38 = arith.constant 1 : i32
    %parallel_loop3A_39 = scf.for %parallel_loop3A_493 = %parallel_loop3A_36 to %parallel_loop3A_37 step %parallel_loop3A_38 iter_args(%parallel_loop3A_494 = %broadcast_in_dim3A_35) -> (vector<16xi32>)  : i32 {
      %parallel_loop3A_495 = arith.constant 16 : i32
      %parallel_loop3A_496 = arith.muli %parallel_loop3A_493, %parallel_loop3A_495 : i32
      %parallel_loop3A_497 = arith.index_cast %parallel_loop3A_496 : i32 to index
      %parallel_loop3A_498 = tpu.vector_load %arg5[%parallel_loop3A_497] {strides = array<i32>} : memref<100000xf32, #tpu.memory_space<vmem>>, vector<16xf32>,
      %parallel_loop3A_499 = tpu.bitcast %parallel_loop3A_498 : vector<16xf32> -> vector<16xi32>
      %parallel_loop3A_500 = tpu.bitcast %parallel_loop3A_498 : vector<16xf32> -> vector<16xi32>
      %parallel_loop3A_501 = arith.constant 31 : i32
      %parallel_loop3A_502 = vector.broadcast %parallel_loop3A_501 : i32 to vector<16xi32>
      %parallel_loop3A_503 = arith.shrsi %parallel_loop3A_500, %parallel_loop3A_502 : vector<16xi32>
      %parallel_loop3A_504 = tpu.bitcast %parallel_loop3A_503 : vector<16xi32> -> vector<16xi32>
      %parallel_loop3A_505 = arith.constant -2147483648 : i32
      %parallel_loop3A_506 = vector.broadcast %parallel_loop3A_505 : i32 to vector<16xi32>
      %parallel_loop3A_507 = arith.ori %parallel_loop3A_504, %parallel_loop3A_506 : vector<16xi32>
      %parallel_loop3A_508 = arith.xori %parallel_loop3A_499, %parallel_loop3A_507 : vector<16xi32>
      %parallel_loop3A_509 = arith.constant 24 : i32
      %parallel_loop3A_510 = vector.broadcast %parallel_loop3A_509 : i32 to vector<16xi32>
      %parallel_loop3A_511 = arith.shrui %parallel_loop3A_508, %parallel_loop3A_510 : vector<16xi32>
      %parallel_loop3A_512 = arith.cmpi uge, %parallel_loop3A_511, %broadcast_in_dim3A_32 : vector<16xi32>
      %parallel_loop3A_513 = arith.extui %parallel_loop3A_512 : vector<16xi1> to vector<16xi32>
      %parallel_loop3A_514 = arith.constant true
      %parallel_loop3A_515 = vector.broadcast %parallel_loop3A_514 : i1 to vector<16xi1>
      %parallel_loop3A_516 = tpu.scan <sum>, %parallel_loop3A_513 masked %parallel_loop3A_515 : vector<16xi32>, vector<16xi1> -> vector<16xi32>
      %parallel_loop3A_517 = arith.addi %parallel_loop3A_494, %parallel_loop3A_516 : vector<16xi32>
      %parallel_loop3A_518 = arith.subi %parallel_loop3A_517, %parallel_loop3A_513 : vector<16xi32>
      tpu.vector_store_idx %arg5[%parallel_loop3A_518], %parallel_loop3A_498 masked %parallel_loop3A_512 : memref<100000xf32, #tpu.memory_space<vmem>>[vector<16xi32>], vector<16xf32>, vector<16xi1>
      %parallel_loop3A_519 = tpu.all_reduce %parallel_loop3A_512 {dim = 0 : i64, kind = #tpu.reduction_kind<sum>} : vector<16xi1> -> vector<16xi32>
      %parallel_loop3A_520 = arith.addi %parallel_loop3A_494, %parallel_loop3A_519 : vector<16xi32>
      scf.yield %parallel_loop3A_520 : vector<16xi32>
    } {sc.loop_unroll_factor = 10 : i64, sc.parallel_access}
    %reduce_max3A = arith.constant true
    %reduce_max3A_40 = vector.broadcast %reduce_max3A : i1 to vector<16xi1>
    %reduce_max3A_41 = arith.constant -2147483648 : i32
    %reduce_max3A_42 = vector.broadcast %reduce_max3A_41 : i32 to vector<16xi32>
    %reduce_max3A_43 = arith.xori %parallel_loop3A_39, %reduce_max3A_42 : vector<16xi32>
    %reduce_max3A_44 = tpu.scan <max>, %reduce_max3A_43 masked %reduce_max3A_40 : vector<16xi32>, vector<16xi1> -> vector<16xi32>
    %reduce_max3A_45 = arith.xori %reduce_max3A_44, %reduce_max3A_42 : vector<16xi32>
    %reduce_max3A_46 = vector.extract %reduce_max3A_45[15] : i32 from vector<16xi32>
    %add3A_47 = arith.constant 15 : i32
    %add3A_48 = arith.addi %reduce_max3A_46, %add3A_47 : i32
    %div3A = arith.constant 16 : i32
    %div3A_49 = arith.divsi %add3A_48, %div3A : i32
    %broadcast_in_dim3A_50 = arith.constant -2147483648 : i32
    %broadcast_in_dim3A_51 = vector.broadcast %broadcast_in_dim3A_50 : i32 to vector<16xi32>
    %while3A_52 = arith.constant 0 : i32
    %while3A_53 = arith.subi %div3A_49, %while3A_52 : i32
    %while3A_54 = arith.addi %while3A_52, %while3A_53 : i32
    %while3A_55 = arith.constant 1 : i32
    %while3A_56 = arith.divsi %while3A_53, %while3A_55 : i32
    %while3A_57 = arith.muli %while3A_56, %while3A_55 : i32
    %while3A_58 = arith.addi %while3A_52, %while3A_57 : i32
    %while3A_59 = arith.constant 1 : i32
    %while3A_60 = scf.for %while3A_493 = %while3A_52 to %while3A_58 step %while3A_59 iter_args(%while3A_494 = %broadcast_in_dim3A_51) -> (vector<16xi32>)  : i32 {
      %mul3A_495 = arith.constant 16 : i32
      %mul3A_496 = arith.muli %while3A_493, %mul3A_495 : i32
      %get3A = arith.index_cast %mul3A_496 : i32 to index
      %get3A_497 = tpu.vector_load %arg5[%get3A] {strides = array<i32>} : memref<100000xf32, #tpu.memory_space<vmem>>, vector<16xf32>,
      %bitcast_convert_type3A_498 = tpu.bitcast %get3A_497 : vector<16xf32> -> vector<16xi32>
      %bitcast_convert_type3A_499 = tpu.bitcast %get3A_497 : vector<16xf32> -> vector<16xi32>
      %broadcast_in_dim3A_500 = arith.constant 31 : i32
      %broadcast_in_dim3A_501 = vector.broadcast %broadcast_in_dim3A_500 : i32 to vector<16xi32>
      %shift_right_arithmetic3A_502 = arith.shrsi %bitcast_convert_type3A_499, %broadcast_in_dim3A_501 : vector<16xi32>
      %bitcast_convert_type3A_503 = tpu.bitcast %shift_right_arithmetic3A_502 : vector<16xi32> -> vector<16xi32>
      %broadcast_in_dim3A_504 = arith.constant -2147483648 : i32
      %broadcast_in_dim3A_505 = vector.broadcast %broadcast_in_dim3A_504 : i32 to vector<16xi32>
      %or3A_506 = arith.ori %bitcast_convert_type3A_503, %broadcast_in_dim3A_505 : vector<16xi32>
      %xor3A_507 = arith.xori %bitcast_convert_type3A_498, %or3A_506 : vector<16xi32>
      %broadcast_in_dim3A_508 = arith.constant -2147483648 : i32
      %broadcast_in_dim3A_509 = vector.broadcast %broadcast_in_dim3A_508 : i32 to vector<16xi32>
      %xor3A_510 = arith.xori %xor3A_507, %broadcast_in_dim3A_509 : vector<16xi32>
      %bitcast_convert_type3A_511 = tpu.bitcast %xor3A_510 : vector<16xi32> -> vector<16xi32>
      %mul3A_512 = arith.constant 16 : i32
      %mul3A_513 = arith.muli %while3A_493, %mul3A_512 : i32
      %add3A_514 = vector.broadcast %mul3A_513 : i32 to vector<16xi32>
      %add3A_515 = arith.addi %add3A_514, %iota3A : vector<16xi32>
      %lt3A = vector.broadcast %reduce_max3A_46 : i32 to vector<16xi32>
      %lt3A_516 = arith.cmpi slt, %add3A_515, %lt3A : vector<16xi32>
      %broadcast_in_dim3A_517 = arith.constant -2147483648 : i32
      %broadcast_in_dim3A_518 = vector.broadcast %broadcast_in_dim3A_517 : i32 to vector<16xi32>
      %select_n3A_519 = arith.select %lt3A_516, %bitcast_convert_type3A_511, %broadcast_in_dim3A_518 : vector<16xi1>, vector<16xi32>
      %max3A = arith.maxsi %while3A_494, %select_n3A_519 : vector<16xi32>
      scf.yield %max3A : vector<16xi32>
    }
    %while3A_61 = arith.constant 1 : i32
    %while3A_62 = scf.for %while3A_493 = %while3A_58 to %while3A_54 step %while3A_61 iter_args(%while3A_494 = %while3A_60) -> (vector<16xi32>)  : i32 {
      %mul3A_495 = arith.constant 16 : i32
      %mul3A_496 = arith.muli %while3A_493, %mul3A_495 : i32
      %get3A = arith.index_cast %mul3A_496 : i32 to index
      %get3A_497 = tpu.vector_load %arg5[%get3A] {strides = array<i32>} : memref<100000xf32, #tpu.memory_space<vmem>>, vector<16xf32>,
      %bitcast_convert_type3A_498 = tpu.bitcast %get3A_497 : vector<16xf32> -> vector<16xi32>
      %bitcast_convert_type3A_499 = tpu.bitcast %get3A_497 : vector<16xf32> -> vector<16xi32>
      %broadcast_in_dim3A_500 = arith.constant 31 : i32
      %broadcast_in_dim3A_501 = vector.broadcast %broadcast_in_dim3A_500 : i32 to vector<16xi32>
      %shift_right_arithmetic3A_502 = arith.shrsi %bitcast_convert_type3A_499, %broadcast_in_dim3A_501 : vector<16xi32>
      %bitcast_convert_type3A_503 = tpu.bitcast %shift_right_arithmetic3A_502 : vector<16xi32> -> vector<16xi32>
      %broadcast_in_dim3A_504 = arith.constant -2147483648 : i32
      %broadcast_in_dim3A_505 = vector.broadcast %broadcast_in_dim3A_504 : i32 to vector<16xi32>
      %or3A_506 = arith.ori %bitcast_convert_type3A_503, %broadcast_in_dim3A_505 : vector<16xi32>
      %xor3A_507 = arith.xori %bitcast_convert_type3A_498, %or3A_506 : vector<16xi32>
      %broadcast_in_dim3A_508 = arith.constant -2147483648 : i32
      %broadcast_in_dim3A_509 = vector.broadcast %broadcast_in_dim3A_508 : i32 to vector<16xi32>
      %xor3A_510 = arith.xori %xor3A_507, %broadcast_in_dim3A_509 : vector<16xi32>
      %bitcast_convert_type3A_511 = tpu.bitcast %xor3A_510 : vector<16xi32> -> vector<16xi32>
      %mul3A_512 = arith.constant 16 : i32
      %mul3A_513 = arith.muli %while3A_493, %mul3A_512 : i32
      %add3A_514 = vector.broadcast %mul3A_513 : i32 to vector<16xi32>
      %add3A_515 = arith.addi %add3A_514, %iota3A : vector<16xi32>
      %lt3A = vector.broadcast %reduce_max3A_46 : i32 to vector<16xi32>
      %lt3A_516 = arith.cmpi slt, %add3A_515, %lt3A : vector<16xi32>
      %broadcast_in_dim3A_517 = arith.constant -2147483648 : i32
      %broadcast_in_dim3A_518 = vector.broadcast %broadcast_in_dim3A_517 : i32 to vector<16xi32>
      %select_n3A_519 = arith.select %lt3A_516, %bitcast_convert_type3A_511, %broadcast_in_dim3A_518 : vector<16xi1>, vector<16xi32>
      %max3A = arith.maxsi %while3A_494, %select_n3A_519 : vector<16xi32>
      scf.yield %max3A : vector<16xi32>
    }
    %reduce_max3A_63 = arith.constant true
    %reduce_max3A_64 = vector.broadcast %reduce_max3A_63 : i1 to vector<16xi1>
    %reduce_max3A_65 = arith.constant -2147483648 : i32
    %reduce_max3A_66 = vector.broadcast %reduce_max3A_65 : i32 to vector<16xi32>
    %reduce_max3A_67 = arith.xori %while3A_62, %reduce_max3A_66 : vector<16xi32>
    %reduce_max3A_68 = tpu.scan <max>, %reduce_max3A_67 masked %reduce_max3A_64 : vector<16xi32>, vector<16xi1> -> vector<16xi32>
    %reduce_max3A_69 = arith.xori %reduce_max3A_68, %reduce_max3A_66 : vector<16xi32>
    %reduce_max3A_70 = vector.extract %reduce_max3A_69[15] : i32 from vector<16xi32>
    %broadcast_in_dim3A_71 = vector.broadcast %reduce_max3A_70 : i32 to vector<16xi32>
    %bitcast_convert_type3A_72 = tpu.bitcast %broadcast_in_dim3A_71 : vector<16xi32> -> vector<16xi32>
    %broadcast_in_dim3A_73 = arith.constant -2147483648 : i32
    %broadcast_in_dim3A_74 = vector.broadcast %broadcast_in_dim3A_73 : i32 to vector<16xi32>
    %xor3A_75 = arith.xori %bitcast_convert_type3A_72, %broadcast_in_dim3A_74 : vector<16xi32>
    %broadcast_in_dim3A_76 = arith.constant -2147483648 : i32
    %broadcast_in_dim3A_77 = vector.broadcast %broadcast_in_dim3A_76 : i32 to vector<16xi32>
    %ge3A = arith.cmpi uge, %xor3A_75, %broadcast_in_dim3A_77 : vector<16xi32>
    %broadcast_in_dim3A_78 = arith.constant -2147483648 : i32
    %broadcast_in_dim3A_79 = vector.broadcast %broadcast_in_dim3A_78 : i32 to vector<16xi32>
    %xor3A_80 = arith.xori %xor3A_75, %broadcast_in_dim3A_79 : vector<16xi32>
    %not3A = arith.constant dense<-1> : vector<16xi32>
    %not3A_81 = arith.xori %xor3A_75, %not3A : vector<16xi32>
    %select_n3A = arith.select %ge3A, %xor3A_80, %not3A_81 : vector<16xi1>, vector<16xi32>
    %bitcast_convert_type3A_82 = tpu.bitcast %select_n3A : vector<16xi32> -> vector<16xf32>
    %scan3A_83 = arith.constant 0 : i32
    %scan3A_84 = arith.constant 0 : i32
    %scan3A_85 = arith.constant 256 : i32
    %scan3A_86 = arith.addi %scan3A_84, %scan3A_85 : i32
    %scan3A_87 = arith.constant 8 : i32
    %scan3A_88 = scf.for %scan3A_493 = %scan3A_84 to %scan3A_86 step %scan3A_87 iter_args(%scan3A_494 = %scan3A_83) -> (i32)  : i32 {
      %mul3A_495 = arith.constant 16 : i32
      %mul3A_496 = arith.muli %scan3A_493, %mul3A_495 : i32
      %swap3A_497 = arith.index_cast %mul3A_496 : i32 to index
      %swap3A_498 = tpu.vector_load %arg6[%swap3A_497] {strides = array<i32>} : memref<4096xf32, #tpu.memory_space<vmem>>, vector<16xf32>,
      tpu.vector_store %arg6[%swap3A_497], %broadcast_in_dim3A_3 {strides = array<i32>} : memref<4096xf32, #tpu.memory_space<vmem>>, vector<16xf32>,
      %scan3A_499 = arith.constant 0 : i32
      %scan3A_500 = arith.constant 1 : i32
      %scan3A_501 = arith.addi %scan3A_493, %scan3A_500 : i32
      %mul3A_502 = arith.constant 16 : i32
      %mul3A_503 = arith.muli %scan3A_501, %mul3A_502 : i32
      %swap3A_504 = arith.index_cast %mul3A_503 : i32 to index
      %swap3A_505 = tpu.vector_load %arg6[%swap3A_504] {strides = array<i32>} : memref<4096xf32, #tpu.memory_space<vmem>>, vector<16xf32>,
      tpu.vector_store %arg6[%swap3A_504], %broadcast_in_dim3A_3 {strides = array<i32>} : memref<4096xf32, #tpu.memory_space<vmem>>, vector<16xf32>,
      %scan3A_506 = arith.constant 0 : i32
      %scan3A_507 = arith.constant 2 : i32
      %scan3A_508 = arith.addi %scan3A_493, %scan3A_507 : i32
      %mul3A_509 = arith.constant 16 : i32
      %mul3A_510 = arith.muli %scan3A_508, %mul3A_509 : i32
      %swap3A_511 = arith.index_cast %mul3A_510 : i32 to index
      %swap3A_512 = tpu.vector_load %arg6[%swap3A_511] {strides = array<i32>} : memref<4096xf32, #tpu.memory_space<vmem>>, vector<16xf32>,
      tpu.vector_store %arg6[%swap3A_511], %broadcast_in_dim3A_3 {strides = array<i32>} : memref<4096xf32, #tpu.memory_space<vmem>>, vector<16xf32>,
      %scan3A_513 = arith.constant 0 : i32
      %scan3A_514 = arith.constant 3 : i32
      %scan3A_515 = arith.addi %scan3A_493, %scan3A_514 : i32
      %mul3A_516 = arith.constant 16 : i32
      %mul3A_517 = arith.muli %scan3A_515, %mul3A_516 : i32
      %swap3A_518 = arith.index_cast %mul3A_517 : i32 to index
      %swap3A_519 = tpu.vector_load %arg6[%swap3A_518] {strides = array<i32>} : memref<4096xf32, #tpu.memory_space<vmem>>, vector<16xf32>,
      tpu.vector_store %arg6[%swap3A_518], %broadcast_in_dim3A_3 {strides = array<i32>} : memref<4096xf32, #tpu.memory_space<vmem>>, vector<16xf32>,
      %scan3A_520 = arith.constant 0 : i32
      %scan3A_521 = arith.constant 4 : i32
      %scan3A_522 = arith.addi %scan3A_493, %scan3A_521 : i32
      %mul3A_523 = arith.constant 16 : i32
      %mul3A_524 = arith.muli %scan3A_522, %mul3A_523 : i32
      %swap3A_525 = arith.index_cast %mul3A_524 : i32 to index
      %swap3A_526 = tpu.vector_load %arg6[%swap3A_525] {strides = array<i32>} : memref<4096xf32, #tpu.memory_space<vmem>>, vector<16xf32>,
      tpu.vector_store %arg6[%swap3A_525], %broadcast_in_dim3A_3 {strides = array<i32>} : memref<4096xf32, #tpu.memory_space<vmem>>, vector<16xf32>,
      %scan3A_527 = arith.constant 0 : i32
      %scan3A_528 = arith.constant 5 : i32
      %scan3A_529 = arith.addi %scan3A_493, %scan3A_528 : i32
      %mul3A_530 = arith.constant 16 : i32
      %mul3A_531 = arith.muli %scan3A_529, %mul3A_530 : i32
      %swap3A_532 = arith.index_cast %mul3A_531 : i32 to index
      %swap3A_533 = tpu.vector_load %arg6[%swap3A_532] {strides = array<i32>} : memref<4096xf32, #tpu.memory_space<vmem>>, vector<16xf32>,
      tpu.vector_store %arg6[%swap3A_532], %broadcast_in_dim3A_3 {strides = array<i32>} : memref<4096xf32, #tpu.memory_space<vmem>>, vector<16xf32>,
      %scan3A_534 = arith.constant 0 : i32
      %scan3A_535 = arith.constant 6 : i32
      %scan3A_536 = arith.addi %scan3A_493, %scan3A_535 : i32
      %mul3A_537 = arith.constant 16 : i32
      %mul3A_538 = arith.muli %scan3A_536, %mul3A_537 : i32
      %swap3A_539 = arith.index_cast %mul3A_538 : i32 to index
      %swap3A_540 = tpu.vector_load %arg6[%swap3A_539] {strides = array<i32>} : memref<4096xf32, #tpu.memory_space<vmem>>, vector<16xf32>,
      tpu.vector_store %arg6[%swap3A_539], %broadcast_in_dim3A_3 {strides = array<i32>} : memref<4096xf32, #tpu.memory_space<vmem>>, vector<16xf32>,
      %scan3A_541 = arith.constant 0 : i32
      %scan3A_542 = arith.constant 7 : i32
      %scan3A_543 = arith.addi %scan3A_493, %scan3A_542 : i32
      %mul3A_544 = arith.constant 16 : i32
      %mul3A_545 = arith.muli %scan3A_543, %mul3A_544 : i32
      %swap3A_546 = arith.index_cast %mul3A_545 : i32 to index
      %swap3A_547 = tpu.vector_load %arg6[%swap3A_546] {strides = array<i32>} : memref<4096xf32, #tpu.memory_space<vmem>>, vector<16xf32>,
      tpu.vector_store %arg6[%swap3A_546], %broadcast_in_dim3A_3 {strides = array<i32>} : memref<4096xf32, #tpu.memory_space<vmem>>, vector<16xf32>,
      %scan3A_548 = arith.constant 0 : i32
      scf.yield %scan3A_548 : i32
    }
    %scan3A_89 = arith.constant 256 : i32
    %while3A_90 = arith.constant 0 : i32
    %while3A_91 = arith.constant 0 : i32
    %while3A_92 = arith.subi %div3A_49, %while3A_90 : i32
    %while3A_93 = arith.addi %while3A_90, %while3A_92 : i32
    %while3A_94 = arith.constant 1 : i32
    %while3A_95 = arith.divsi %while3A_92, %while3A_94 : i32
    %while3A_96 = arith.muli %while3A_95, %while3A_94 : i32
    %while3A_97 = arith.addi %while3A_90, %while3A_96 : i32
    %while3A_98 = arith.constant 1 : i32
    %while3A_99 = scf.for %while3A_493 = %while3A_90 to %while3A_97 step %while3A_98 iter_args(%while3A_494 = %while3A_91) -> (i32)  : i32 {
      %mul3A_495 = arith.constant 16 : i32
      %mul3A_496 = arith.muli %while3A_493, %mul3A_495 : i32
      %get3A = arith.index_cast %mul3A_496 : i32 to index
      %get3A_497 = tpu.vector_load %arg5[%get3A] {strides = array<i32>} : memref<100000xf32, #tpu.memory_space<vmem>>, vector<16xf32>,
      %bitcast_convert_type3A_498 = tpu.bitcast %get3A_497 : vector<16xf32> -> vector<16xi32>
      %bitcast_convert_type3A_499 = tpu.bitcast %get3A_497 : vector<16xf32> -> vector<16xi32>
      %broadcast_in_dim3A_500 = arith.constant 31 : i32
      %broadcast_in_dim3A_501 = vector.broadcast %broadcast_in_dim3A_500 : i32 to vector<16xi32>
      %shift_right_arithmetic3A_502 = arith.shrsi %bitcast_convert_type3A_499, %broadcast_in_dim3A_501 : vector<16xi32>
      %bitcast_convert_type3A_503 = tpu.bitcast %shift_right_arithmetic3A_502 : vector<16xi32> -> vector<16xi32>
      %broadcast_in_dim3A_504 = arith.constant -2147483648 : i32
      %broadcast_in_dim3A_505 = vector.broadcast %broadcast_in_dim3A_504 : i32 to vector<16xi32>
      %or3A_506 = arith.ori %bitcast_convert_type3A_503, %broadcast_in_dim3A_505 : vector<16xi32>
      %xor3A_507 = arith.xori %bitcast_convert_type3A_498, %or3A_506 : vector<16xi32>
      %mul3A_508 = arith.constant 16 : i32
      %mul3A_509 = arith.muli %while3A_493, %mul3A_508 : i32
      %add3A_510 = vector.broadcast %mul3A_509 : i32 to vector<16xi32>
      %add3A_511 = arith.addi %add3A_510, %iota3A : vector<16xi32>
      %lt3A = vector.broadcast %reduce_max3A_46 : i32 to vector<16xi32>
      %lt3A_512 = arith.cmpi slt, %add3A_511, %lt3A : vector<16xi32>
      %broadcast_in_dim3A_513 = arith.constant 24 : i32
      %broadcast_in_dim3A_514 = vector.broadcast %broadcast_in_dim3A_513 : i32 to vector<16xi32>
      %shift_right_logical3A = arith.shrui %xor3A_507, %broadcast_in_dim3A_514 : vector<16xi32>
      %eq3A_515 = arith.cmpi eq, %shift_right_logical3A, %broadcast_in_dim3A_32 : vector<16xi32>
      %broadcast_in_dim3A_516 = arith.constant 16 : i32
      %broadcast_in_dim3A_517 = vector.broadcast %broadcast_in_dim3A_516 : i32 to vector<16xi32>
      %shift_right_logical3A_518 = arith.shrui %xor3A_507, %broadcast_in_dim3A_517 : vector<16xi32>
      %broadcast_in_dim3A_519 = arith.constant 255 : i32
      %broadcast_in_dim3A_520 = vector.broadcast %broadcast_in_dim3A_519 : i32 to vector<16xi32>
      %and3A = arith.andi %shift_right_logical3A_518, %broadcast_in_dim3A_520 : vector<16xi32>
      %bitcast_convert_type3A_521 = tpu.bitcast %and3A : vector<16xi32> -> vector<16xi32>
      %mul3A_522 = arith.constant 16 : i32
      %mul3A_523 = vector.broadcast %mul3A_522 : i32 to vector<16xi32>
      %mul3A_524 = arith.muli %bitcast_convert_type3A_521, %mul3A_523 : vector<16xi32>
      %add3A_525 = arith.addi %mul3A_524, %iota3A : vector<16xi32>
      %and3A_526 = arith.andi %lt3A_512, %eq3A_515 : vector<16xi1>
      tpu.vector_store_idx %arg6[%add3A_525], %broadcast_in_dim3A_1 masked %and3A_526 {add = true} : memref<4096xf32, #tpu.memory_space<vmem>>[vector<16xi32>], vector<16xf32>, vector<16xi1>
      %while3A_527 = arith.constant 0 : i32
      scf.yield %while3A_527 : i32
    }
    %while3A_100 = arith.constant 1 : i32
    %while3A_101 = scf.for %while3A_493 = %while3A_97 to %while3A_93 step %while3A_100 iter_args(%while3A_494 = %while3A_99) -> (i32)  : i32 {
      %mul3A_495 = arith.constant 16 : i32
      %mul3A_496 = arith.muli %while3A_493, %mul3A_495 : i32
      %get3A = arith.index_cast %mul3A_496 : i32 to index
      %get3A_497 = tpu.vector_load %arg5[%get3A] {strides = array<i32>} : memref<100000xf32, #tpu.memory_space<vmem>>, vector<16xf32>,
      %bitcast_convert_type3A_498 = tpu.bitcast %get3A_497 : vector<16xf32> -> vector<16xi32>
      %bitcast_convert_type3A_499 = tpu.bitcast %get3A_497 : vector<16xf32> -> vector<16xi32>
      %broadcast_in_dim3A_500 = arith.constant 31 : i32
      %broadcast_in_dim3A_501 = vector.broadcast %broadcast_in_dim3A_500 : i32 to vector<16xi32>
      %shift_right_arithmetic3A_502 = arith.shrsi %bitcast_convert_type3A_499, %broadcast_in_dim3A_501 : vector<16xi32>
      %bitcast_convert_type3A_503 = tpu.bitcast %shift_right_arithmetic3A_502 : vector<16xi32> -> vector<16xi32>
      %broadcast_in_dim3A_504 = arith.constant -2147483648 : i32
      %broadcast_in_dim3A_505 = vector.broadcast %broadcast_in_dim3A_504 : i32 to vector<16xi32>
      %or3A_506 = arith.ori %bitcast_convert_type3A_503, %broadcast_in_dim3A_505 : vector<16xi32>
      %xor3A_507 = arith.xori %bitcast_convert_type3A_498, %or3A_506 : vector<16xi32>
      %mul3A_508 = arith.constant 16 : i32
      %mul3A_509 = arith.muli %while3A_493, %mul3A_508 : i32
      %add3A_510 = vector.broadcast %mul3A_509 : i32 to vector<16xi32>
      %add3A_511 = arith.addi %add3A_510, %iota3A : vector<16xi32>
      %lt3A = vector.broadcast %reduce_max3A_46 : i32 to vector<16xi32>
      %lt3A_512 = arith.cmpi slt, %add3A_511, %lt3A : vector<16xi32>
      %broadcast_in_dim3A_513 = arith.constant 24 : i32
      %broadcast_in_dim3A_514 = vector.broadcast %broadcast_in_dim3A_513 : i32 to vector<16xi32>
      %shift_right_logical3A = arith.shrui %xor3A_507, %broadcast_in_dim3A_514 : vector<16xi32>
      %eq3A_515 = arith.cmpi eq, %shift_right_logical3A, %broadcast_in_dim3A_32 : vector<16xi32>
      %broadcast_in_dim3A_516 = arith.constant 16 : i32
      %broadcast_in_dim3A_517 = vector.broadcast %broadcast_in_dim3A_516 : i32 to vector<16xi32>
      %shift_right_logical3A_518 = arith.shrui %xor3A_507, %broadcast_in_dim3A_517 : vector<16xi32>
      %broadcast_in_dim3A_519 = arith.constant 255 : i32
      %broadcast_in_dim3A_520 = vector.broadcast %broadcast_in_dim3A_519 : i32 to vector<16xi32>
      %and3A = arith.andi %shift_right_logical3A_518, %broadcast_in_dim3A_520 : vector<16xi32>
      %bitcast_convert_type3A_521 = tpu.bitcast %and3A : vector<16xi32> -> vector<16xi32>
      %mul3A_522 = arith.constant 16 : i32
      %mul3A_523 = vector.broadcast %mul3A_522 : i32 to vector<16xi32>
      %mul3A_524 = arith.muli %bitcast_convert_type3A_521, %mul3A_523 : vector<16xi32>
      %add3A_525 = arith.addi %mul3A_524, %iota3A : vector<16xi32>
      %and3A_526 = arith.andi %lt3A_512, %eq3A_515 : vector<16xi1>
      tpu.vector_store_idx %arg6[%add3A_525], %broadcast_in_dim3A_1 masked %and3A_526 {add = true} : memref<4096xf32, #tpu.memory_space<vmem>>[vector<16xi32>], vector<16xf32>, vector<16xi1>
      %while3A_527 = arith.constant 0 : i32
      scf.yield %while3A_527 : i32
    }
    %while3A_102 = arith.constant 255 : i32
    %while3A_103 = arith.constant 0.000000e+00 : f32
    %while3A_104 = arith.constant 0.000000e+00 : f32
    %while3A_105:3 = scf.while (%while3A_493 = %while3A_102, %while3A_494 = %while3A_103, %while3A_495 = %while3A_104) : (i32, f32, f32) -> (i32, f32, f32) {
      %lt3A = arith.cmpf olt, %while3A_494, %sub3A_33 : f32
      %ge3A_496 = arith.constant 0 : i32
      %ge3A_497 = arith.cmpi sge, %while3A_493, %ge3A_496 : i32
      %and3A = arith.andi %lt3A, %ge3A_497 : i1
      scf.condition(%and3A) %while3A_493, %while3A_494, %while3A_495 : i32, f32, f32
    } do {
    ^bb0(%while3A_493: i32, %while3A_494: f32, %while3A_495: f32):
      %mul3A_496 = arith.constant 16 : i32
      %mul3A_497 = arith.muli %while3A_493, %mul3A_496 : i32
      %get3A = arith.index_cast %mul3A_497 : i32 to index
      %get3A_498 = tpu.vector_load %arg6[%get3A] {strides = array<i32>} : memref<4096xf32, #tpu.memory_space<vmem>>, vector<16xf32>,
      %reduce_sum3A_499 = arith.constant true
      %reduce_sum3A_500 = vector.broadcast %reduce_sum3A_499 : i1 to vector<16xi1>
      %reduce_sum3A_501 = tpu.scan <sum>, %get3A_498 masked %reduce_sum3A_500 : vector<16xf32>, vector<16xi1> -> vector<16xf32>
      %reduce_sum3A_502 = vector.extract %reduce_sum3A_501[15] : f32 from vector<16xf32>
      %sub3A_503 = arith.constant 1 : i32
      %sub3A_504 = arith.subi %while3A_493, %sub3A_503 : i32
      %add3A_505 = arith.addf %while3A_494, %reduce_sum3A_502 : f32
      scf.yield %sub3A_504, %add3A_505, %while3A_494 : i32, f32, f32
    }
    %add3A_106 = arith.constant 1 : i32
    %add3A_107 = arith.addi %while3A_105#0, %add3A_106 : i32
    %broadcast_in_dim3A_108 = arith.constant 8 : i32
    %broadcast_in_dim3A_109 = vector.broadcast %broadcast_in_dim3A_108 : i32 to vector<16xi32>
    %shift_left3A = arith.shli %broadcast_in_dim3A_32, %broadcast_in_dim3A_109 : vector<16xi32>
    %broadcast_in_dim3A_110 = vector.broadcast %add3A_107 : i32 to vector<16xi32>
    %or3A_111 = arith.ori %shift_left3A, %broadcast_in_dim3A_110 : vector<16xi32>
    %sub3A_112 = arith.subf %sub3A_33, %while3A_105#2 : f32
    %add3A_113 = arith.addf %while3A_29#2, %while3A_105#2 : f32
    %scan3A_114 = arith.constant 0 : i32
    %scan3A_115 = arith.constant 0 : i32
    %scan3A_116 = arith.constant 256 : i32
    %scan3A_117 = arith.addi %scan3A_115, %scan3A_116 : i32
    %scan3A_118 = arith.constant 8 : i32
    %scan3A_119 = scf.for %scan3A_493 = %scan3A_115 to %scan3A_117 step %scan3A_118 iter_args(%scan3A_494 = %scan3A_114) -> (i32)  : i32 {
      %mul3A_495 = arith.constant 16 : i32
      %mul3A_496 = arith.muli %scan3A_493, %mul3A_495 : i32
      %swap3A_497 = arith.index_cast %mul3A_496 : i32 to index
      %swap3A_498 = tpu.vector_load %arg6[%swap3A_497] {strides = array<i32>} : memref<4096xf32, #tpu.memory_space<vmem>>, vector<16xf32>,
      tpu.vector_store %arg6[%swap3A_497], %broadcast_in_dim3A_3 {strides = array<i32>} : memref<4096xf32, #tpu.memory_space<vmem>>, vector<16xf32>,
      %scan3A_499 = arith.constant 0 : i32
      %scan3A_500 = arith.constant 1 : i32
      %scan3A_501 = arith.addi %scan3A_493, %scan3A_500 : i32
      %mul3A_502 = arith.constant 16 : i32
      %mul3A_503 = arith.muli %scan3A_501, %mul3A_502 : i32
      %swap3A_504 = arith.index_cast %mul3A_503 : i32 to index
      %swap3A_505 = tpu.vector_load %arg6[%swap3A_504] {strides = array<i32>} : memref<4096xf32, #tpu.memory_space<vmem>>, vector<16xf32>,
      tpu.vector_store %arg6[%swap3A_504], %broadcast_in_dim3A_3 {strides = array<i32>} : memref<4096xf32, #tpu.memory_space<vmem>>, vector<16xf32>,
      %scan3A_506 = arith.constant 0 : i32
      %scan3A_507 = arith.constant 2 : i32
      %scan3A_508 = arith.addi %scan3A_493, %scan3A_507 : i32
      %mul3A_509 = arith.constant 16 : i32
      %mul3A_510 = arith.muli %scan3A_508, %mul3A_509 : i32
      %swap3A_511 = arith.index_cast %mul3A_510 : i32 to index
      %swap3A_512 = tpu.vector_load %arg6[%swap3A_511] {strides = array<i32>} : memref<4096xf32, #tpu.memory_space<vmem>>, vector<16xf32>,
      tpu.vector_store %arg6[%swap3A_511], %broadcast_in_dim3A_3 {strides = array<i32>} : memref<4096xf32, #tpu.memory_space<vmem>>, vector<16xf32>,
      %scan3A_513 = arith.constant 0 : i32
      %scan3A_514 = arith.constant 3 : i32
      %scan3A_515 = arith.addi %scan3A_493, %scan3A_514 : i32
      %mul3A_516 = arith.constant 16 : i32
      %mul3A_517 = arith.muli %scan3A_515, %mul3A_516 : i32
      %swap3A_518 = arith.index_cast %mul3A_517 : i32 to index
      %swap3A_519 = tpu.vector_load %arg6[%swap3A_518] {strides = array<i32>} : memref<4096xf32, #tpu.memory_space<vmem>>, vector<16xf32>,
      tpu.vector_store %arg6[%swap3A_518], %broadcast_in_dim3A_3 {strides = array<i32>} : memref<4096xf32, #tpu.memory_space<vmem>>, vector<16xf32>,
      %scan3A_520 = arith.constant 0 : i32
      %scan3A_521 = arith.constant 4 : i32
      %scan3A_522 = arith.addi %scan3A_493, %scan3A_521 : i32
      %mul3A_523 = arith.constant 16 : i32
      %mul3A_524 = arith.muli %scan3A_522, %mul3A_523 : i32
      %swap3A_525 = arith.index_cast %mul3A_524 : i32 to index
      %swap3A_526 = tpu.vector_load %arg6[%swap3A_525] {strides = array<i32>} : memref<4096xf32, #tpu.memory_space<vmem>>, vector<16xf32>,
      tpu.vector_store %arg6[%swap3A_525], %broadcast_in_dim3A_3 {strides = array<i32>} : memref<4096xf32, #tpu.memory_space<vmem>>, vector<16xf32>,
      %scan3A_527 = arith.constant 0 : i32
      %scan3A_528 = arith.constant 5 : i32
      %scan3A_529 = arith.addi %scan3A_493, %scan3A_528 : i32
      %mul3A_530 = arith.constant 16 : i32
      %mul3A_531 = arith.muli %scan3A_529, %mul3A_530 : i32
      %swap3A_532 = arith.index_cast %mul3A_531 : i32 to index
      %swap3A_533 = tpu.vector_load %arg6[%swap3A_532] {strides = array<i32>} : memref<4096xf32, #tpu.memory_space<vmem>>, vector<16xf32>,
      tpu.vector_store %arg6[%swap3A_532], %broadcast_in_dim3A_3 {strides = array<i32>} : memref<4096xf32, #tpu.memory_space<vmem>>, vector<16xf32>,
      %scan3A_534 = arith.constant 0 : i32
      %scan3A_535 = arith.constant 6 : i32
      %scan3A_536 = arith.addi %scan3A_493, %scan3A_535 : i32
      %mul3A_537 = arith.constant 16 : i32
      %mul3A_538 = arith.muli %scan3A_536, %mul3A_537 : i32
      %swap3A_539 = arith.index_cast %mul3A_538 : i32 to index
      %swap3A_540 = tpu.vector_load %arg6[%swap3A_539] {strides = array<i32>} : memref<4096xf32, #tpu.memory_space<vmem>>, vector<16xf32>,
      tpu.vector_store %arg6[%swap3A_539], %broadcast_in_dim3A_3 {strides = array<i32>} : memref<4096xf32, #tpu.memory_space<vmem>>, vector<16xf32>,
      %scan3A_541 = arith.constant 0 : i32
      %scan3A_542 = arith.constant 7 : i32
      %scan3A_543 = arith.addi %scan3A_493, %scan3A_542 : i32
      %mul3A_544 = arith.constant 16 : i32
      %mul3A_545 = arith.muli %scan3A_543, %mul3A_544 : i32
      %swap3A_546 = arith.index_cast %mul3A_545 : i32 to index
      %swap3A_547 = tpu.vector_load %arg6[%swap3A_546] {strides = array<i32>} : memref<4096xf32, #tpu.memory_space<vmem>>, vector<16xf32>,
      tpu.vector_store %arg6[%swap3A_546], %broadcast_in_dim3A_3 {strides = array<i32>} : memref<4096xf32, #tpu.memory_space<vmem>>, vector<16xf32>,
      %scan3A_548 = arith.constant 0 : i32
      scf.yield %scan3A_548 : i32
    }
    %scan3A_120 = arith.constant 256 : i32
    %while3A_121 = arith.constant 0 : i32
    %while3A_122 = arith.constant 0 : i32
    %while3A_123 = arith.subi %div3A_49, %while3A_121 : i32
    %while3A_124 = arith.addi %while3A_121, %while3A_123 : i32
    %while3A_125 = arith.constant 1 : i32
    %while3A_126 = arith.divsi %while3A_123, %while3A_125 : i32
    %while3A_127 = arith.muli %while3A_126, %while3A_125 : i32
    %while3A_128 = arith.addi %while3A_121, %while3A_127 : i32
    %while3A_129 = arith.constant 1 : i32
    %while3A_130 = scf.for %while3A_493 = %while3A_121 to %while3A_128 step %while3A_129 iter_args(%while3A_494 = %while3A_122) -> (i32)  : i32 {
      %mul3A_495 = arith.constant 16 : i32
      %mul3A_496 = arith.muli %while3A_493, %mul3A_495 : i32
      %get3A = arith.index_cast %mul3A_496 : i32 to index
      %get3A_497 = tpu.vector_load %arg5[%get3A] {strides = array<i32>} : memref<100000xf32, #tpu.memory_space<vmem>>, vector<16xf32>,
      %bitcast_convert_type3A_498 = tpu.bitcast %get3A_497 : vector<16xf32> -> vector<16xi32>
      %bitcast_convert_type3A_499 = tpu.bitcast %get3A_497 : vector<16xf32> -> vector<16xi32>
      %broadcast_in_dim3A_500 = arith.constant 31 : i32
      %broadcast_in_dim3A_501 = vector.broadcast %broadcast_in_dim3A_500 : i32 to vector<16xi32>
      %shift_right_arithmetic3A_502 = arith.shrsi %bitcast_convert_type3A_499, %broadcast_in_dim3A_501 : vector<16xi32>
      %bitcast_convert_type3A_503 = tpu.bitcast %shift_right_arithmetic3A_502 : vector<16xi32> -> vector<16xi32>
      %broadcast_in_dim3A_504 = arith.constant -2147483648 : i32
      %broadcast_in_dim3A_505 = vector.broadcast %broadcast_in_dim3A_504 : i32 to vector<16xi32>
      %or3A_506 = arith.ori %bitcast_convert_type3A_503, %broadcast_in_dim3A_505 : vector<16xi32>
      %xor3A_507 = arith.xori %bitcast_convert_type3A_498, %or3A_506 : vector<16xi32>
      %mul3A_508 = arith.constant 16 : i32
      %mul3A_509 = arith.muli %while3A_493, %mul3A_508 : i32
      %add3A_510 = vector.broadcast %mul3A_509 : i32 to vector<16xi32>
      %add3A_511 = arith.addi %add3A_510, %iota3A : vector<16xi32>
      %lt3A = vector.broadcast %reduce_max3A_46 : i32 to vector<16xi32>
      %lt3A_512 = arith.cmpi slt, %add3A_511, %lt3A : vector<16xi32>
      %broadcast_in_dim3A_513 = arith.constant 16 : i32
      %broadcast_in_dim3A_514 = vector.broadcast %broadcast_in_dim3A_513 : i32 to vector<16xi32>
      %shift_right_logical3A = arith.shrui %xor3A_507, %broadcast_in_dim3A_514 : vector<16xi32>
      %eq3A_515 = arith.cmpi eq, %shift_right_logical3A, %or3A_111 : vector<16xi32>
      %broadcast_in_dim3A_516 = arith.constant 8 : i32
      %broadcast_in_dim3A_517 = vector.broadcast %broadcast_in_dim3A_516 : i32 to vector<16xi32>
      %shift_right_logical3A_518 = arith.shrui %xor3A_507, %broadcast_in_dim3A_517 : vector<16xi32>
      %broadcast_in_dim3A_519 = arith.constant 255 : i32
      %broadcast_in_dim3A_520 = vector.broadcast %broadcast_in_dim3A_519 : i32 to vector<16xi32>
      %and3A = arith.andi %shift_right_logical3A_518, %broadcast_in_dim3A_520 : vector<16xi32>
      %bitcast_convert_type3A_521 = tpu.bitcast %and3A : vector<16xi32> -> vector<16xi32>
      %mul3A_522 = arith.constant 16 : i32
      %mul3A_523 = vector.broadcast %mul3A_522 : i32 to vector<16xi32>
      %mul3A_524 = arith.muli %bitcast_convert_type3A_521, %mul3A_523 : vector<16xi32>
      %add3A_525 = arith.addi %mul3A_524, %iota3A : vector<16xi32>
      %and3A_526 = arith.andi %lt3A_512, %eq3A_515 : vector<16xi1>
      tpu.vector_store_idx %arg6[%add3A_525], %broadcast_in_dim3A_1 masked %and3A_526 {add = true} : memref<4096xf32, #tpu.memory_space<vmem>>[vector<16xi32>], vector<16xf32>, vector<16xi1>
      %while3A_527 = arith.constant 0 : i32
      scf.yield %while3A_527 : i32
    }
    %while3A_131 = arith.constant 1 : i32
    %while3A_132 = scf.for %while3A_493 = %while3A_128 to %while3A_124 step %while3A_131 iter_args(%while3A_494 = %while3A_130) -> (i32)  : i32 {
      %mul3A_495 = arith.constant 16 : i32
      %mul3A_496 = arith.muli %while3A_493, %mul3A_495 : i32
      %get3A = arith.index_cast %mul3A_496 : i32 to index
      %get3A_497 = tpu.vector_load %arg5[%get3A] {strides = array<i32>} : memref<100000xf32, #tpu.memory_space<vmem>>, vector<16xf32>,
      %bitcast_convert_type3A_498 = tpu.bitcast %get3A_497 : vector<16xf32> -> vector<16xi32>
      %bitcast_convert_type3A_499 = tpu.bitcast %get3A_497 : vector<16xf32> -> vector<16xi32>
      %broadcast_in_dim3A_500 = arith.constant 31 : i32
      %broadcast_in_dim3A_501 = vector.broadcast %broadcast_in_dim3A_500 : i32 to vector<16xi32>
      %shift_right_arithmetic3A_502 = arith.shrsi %bitcast_convert_type3A_499, %broadcast_in_dim3A_501 : vector<16xi32>
      %bitcast_convert_type3A_503 = tpu.bitcast %shift_right_arithmetic3A_502 : vector<16xi32> -> vector<16xi32>
      %broadcast_in_dim3A_504 = arith.constant -2147483648 : i32
      %broadcast_in_dim3A_505 = vector.broadcast %broadcast_in_dim3A_504 : i32 to vector<16xi32>
      %or3A_506 = arith.ori %bitcast_convert_type3A_503, %broadcast_in_dim3A_505 : vector<16xi32>
      %xor3A_507 = arith.xori %bitcast_convert_type3A_498, %or3A_506 : vector<16xi32>
      %mul3A_508 = arith.constant 16 : i32
      %mul3A_509 = arith.muli %while3A_493, %mul3A_508 : i32
      %add3A_510 = vector.broadcast %mul3A_509 : i32 to vector<16xi32>
      %add3A_511 = arith.addi %add3A_510, %iota3A : vector<16xi32>
      %lt3A = vector.broadcast %reduce_max3A_46 : i32 to vector<16xi32>
      %lt3A_512 = arith.cmpi slt, %add3A_511, %lt3A : vector<16xi32>
      %broadcast_in_dim3A_513 = arith.constant 16 : i32
      %broadcast_in_dim3A_514 = vector.broadcast %broadcast_in_dim3A_513 : i32 to vector<16xi32>
      %shift_right_logical3A = arith.shrui %xor3A_507, %broadcast_in_dim3A_514 : vector<16xi32>
      %eq3A_515 = arith.cmpi eq, %shift_right_logical3A, %or3A_111 : vector<16xi32>
      %broadcast_in_dim3A_516 = arith.constant 8 : i32
      %broadcast_in_dim3A_517 = vector.broadcast %broadcast_in_dim3A_516 : i32 to vector<16xi32>
      %shift_right_logical3A_518 = arith.shrui %xor3A_507, %broadcast_in_dim3A_517 : vector<16xi32>
      %broadcast_in_dim3A_519 = arith.constant 255 : i32
      %broadcast_in_dim3A_520 = vector.broadcast %broadcast_in_dim3A_519 : i32 to vector<16xi32>
      %and3A = arith.andi %shift_right_logical3A_518, %broadcast_in_dim3A_520 : vector<16xi32>
      %bitcast_convert_type3A_521 = tpu.bitcast %and3A : vector<16xi32> -> vector<16xi32>
      %mul3A_522 = arith.constant 16 : i32
      %mul3A_523 = vector.broadcast %mul3A_522 : i32 to vector<16xi32>
      %mul3A_524 = arith.muli %bitcast_convert_type3A_521, %mul3A_523 : vector<16xi32>
      %add3A_525 = arith.addi %mul3A_524, %iota3A : vector<16xi32>
      %and3A_526 = arith.andi %lt3A_512, %eq3A_515 : vector<16xi1>
      tpu.vector_store_idx %arg6[%add3A_525], %broadcast_in_dim3A_1 masked %and3A_526 {add = true} : memref<4096xf32, #tpu.memory_space<vmem>>[vector<16xi32>], vector<16xf32>, vector<16xi1>
      %while3A_527 = arith.constant 0 : i32
      scf.yield %while3A_527 : i32
    }
    %while3A_133 = arith.constant 255 : i32
    %while3A_134 = arith.constant 0.000000e+00 : f32
    %while3A_135 = arith.constant 0.000000e+00 : f32
    %while3A_136:3 = scf.while (%while3A_493 = %while3A_133, %while3A_494 = %while3A_134, %while3A_495 = %while3A_135) : (i32, f32, f32) -> (i32, f32, f32) {
      %lt3A = arith.cmpf olt, %while3A_494, %sub3A_112 : f32
      %ge3A_496 = arith.constant 0 : i32
      %ge3A_497 = arith.cmpi sge, %while3A_493, %ge3A_496 : i32
      %and3A = arith.andi %lt3A, %ge3A_497 : i1
      scf.condition(%and3A) %while3A_493, %while3A_494, %while3A_495 : i32, f32, f32
    } do {
    ^bb0(%while3A_493: i32, %while3A_494: f32, %while3A_495: f32):
      %mul3A_496 = arith.constant 16 : i32
      %mul3A_497 = arith.muli %while3A_493, %mul3A_496 : i32
      %get3A = arith.index_cast %mul3A_497 : i32 to index
      %get3A_498 = tpu.vector_load %arg6[%get3A] {strides = array<i32>} : memref<4096xf32, #tpu.memory_space<vmem>>, vector<16xf32>,
      %reduce_sum3A_499 = arith.constant true
      %reduce_sum3A_500 = vector.broadcast %reduce_sum3A_499 : i1 to vector<16xi1>
      %reduce_sum3A_501 = tpu.scan <sum>, %get3A_498 masked %reduce_sum3A_500 : vector<16xf32>, vector<16xi1> -> vector<16xf32>
      %reduce_sum3A_502 = vector.extract %reduce_sum3A_501[15] : f32 from vector<16xf32>
      %sub3A_503 = arith.constant 1 : i32
      %sub3A_504 = arith.subi %while3A_493, %sub3A_503 : i32
      %add3A_505 = arith.addf %while3A_494, %reduce_sum3A_502 : f32
      scf.yield %sub3A_504, %add3A_505, %while3A_494 : i32, f32, f32
    }
    %add3A_137 = arith.constant 1 : i32
    %add3A_138 = arith.addi %while3A_136#0, %add3A_137 : i32
    %broadcast_in_dim3A_139 = arith.constant 8 : i32
    %broadcast_in_dim3A_140 = vector.broadcast %broadcast_in_dim3A_139 : i32 to vector<16xi32>
    %shift_left3A_141 = arith.shli %or3A_111, %broadcast_in_dim3A_140 : vector<16xi32>
    %broadcast_in_dim3A_142 = vector.broadcast %add3A_138 : i32 to vector<16xi32>
    %or3A_143 = arith.ori %shift_left3A_141, %broadcast_in_dim3A_142 : vector<16xi32>
    %sub3A_144 = arith.subf %sub3A_112, %while3A_136#2 : f32
    %add3A_145 = arith.addf %add3A_113, %while3A_136#2 : f32
    %scan3A_146 = arith.constant 0 : i32
    %scan3A_147 = arith.constant 0 : i32
    %scan3A_148 = arith.constant 256 : i32
    %scan3A_149 = arith.addi %scan3A_147, %scan3A_148 : i32
    %scan3A_150 = arith.constant 8 : i32
    %scan3A_151 = scf.for %scan3A_493 = %scan3A_147 to %scan3A_149 step %scan3A_150 iter_args(%scan3A_494 = %scan3A_146) -> (i32)  : i32 {
      %mul3A_495 = arith.constant 16 : i32
      %mul3A_496 = arith.muli %scan3A_493, %mul3A_495 : i32
      %swap3A_497 = arith.index_cast %mul3A_496 : i32 to index
      %swap3A_498 = tpu.vector_load %arg6[%swap3A_497] {strides = array<i32>} : memref<4096xf32, #tpu.memory_space<vmem>>, vector<16xf32>,
      tpu.vector_store %arg6[%swap3A_497], %broadcast_in_dim3A_3 {strides = array<i32>} : memref<4096xf32, #tpu.memory_space<vmem>>, vector<16xf32>,
      %scan3A_499 = arith.constant 0 : i32
      %scan3A_500 = arith.constant 1 : i32
      %scan3A_501 = arith.addi %scan3A_493, %scan3A_500 : i32
      %mul3A_502 = arith.constant 16 : i32
      %mul3A_503 = arith.muli %scan3A_501, %mul3A_502 : i32
      %swap3A_504 = arith.index_cast %mul3A_503 : i32 to index
      %swap3A_505 = tpu.vector_load %arg6[%swap3A_504] {strides = array<i32>} : memref<4096xf32, #tpu.memory_space<vmem>>, vector<16xf32>,
      tpu.vector_store %arg6[%swap3A_504], %broadcast_in_dim3A_3 {strides = array<i32>} : memref<4096xf32, #tpu.memory_space<vmem>>, vector<16xf32>,
      %scan3A_506 = arith.constant 0 : i32
      %scan3A_507 = arith.constant 2 : i32
      %scan3A_508 = arith.addi %scan3A_493, %scan3A_507 : i32
      %mul3A_509 = arith.constant 16 : i32
      %mul3A_510 = arith.muli %scan3A_508, %mul3A_509 : i32
      %swap3A_511 = arith.index_cast %mul3A_510 : i32 to index
      %swap3A_512 = tpu.vector_load %arg6[%swap3A_511] {strides = array<i32>} : memref<4096xf32, #tpu.memory_space<vmem>>, vector<16xf32>,
      tpu.vector_store %arg6[%swap3A_511], %broadcast_in_dim3A_3 {strides = array<i32>} : memref<4096xf32, #tpu.memory_space<vmem>>, vector<16xf32>,
      %scan3A_513 = arith.constant 0 : i32
      %scan3A_514 = arith.constant 3 : i32
      %scan3A_515 = arith.addi %scan3A_493, %scan3A_514 : i32
      %mul3A_516 = arith.constant 16 : i32
      %mul3A_517 = arith.muli %scan3A_515, %mul3A_516 : i32
      %swap3A_518 = arith.index_cast %mul3A_517 : i32 to index
      %swap3A_519 = tpu.vector_load %arg6[%swap3A_518] {strides = array<i32>} : memref<4096xf32, #tpu.memory_space<vmem>>, vector<16xf32>,
      tpu.vector_store %arg6[%swap3A_518], %broadcast_in_dim3A_3 {strides = array<i32>} : memref<4096xf32, #tpu.memory_space<vmem>>, vector<16xf32>,
      %scan3A_520 = arith.constant 0 : i32
      %scan3A_521 = arith.constant 4 : i32
      %scan3A_522 = arith.addi %scan3A_493, %scan3A_521 : i32
      %mul3A_523 = arith.constant 16 : i32
      %mul3A_524 = arith.muli %scan3A_522, %mul3A_523 : i32
      %swap3A_525 = arith.index_cast %mul3A_524 : i32 to index
      %swap3A_526 = tpu.vector_load %arg6[%swap3A_525] {strides = array<i32>} : memref<4096xf32, #tpu.memory_space<vmem>>, vector<16xf32>,
      tpu.vector_store %arg6[%swap3A_525], %broadcast_in_dim3A_3 {strides = array<i32>} : memref<4096xf32, #tpu.memory_space<vmem>>, vector<16xf32>,
      %scan3A_527 = arith.constant 0 : i32
      %scan3A_528 = arith.constant 5 : i32
      %scan3A_529 = arith.addi %scan3A_493, %scan3A_528 : i32
      %mul3A_530 = arith.constant 16 : i32
      %mul3A_531 = arith.muli %scan3A_529, %mul3A_530 : i32
      %swap3A_532 = arith.index_cast %mul3A_531 : i32 to index
      %swap3A_533 = tpu.vector_load %arg6[%swap3A_532] {strides = array<i32>} : memref<4096xf32, #tpu.memory_space<vmem>>, vector<16xf32>,
      tpu.vector_store %arg6[%swap3A_532], %broadcast_in_dim3A_3 {strides = array<i32>} : memref<4096xf32, #tpu.memory_space<vmem>>, vector<16xf32>,
      %scan3A_534 = arith.constant 0 : i32
      %scan3A_535 = arith.constant 6 : i32
      %scan3A_536 = arith.addi %scan3A_493, %scan3A_535 : i32
      %mul3A_537 = arith.constant 16 : i32
      %mul3A_538 = arith.muli %scan3A_536, %mul3A_537 : i32
      %swap3A_539 = arith.index_cast %mul3A_538 : i32 to index
      %swap3A_540 = tpu.vector_load %arg6[%swap3A_539] {strides = array<i32>} : memref<4096xf32, #tpu.memory_space<vmem>>, vector<16xf32>,
      tpu.vector_store %arg6[%swap3A_539], %broadcast_in_dim3A_3 {strides = array<i32>} : memref<4096xf32, #tpu.memory_space<vmem>>, vector<16xf32>,
      %scan3A_541 = arith.constant 0 : i32
      %scan3A_542 = arith.constant 7 : i32
      %scan3A_543 = arith.addi %scan3A_493, %scan3A_542 : i32
      %mul3A_544 = arith.constant 16 : i32
      %mul3A_545 = arith.muli %scan3A_543, %mul3A_544 : i32
      %swap3A_546 = arith.index_cast %mul3A_545 : i32 to index
      %swap3A_547 = tpu.vector_load %arg6[%swap3A_546] {strides = array<i32>} : memref<4096xf32, #tpu.memory_space<vmem>>, vector<16xf32>,
      tpu.vector_store %arg6[%swap3A_546], %broadcast_in_dim3A_3 {strides = array<i32>} : memref<4096xf32, #tpu.memory_space<vmem>>, vector<16xf32>,
      %scan3A_548 = arith.constant 0 : i32
      scf.yield %scan3A_548 : i32
    }
    %scan3A_152 = arith.constant 256 : i32
    %while3A_153 = arith.constant 0 : i32
    %while3A_154 = arith.constant 0 : i32
    %while3A_155 = arith.subi %div3A_49, %while3A_153 : i32
    %while3A_156 = arith.addi %while3A_153, %while3A_155 : i32
    %while3A_157 = arith.constant 1 : i32
    %while3A_158 = arith.divsi %while3A_155, %while3A_157 : i32
    %while3A_159 = arith.muli %while3A_158, %while3A_157 : i32
    %while3A_160 = arith.addi %while3A_153, %while3A_159 : i32
    %while3A_161 = arith.constant 1 : i32
    %while3A_162 = scf.for %while3A_493 = %while3A_153 to %while3A_160 step %while3A_161 iter_args(%while3A_494 = %while3A_154) -> (i32)  : i32 {
      %mul3A_495 = arith.constant 16 : i32
      %mul3A_496 = arith.muli %while3A_493, %mul3A_495 : i32
      %get3A = arith.index_cast %mul3A_496 : i32 to index
      %get3A_497 = tpu.vector_load %arg5[%get3A] {strides = array<i32>} : memref<100000xf32, #tpu.memory_space<vmem>>, vector<16xf32>,
      %bitcast_convert_type3A_498 = tpu.bitcast %get3A_497 : vector<16xf32> -> vector<16xi32>
      %bitcast_convert_type3A_499 = tpu.bitcast %get3A_497 : vector<16xf32> -> vector<16xi32>
      %broadcast_in_dim3A_500 = arith.constant 31 : i32
      %broadcast_in_dim3A_501 = vector.broadcast %broadcast_in_dim3A_500 : i32 to vector<16xi32>
      %shift_right_arithmetic3A_502 = arith.shrsi %bitcast_convert_type3A_499, %broadcast_in_dim3A_501 : vector<16xi32>
      %bitcast_convert_type3A_503 = tpu.bitcast %shift_right_arithmetic3A_502 : vector<16xi32> -> vector<16xi32>
      %broadcast_in_dim3A_504 = arith.constant -2147483648 : i32
      %broadcast_in_dim3A_505 = vector.broadcast %broadcast_in_dim3A_504 : i32 to vector<16xi32>
      %or3A_506 = arith.ori %bitcast_convert_type3A_503, %broadcast_in_dim3A_505 : vector<16xi32>
      %xor3A_507 = arith.xori %bitcast_convert_type3A_498, %or3A_506 : vector<16xi32>
      %mul3A_508 = arith.constant 16 : i32
      %mul3A_509 = arith.muli %while3A_493, %mul3A_508 : i32
      %add3A_510 = vector.broadcast %mul3A_509 : i32 to vector<16xi32>
      %add3A_511 = arith.addi %add3A_510, %iota3A : vector<16xi32>
      %lt3A = vector.broadcast %reduce_max3A_46 : i32 to vector<16xi32>
      %lt3A_512 = arith.cmpi slt, %add3A_511, %lt3A : vector<16xi32>
      %broadcast_in_dim3A_513 = arith.constant 8 : i32
      %broadcast_in_dim3A_514 = vector.broadcast %broadcast_in_dim3A_513 : i32 to vector<16xi32>
      %shift_right_logical3A = arith.shrui %xor3A_507, %broadcast_in_dim3A_514 : vector<16xi32>
      %eq3A_515 = arith.cmpi eq, %shift_right_logical3A, %or3A_143 : vector<16xi32>
      %broadcast_in_dim3A_516 = arith.constant 0 : i32
      %broadcast_in_dim3A_517 = vector.broadcast %broadcast_in_dim3A_516 : i32 to vector<16xi32>
      %shift_right_logical3A_518 = arith.shrui %xor3A_507, %broadcast_in_dim3A_517 : vector<16xi32>
      %broadcast_in_dim3A_519 = arith.constant 255 : i32
      %broadcast_in_dim3A_520 = vector.broadcast %broadcast_in_dim3A_519 : i32 to vector<16xi32>
      %and3A = arith.andi %shift_right_logical3A_518, %broadcast_in_dim3A_520 : vector<16xi32>
      %bitcast_convert_type3A_521 = tpu.bitcast %and3A : vector<16xi32> -> vector<16xi32>
      %mul3A_522 = arith.constant 16 : i32
      %mul3A_523 = vector.broadcast %mul3A_522 : i32 to vector<16xi32>
      %mul3A_524 = arith.muli %bitcast_convert_type3A_521, %mul3A_523 : vector<16xi32>
      %add3A_525 = arith.addi %mul3A_524, %iota3A : vector<16xi32>
      %and3A_526 = arith.andi %lt3A_512, %eq3A_515 : vector<16xi1>
      tpu.vector_store_idx %arg6[%add3A_525], %broadcast_in_dim3A_1 masked %and3A_526 {add = true} : memref<4096xf32, #tpu.memory_space<vmem>>[vector<16xi32>], vector<16xf32>, vector<16xi1>
      %while3A_527 = arith.constant 0 : i32
      scf.yield %while3A_527 : i32
    }
    %while3A_163 = arith.constant 1 : i32
    %while3A_164 = scf.for %while3A_493 = %while3A_160 to %while3A_156 step %while3A_163 iter_args(%while3A_494 = %while3A_162) -> (i32)  : i32 {
      %mul3A_495 = arith.constant 16 : i32
      %mul3A_496 = arith.muli %while3A_493, %mul3A_495 : i32
      %get3A = arith.index_cast %mul3A_496 : i32 to index
      %get3A_497 = tpu.vector_load %arg5[%get3A] {strides = array<i32>} : memref<100000xf32, #tpu.memory_space<vmem>>, vector<16xf32>,
      %bitcast_convert_type3A_498 = tpu.bitcast %get3A_497 : vector<16xf32> -> vector<16xi32>
      %bitcast_convert_type3A_499 = tpu.bitcast %get3A_497 : vector<16xf32> -> vector<16xi32>
      %broadcast_in_dim3A_500 = arith.constant 31 : i32
      %broadcast_in_dim3A_501 = vector.broadcast %broadcast_in_dim3A_500 : i32 to vector<16xi32>
      %shift_right_arithmetic3A_502 = arith.shrsi %bitcast_convert_type3A_499, %broadcast_in_dim3A_501 : vector<16xi32>
      %bitcast_convert_type3A_503 = tpu.bitcast %shift_right_arithmetic3A_502 : vector<16xi32> -> vector<16xi32>
      %broadcast_in_dim3A_504 = arith.constant -2147483648 : i32
      %broadcast_in_dim3A_505 = vector.broadcast %broadcast_in_dim3A_504 : i32 to vector<16xi32>
      %or3A_506 = arith.ori %bitcast_convert_type3A_503, %broadcast_in_dim3A_505 : vector<16xi32>
      %xor3A_507 = arith.xori %bitcast_convert_type3A_498, %or3A_506 : vector<16xi32>
      %mul3A_508 = arith.constant 16 : i32
      %mul3A_509 = arith.muli %while3A_493, %mul3A_508 : i32
      %add3A_510 = vector.broadcast %mul3A_509 : i32 to vector<16xi32>
      %add3A_511 = arith.addi %add3A_510, %iota3A : vector<16xi32>
      %lt3A = vector.broadcast %reduce_max3A_46 : i32 to vector<16xi32>
      %lt3A_512 = arith.cmpi slt, %add3A_511, %lt3A : vector<16xi32>
      %broadcast_in_dim3A_513 = arith.constant 8 : i32
      %broadcast_in_dim3A_514 = vector.broadcast %broadcast_in_dim3A_513 : i32 to vector<16xi32>
      %shift_right_logical3A = arith.shrui %xor3A_507, %broadcast_in_dim3A_514 : vector<16xi32>
      %eq3A_515 = arith.cmpi eq, %shift_right_logical3A, %or3A_143 : vector<16xi32>
      %broadcast_in_dim3A_516 = arith.constant 0 : i32
      %broadcast_in_dim3A_517 = vector.broadcast %broadcast_in_dim3A_516 : i32 to vector<16xi32>
      %shift_right_logical3A_518 = arith.shrui %xor3A_507, %broadcast_in_dim3A_517 : vector<16xi32>
      %broadcast_in_dim3A_519 = arith.constant 255 : i32
      %broadcast_in_dim3A_520 = vector.broadcast %broadcast_in_dim3A_519 : i32 to vector<16xi32>
      %and3A = arith.andi %shift_right_logical3A_518, %broadcast_in_dim3A_520 : vector<16xi32>
      %bitcast_convert_type3A_521 = tpu.bitcast %and3A : vector<16xi32> -> vector<16xi32>
      %mul3A_522 = arith.constant 16 : i32
      %mul3A_523 = vector.broadcast %mul3A_522 : i32 to vector<16xi32>
      %mul3A_524 = arith.muli %bitcast_convert_type3A_521, %mul3A_523 : vector<16xi32>
      %add3A_525 = arith.addi %mul3A_524, %iota3A : vector<16xi32>
      %and3A_526 = arith.andi %lt3A_512, %eq3A_515 : vector<16xi1>
      tpu.vector_store_idx %arg6[%add3A_525], %broadcast_in_dim3A_1 masked %and3A_526 {add = true} : memref<4096xf32, #tpu.memory_space<vmem>>[vector<16xi32>], vector<16xf32>, vector<16xi1>
      %while3A_527 = arith.constant 0 : i32
      scf.yield %while3A_527 : i32
    }
    %while3A_165 = arith.constant 255 : i32
    %while3A_166 = arith.constant 0.000000e+00 : f32
    %while3A_167 = arith.constant 0.000000e+00 : f32
    %while3A_168:3 = scf.while (%while3A_493 = %while3A_165, %while3A_494 = %while3A_166, %while3A_495 = %while3A_167) : (i32, f32, f32) -> (i32, f32, f32) {
      %lt3A = arith.cmpf olt, %while3A_494, %sub3A_144 : f32
      %ge3A_496 = arith.constant 0 : i32
      %ge3A_497 = arith.cmpi sge, %while3A_493, %ge3A_496 : i32
      %and3A = arith.andi %lt3A, %ge3A_497 : i1
      scf.condition(%and3A) %while3A_493, %while3A_494, %while3A_495 : i32, f32, f32
    } do {
    ^bb0(%while3A_493: i32, %while3A_494: f32, %while3A_495: f32):
      %mul3A_496 = arith.constant 16 : i32
      %mul3A_497 = arith.muli %while3A_493, %mul3A_496 : i32
      %get3A = arith.index_cast %mul3A_497 : i32 to index
      %get3A_498 = tpu.vector_load %arg6[%get3A] {strides = array<i32>} : memref<4096xf32, #tpu.memory_space<vmem>>, vector<16xf32>,
      %reduce_sum3A_499 = arith.constant true
      %reduce_sum3A_500 = vector.broadcast %reduce_sum3A_499 : i1 to vector<16xi1>
      %reduce_sum3A_501 = tpu.scan <sum>, %get3A_498 masked %reduce_sum3A_500 : vector<16xf32>, vector<16xi1> -> vector<16xf32>
      %reduce_sum3A_502 = vector.extract %reduce_sum3A_501[15] : f32 from vector<16xf32>
      %sub3A_503 = arith.constant 1 : i32
      %sub3A_504 = arith.subi %while3A_493, %sub3A_503 : i32
      %add3A_505 = arith.addf %while3A_494, %reduce_sum3A_502 : f32
      scf.yield %sub3A_504, %add3A_505, %while3A_494 : i32, f32, f32
    }
    %add3A_169 = arith.constant 1 : i32
    %add3A_170 = arith.addi %while3A_168#0, %add3A_169 : i32
    %broadcast_in_dim3A_171 = arith.constant 8 : i32
    %broadcast_in_dim3A_172 = vector.broadcast %broadcast_in_dim3A_171 : i32 to vector<16xi32>
    %shift_left3A_173 = arith.shli %or3A_143, %broadcast_in_dim3A_172 : vector<16xi32>
    %broadcast_in_dim3A_174 = vector.broadcast %add3A_170 : i32 to vector<16xi32>
    %or3A_175 = arith.ori %shift_left3A_173, %broadcast_in_dim3A_174 : vector<16xi32>
    %sub3A_176 = arith.subf %sub3A_144, %while3A_168#2 : f32
    %add3A_177 = arith.addf %add3A_145, %while3A_168#2 : f32
    %broadcast_in_dim3A_178 = arith.constant 0.000000e+00 : f32
    %broadcast_in_dim3A_179 = vector.broadcast %broadcast_in_dim3A_178 : f32 to vector<16xf32>
    %while3A_180 = arith.constant 0 : i32
    %while3A_181 = arith.subi %div3A_49, %while3A_180 : i32
    %while3A_182 = arith.addi %while3A_180, %while3A_181 : i32
    %while3A_183 = arith.constant 1 : i32
    %while3A_184 = arith.divsi %while3A_181, %while3A_183 : i32
    %while3A_185 = arith.muli %while3A_184, %while3A_183 : i32
    %while3A_186 = arith.addi %while3A_180, %while3A_185 : i32
    %while3A_187 = arith.constant 1 : i32
    %while3A_188 = scf.for %while3A_493 = %while3A_180 to %while3A_186 step %while3A_187 iter_args(%while3A_494 = %broadcast_in_dim3A_179) -> (vector<16xf32>)  : i32 {
      %mul3A_495 = arith.constant 16 : i32
      %mul3A_496 = arith.muli %while3A_493, %mul3A_495 : i32
      %get3A = arith.index_cast %mul3A_496 : i32 to index
      %get3A_497 = tpu.vector_load %arg5[%get3A] {strides = array<i32>} : memref<100000xf32, #tpu.memory_space<vmem>>, vector<16xf32>,
      %bitcast_convert_type3A_498 = tpu.bitcast %get3A_497 : vector<16xf32> -> vector<16xi32>
      %bitcast_convert_type3A_499 = tpu.bitcast %get3A_497 : vector<16xf32> -> vector<16xi32>
      %broadcast_in_dim3A_500 = arith.constant 31 : i32
      %broadcast_in_dim3A_501 = vector.broadcast %broadcast_in_dim3A_500 : i32 to vector<16xi32>
      %shift_right_arithmetic3A_502 = arith.shrsi %bitcast_convert_type3A_499, %broadcast_in_dim3A_501 : vector<16xi32>
      %bitcast_convert_type3A_503 = tpu.bitcast %shift_right_arithmetic3A_502 : vector<16xi32> -> vector<16xi32>
      %broadcast_in_dim3A_504 = arith.constant -2147483648 : i32
      %broadcast_in_dim3A_505 = vector.broadcast %broadcast_in_dim3A_504 : i32 to vector<16xi32>
      %or3A_506 = arith.ori %bitcast_convert_type3A_503, %broadcast_in_dim3A_505 : vector<16xi32>
      %xor3A_507 = arith.xori %bitcast_convert_type3A_498, %or3A_506 : vector<16xi32>
      %gt3A_508 = arith.cmpi ugt, %xor3A_507, %or3A_175 : vector<16xi32>
      %mul3A_509 = arith.constant 16 : i32
      %mul3A_510 = arith.muli %while3A_493, %mul3A_509 : i32
      %add3A_511 = vector.broadcast %mul3A_510 : i32 to vector<16xi32>
      %add3A_512 = arith.addi %add3A_511, %iota3A : vector<16xi32>
      %lt3A = vector.broadcast %reduce_max3A_46 : i32 to vector<16xi32>
      %lt3A_513 = arith.cmpi slt, %add3A_512, %lt3A : vector<16xi32>
      %and3A = arith.andi %gt3A_508, %lt3A_513 : vector<16xi1>
      %sub3A_514 = arith.subf %get3A_497, %bitcast_convert_type3A_82 : vector<16xf32>
      %mul3A_515 = arith.constant 1.000000e+01 : f32
      %mul3A_516 = vector.broadcast %mul3A_515 : f32 to vector<16xf32>
      %mul3A_517 = arith.mulf %mul3A_516, %sub3A_514 : vector<16xf32>
      %exp3A_518 = math.exp %mul3A_517 : vector<16xf32>
      %jit3A_519 = arith.constant 0.000000e+00 : f32
      %broadcast_in_dim3A_520 = vector.broadcast %jit3A_519 : f32 to vector<16xf32>
      %select_n3A_521 = arith.select %and3A, %exp3A_518, %broadcast_in_dim3A_520 : vector<16xi1>, vector<16xf32>
      %add3A_522 = arith.addf %while3A_494, %select_n3A_521 : vector<16xf32>
      scf.yield %add3A_522 : vector<16xf32>
    }
    %while3A_189 = arith.constant 1 : i32
    %while3A_190 = scf.for %while3A_493 = %while3A_186 to %while3A_182 step %while3A_189 iter_args(%while3A_494 = %while3A_188) -> (vector<16xf32>)  : i32 {
      %mul3A_495 = arith.constant 16 : i32
      %mul3A_496 = arith.muli %while3A_493, %mul3A_495 : i32
      %get3A = arith.index_cast %mul3A_496 : i32 to index
      %get3A_497 = tpu.vector_load %arg5[%get3A] {strides = array<i32>} : memref<100000xf32, #tpu.memory_space<vmem>>, vector<16xf32>,
      %bitcast_convert_type3A_498 = tpu.bitcast %get3A_497 : vector<16xf32> -> vector<16xi32>
      %bitcast_convert_type3A_499 = tpu.bitcast %get3A_497 : vector<16xf32> -> vector<16xi32>
      %broadcast_in_dim3A_500 = arith.constant 31 : i32
      %broadcast_in_dim3A_501 = vector.broadcast %broadcast_in_dim3A_500 : i32 to vector<16xi32>
      %shift_right_arithmetic3A_502 = arith.shrsi %bitcast_convert_type3A_499, %broadcast_in_dim3A_501 : vector<16xi32>
      %bitcast_convert_type3A_503 = tpu.bitcast %shift_right_arithmetic3A_502 : vector<16xi32> -> vector<16xi32>
      %broadcast_in_dim3A_504 = arith.constant -2147483648 : i32
      %broadcast_in_dim3A_505 = vector.broadcast %broadcast_in_dim3A_504 : i32 to vector<16xi32>
      %or3A_506 = arith.ori %bitcast_convert_type3A_503, %broadcast_in_dim3A_505 : vector<16xi32>
      %xor3A_507 = arith.xori %bitcast_convert_type3A_498, %or3A_506 : vector<16xi32>
      %gt3A_508 = arith.cmpi ugt, %xor3A_507, %or3A_175 : vector<16xi32>
      %mul3A_509 = arith.constant 16 : i32
      %mul3A_510 = arith.muli %while3A_493, %mul3A_509 : i32
      %add3A_511 = vector.broadcast %mul3A_510 : i32 to vector<16xi32>
      %add3A_512 = arith.addi %add3A_511, %iota3A : vector<16xi32>
      %lt3A = vector.broadcast %reduce_max3A_46 : i32 to vector<16xi32>
      %lt3A_513 = arith.cmpi slt, %add3A_512, %lt3A : vector<16xi32>
      %and3A = arith.andi %gt3A_508, %lt3A_513 : vector<16xi1>
      %sub3A_514 = arith.subf %get3A_497, %bitcast_convert_type3A_82 : vector<16xf32>
      %mul3A_515 = arith.constant 1.000000e+01 : f32
      %mul3A_516 = vector.broadcast %mul3A_515 : f32 to vector<16xf32>
      %mul3A_517 = arith.mulf %mul3A_516, %sub3A_514 : vector<16xf32>
      %exp3A_518 = math.exp %mul3A_517 : vector<16xf32>
      %jit3A_519 = arith.constant 0.000000e+00 : f32
      %broadcast_in_dim3A_520 = vector.broadcast %jit3A_519 : f32 to vector<16xf32>
      %select_n3A_521 = arith.select %and3A, %exp3A_518, %broadcast_in_dim3A_520 : vector<16xi1>, vector<16xf32>
      %add3A_522 = arith.addf %while3A_494, %select_n3A_521 : vector<16xf32>
      scf.yield %add3A_522 : vector<16xf32>
    }
    %reduce_sum3A = arith.constant true
    %reduce_sum3A_191 = vector.broadcast %reduce_sum3A : i1 to vector<16xi1>
    %reduce_sum3A_192 = tpu.scan <sum>, %while3A_190 masked %reduce_sum3A_191 : vector<16xf32>, vector<16xi1> -> vector<16xf32>
    %reduce_sum3A_193 = vector.extract %reduce_sum3A_192[15] : f32 from vector<16xf32>
    %broadcast_in_dim3A_194 = vector.broadcast %reduce_sum3A_193 : f32 to vector<16xf32>
    %gt3A = arith.cmpi ugt, %xor3A, %or3A_175 : vector<16xi32>
    %jit3A = arith.constant 1.000000e+00 : f32
    %jit3A_195 = arith.constant 0.000000e+00 : f32
    %broadcast_in_dim3A_196 = vector.broadcast %jit3A : f32 to vector<16xf32>
    %broadcast_in_dim3A_197 = vector.broadcast %jit3A_195 : f32 to vector<16xf32>
    %select_n3A_198 = arith.select %gt3A, %broadcast_in_dim3A_196, %broadcast_in_dim3A_197 : vector<16xi1>, vector<16xf32>
    %sub3A_199 = arith.subf %gather3A_19, %bitcast_convert_type3A_82 : vector<16xf32>
    %mul3A_200 = arith.constant 1.000000e+01 : f32
    %mul3A_201 = vector.broadcast %mul3A_200 : f32 to vector<16xf32>
    %mul3A_202 = arith.mulf %mul3A_201, %sub3A_199 : vector<16xf32>
    %exp3A = math.exp %mul3A_202 : vector<16xf32>
    %broadcast_in_dim3A_203 = arith.constant -2147483648 : i32
    %broadcast_in_dim3A_204 = vector.broadcast %broadcast_in_dim3A_203 : i32 to vector<16xi32>
    %ge3A_205 = arith.cmpi uge, %or3A_175, %broadcast_in_dim3A_204 : vector<16xi32>
    %broadcast_in_dim3A_206 = arith.constant -2147483648 : i32
    %broadcast_in_dim3A_207 = vector.broadcast %broadcast_in_dim3A_206 : i32 to vector<16xi32>
    %xor3A_208 = arith.xori %or3A_175, %broadcast_in_dim3A_207 : vector<16xi32>
    %not3A_209 = arith.constant dense<-1> : vector<16xi32>
    %not3A_210 = arith.xori %or3A_175, %not3A_209 : vector<16xi32>
    %select_n3A_211 = arith.select %ge3A_205, %xor3A_208, %not3A_210 : vector<16xi1>, vector<16xi32>
    %bitcast_convert_type3A_212 = tpu.bitcast %select_n3A_211 : vector<16xi32> -> vector<16xf32>
    %broadcast_in_dim3A_213 = vector.broadcast %add3A_177 : f32 to vector<16xf32>
    %mul3A_214 = arith.mulf %select_n3A_198, %exp3A : vector<16xf32>
    %sub3A_215 = arith.subf %broadcast_in_dim3A_194, %mul3A_214 : vector<16xf32>
    %broadcast_in_dim3A_216 = arith.constant 9.990000e+02 : f32
    %broadcast_in_dim3A_217 = vector.broadcast %broadcast_in_dim3A_216 : f32 to vector<16xf32>
    %sub3A_218 = arith.subf %broadcast_in_dim3A_217, %broadcast_in_dim3A_213 : vector<16xf32>
    %add3A_219 = arith.addf %sub3A_218, %select_n3A_198 : vector<16xf32>
    %sub3A_220 = arith.subf %bitcast_convert_type3A_212, %bitcast_convert_type3A_82 : vector<16xf32>
    %mul3A_221 = arith.constant 1.000000e+01 : f32
    %mul3A_222 = vector.broadcast %mul3A_221 : f32 to vector<16xf32>
    %mul3A_223 = arith.mulf %mul3A_222, %sub3A_220 : vector<16xf32>
    %exp3A_224 = math.exp %mul3A_223 : vector<16xf32>
    %mul3A_225 = arith.mulf %add3A_219, %exp3A_224 : vector<16xf32>
    %add3A_226 = arith.addf %sub3A_215, %mul3A_225 : vector<16xf32>
    %add3A_227 = arith.addf %add3A_226, %exp3A : vector<16xf32>
    %eq3A = arith.constant 0 : i32
    %eq3A_228 = vector.broadcast %eq3A : i32 to vector<16xi32>
    %eq3A_229 = arith.cmpi eq, %iota3A, %eq3A_228 : vector<16xi32>
    %select_n3A_230 = arith.select %eq3A_229, %add3A_227, %broadcast_in_dim3A_5 : vector<16xi1>, vector<16xf32>
    %eq3A_231 = arith.constant 1 : i32
    %eq3A_232 = vector.broadcast %eq3A_231 : i32 to vector<16xi32>
    %eq3A_233 = arith.cmpi eq, %iota3A, %eq3A_232 : vector<16xi32>
    %select_n3A_234 = arith.select %eq3A_233, %bitcast_convert_type3A_82, %select_n3A_230 : vector<16xi1>, vector<16xf32>
    %eq3A_235 = arith.constant 2 : i32
    %eq3A_236 = vector.broadcast %eq3A_235 : i32 to vector<16xi32>
    %eq3A_237 = arith.cmpi eq, %iota3A, %eq3A_236 : vector<16xi32>
    %select_n3A_238 = arith.select %eq3A_237, %gather3A_19, %select_n3A_234 : vector<16xi1>, vector<16xf32>
    %mul3A_239 = arith.constant 2 : i32
    %mul3A_240 = arith.muli %add3A, %mul3A_239 : i32
    %add3A_241 = arith.constant 1 : i32
    %add3A_242 = arith.addi %mul3A_240, %add3A_241 : i32
    "tpu.region"() ({
      %run_scoped3A = tpu.sem_alloc : memref<!tpu.dma_semaphore, #tpu.memory_space<semaphore_mem>>
      %dma_start3A = arith.constant 0 : i32
      %dma_start3A_493 = tpu.memref_slice %arg2[%add3A_242, %dma_start3A] : memref<64x100000xf32, #tpu.memory_space<hbm>> -> memref<1x100000xf32, #tpu.memory_space<hbm>>
      %dma_start3A_494 = tpu.memref_squeeze %dma_start3A_493 : memref<1x100000xf32, #tpu.memory_space<hbm>> -> memref<100000xf32, #tpu.memory_space<hbm>>
      %dma_start3A_495 = arith.constant 0 : i32
      %dma_start3A_496 = tpu.memref_slice %arg2[%add3A_242, %dma_start3A_495] : memref<64x100000xf32, #tpu.memory_space<hbm>> -> memref<1x100000xf32, #tpu.memory_space<hbm>>
      %dma_start3A_497 = tpu.memref_squeeze %dma_start3A_496 : memref<1x100000xf32, #tpu.memory_space<hbm>> -> memref<100000xf32, #tpu.memory_space<hbm>>
      tpu.enqueue_dma source(%dma_start3A_497 : memref<100000xf32, #tpu.memory_space<hbm>>) target(%arg5 : memref<100000xf32, #tpu.memory_space<vmem>>) target_semaphore(%run_scoped3A : memref<!tpu.dma_semaphore, #tpu.memory_space<semaphore_mem>>)
      %dma_wait3A = arith.constant 0 : i32
      %dma_wait3A_498 = tpu.memref_slice %arg2[%add3A_242, %dma_wait3A] : memref<64x100000xf32, #tpu.memory_space<hbm>> -> memref<1x100000xf32, #tpu.memory_space<hbm>>
      %dma_wait3A_499 = tpu.memref_squeeze %dma_wait3A_498 : memref<1x100000xf32, #tpu.memory_space<hbm>> -> memref<100000xf32, #tpu.memory_space<hbm>>
      %dma_wait3A_500 = arith.constant 0 : i32
      %dma_wait3A_501 = tpu.memref_slice %arg2[%add3A_242, %dma_wait3A_500] : memref<64x100000xf32, #tpu.memory_space<hbm>> -> memref<1x100000xf32, #tpu.memory_space<hbm>>
      %dma_wait3A_502 = tpu.memref_squeeze %dma_wait3A_501 : memref<1x100000xf32, #tpu.memory_space<hbm>> -> memref<100000xf32, #tpu.memory_space<hbm>>
      tpu.wait_dma2 semaphore(%run_scoped3A : memref<!tpu.dma_semaphore, #tpu.memory_space<semaphore_mem>>) src(%dma_wait3A_502 : memref<100000xf32, #tpu.memory_space<hbm>>) dst(%arg5 : memref<100000xf32, #tpu.memory_space<vmem>>)
      tpu.yield
    }) : () -> ()
    %scan3A_243 = arith.constant 0 : i32
    %scan3A_244 = arith.constant 0 : i32
    %scan3A_245 = arith.constant 256 : i32
    %scan3A_246 = arith.addi %scan3A_244, %scan3A_245 : i32
    %scan3A_247 = arith.constant 8 : i32
    %scan3A_248 = scf.for %scan3A_493 = %scan3A_244 to %scan3A_246 step %scan3A_247 iter_args(%scan3A_494 = %scan3A_243) -> (i32)  : i32 {
      %mul3A_495 = arith.constant 16 : i32
      %mul3A_496 = arith.muli %scan3A_493, %mul3A_495 : i32
      %swap3A_497 = arith.index_cast %mul3A_496 : i32 to index
      %swap3A_498 = tpu.vector_load %arg6[%swap3A_497] {strides = array<i32>} : memref<4096xf32, #tpu.memory_space<vmem>>, vector<16xf32>,
      tpu.vector_store %arg6[%swap3A_497], %broadcast_in_dim3A_3 {strides = array<i32>} : memref<4096xf32, #tpu.memory_space<vmem>>, vector<16xf32>,
      %scan3A_499 = arith.constant 0 : i32
      %scan3A_500 = arith.constant 1 : i32
      %scan3A_501 = arith.addi %scan3A_493, %scan3A_500 : i32
      %mul3A_502 = arith.constant 16 : i32
      %mul3A_503 = arith.muli %scan3A_501, %mul3A_502 : i32
      %swap3A_504 = arith.index_cast %mul3A_503 : i32 to index
      %swap3A_505 = tpu.vector_load %arg6[%swap3A_504] {strides = array<i32>} : memref<4096xf32, #tpu.memory_space<vmem>>, vector<16xf32>,
      tpu.vector_store %arg6[%swap3A_504], %broadcast_in_dim3A_3 {strides = array<i32>} : memref<4096xf32, #tpu.memory_space<vmem>>, vector<16xf32>,
      %scan3A_506 = arith.constant 0 : i32
      %scan3A_507 = arith.constant 2 : i32
      %scan3A_508 = arith.addi %scan3A_493, %scan3A_507 : i32
      %mul3A_509 = arith.constant 16 : i32
      %mul3A_510 = arith.muli %scan3A_508, %mul3A_509 : i32
      %swap3A_511 = arith.index_cast %mul3A_510 : i32 to index
      %swap3A_512 = tpu.vector_load %arg6[%swap3A_511] {strides = array<i32>} : memref<4096xf32, #tpu.memory_space<vmem>>, vector<16xf32>,
      tpu.vector_store %arg6[%swap3A_511], %broadcast_in_dim3A_3 {strides = array<i32>} : memref<4096xf32, #tpu.memory_space<vmem>>, vector<16xf32>,
      %scan3A_513 = arith.constant 0 : i32
      %scan3A_514 = arith.constant 3 : i32
      %scan3A_515 = arith.addi %scan3A_493, %scan3A_514 : i32
      %mul3A_516 = arith.constant 16 : i32
      %mul3A_517 = arith.muli %scan3A_515, %mul3A_516 : i32
      %swap3A_518 = arith.index_cast %mul3A_517 : i32 to index
      %swap3A_519 = tpu.vector_load %arg6[%swap3A_518] {strides = array<i32>} : memref<4096xf32, #tpu.memory_space<vmem>>, vector<16xf32>,
      tpu.vector_store %arg6[%swap3A_518], %broadcast_in_dim3A_3 {strides = array<i32>} : memref<4096xf32, #tpu.memory_space<vmem>>, vector<16xf32>,
      %scan3A_520 = arith.constant 0 : i32
      %scan3A_521 = arith.constant 4 : i32
      %scan3A_522 = arith.addi %scan3A_493, %scan3A_521 : i32
      %mul3A_523 = arith.constant 16 : i32
      %mul3A_524 = arith.muli %scan3A_522, %mul3A_523 : i32
      %swap3A_525 = arith.index_cast %mul3A_524 : i32 to index
      %swap3A_526 = tpu.vector_load %arg6[%swap3A_525] {strides = array<i32>} : memref<4096xf32, #tpu.memory_space<vmem>>, vector<16xf32>,
      tpu.vector_store %arg6[%swap3A_525], %broadcast_in_dim3A_3 {strides = array<i32>} : memref<4096xf32, #tpu.memory_space<vmem>>, vector<16xf32>,
      %scan3A_527 = arith.constant 0 : i32
      %scan3A_528 = arith.constant 5 : i32
      %scan3A_529 = arith.addi %scan3A_493, %scan3A_528 : i32
      %mul3A_530 = arith.constant 16 : i32
      %mul3A_531 = arith.muli %scan3A_529, %mul3A_530 : i32
      %swap3A_532 = arith.index_cast %mul3A_531 : i32 to index
      %swap3A_533 = tpu.vector_load %arg6[%swap3A_532] {strides = array<i32>} : memref<4096xf32, #tpu.memory_space<vmem>>, vector<16xf32>,
      tpu.vector_store %arg6[%swap3A_532], %broadcast_in_dim3A_3 {strides = array<i32>} : memref<4096xf32, #tpu.memory_space<vmem>>, vector<16xf32>,
      %scan3A_534 = arith.constant 0 : i32
      %scan3A_535 = arith.constant 6 : i32
      %scan3A_536 = arith.addi %scan3A_493, %scan3A_535 : i32
      %mul3A_537 = arith.constant 16 : i32
      %mul3A_538 = arith.muli %scan3A_536, %mul3A_537 : i32
      %swap3A_539 = arith.index_cast %mul3A_538 : i32 to index
      %swap3A_540 = tpu.vector_load %arg6[%swap3A_539] {strides = array<i32>} : memref<4096xf32, #tpu.memory_space<vmem>>, vector<16xf32>,
      tpu.vector_store %arg6[%swap3A_539], %broadcast_in_dim3A_3 {strides = array<i32>} : memref<4096xf32, #tpu.memory_space<vmem>>, vector<16xf32>,
      %scan3A_541 = arith.constant 0 : i32
      %scan3A_542 = arith.constant 7 : i32
      %scan3A_543 = arith.addi %scan3A_493, %scan3A_542 : i32
      %mul3A_544 = arith.constant 16 : i32
      %mul3A_545 = arith.muli %scan3A_543, %mul3A_544 : i32
      %swap3A_546 = arith.index_cast %mul3A_545 : i32 to index
      %swap3A_547 = tpu.vector_load %arg6[%swap3A_546] {strides = array<i32>} : memref<4096xf32, #tpu.memory_space<vmem>>, vector<16xf32>,
      tpu.vector_store %arg6[%swap3A_546], %broadcast_in_dim3A_3 {strides = array<i32>} : memref<4096xf32, #tpu.memory_space<vmem>>, vector<16xf32>,
      %scan3A_548 = arith.constant 0 : i32
      scf.yield %scan3A_548 : i32
    }
    %scan3A_249 = arith.constant 256 : i32
    %parallel_loop3A_250 = arith.constant 0 : i32
    %parallel_loop3A_251 = arith.constant 6250 : i32
    %parallel_loop3A_252 = arith.constant 1 : i32
    scf.for %parallel_loop3A_493 = %parallel_loop3A_250 to %parallel_loop3A_251 step %parallel_loop3A_252  : i32 {
      %parallel_loop3A_494 = arith.constant 16 : i32
      %parallel_loop3A_495 = arith.muli %parallel_loop3A_493, %parallel_loop3A_494 : i32
      %parallel_loop3A_496 = arith.index_cast %parallel_loop3A_495 : i32 to index
      %parallel_loop3A_497 = tpu.vector_load %arg5[%parallel_loop3A_496] {strides = array<i32>} : memref<100000xf32, #tpu.memory_space<vmem>>, vector<16xf32>,
      %parallel_loop3A_498 = tpu.bitcast %parallel_loop3A_497 : vector<16xf32> -> vector<16xi32>
      %parallel_loop3A_499 = tpu.bitcast %parallel_loop3A_497 : vector<16xf32> -> vector<16xi32>
      %parallel_loop3A_500 = arith.constant 31 : i32
      %parallel_loop3A_501 = vector.broadcast %parallel_loop3A_500 : i32 to vector<16xi32>
      %parallel_loop3A_502 = arith.shrsi %parallel_loop3A_499, %parallel_loop3A_501 : vector<16xi32>
      %parallel_loop3A_503 = tpu.bitcast %parallel_loop3A_502 : vector<16xi32> -> vector<16xi32>
      %parallel_loop3A_504 = arith.constant -2147483648 : i32
      %parallel_loop3A_505 = vector.broadcast %parallel_loop3A_504 : i32 to vector<16xi32>
      %parallel_loop3A_506 = arith.ori %parallel_loop3A_503, %parallel_loop3A_505 : vector<16xi32>
      %parallel_loop3A_507 = arith.xori %parallel_loop3A_498, %parallel_loop3A_506 : vector<16xi32>
      %parallel_loop3A_508 = arith.constant 24 : i32
      %parallel_loop3A_509 = vector.broadcast %parallel_loop3A_508 : i32 to vector<16xi32>
      %parallel_loop3A_510 = arith.shrui %parallel_loop3A_507, %parallel_loop3A_509 : vector<16xi32>
      %parallel_loop3A_511 = tpu.bitcast %parallel_loop3A_510 : vector<16xi32> -> vector<16xi32>
      %parallel_loop3A_512 = arith.constant 16 : i32
      %parallel_loop3A_513 = vector.broadcast %parallel_loop3A_512 : i32 to vector<16xi32>
      %parallel_loop3A_514 = arith.muli %parallel_loop3A_511, %parallel_loop3A_513 : vector<16xi32>
      %parallel_loop3A_515 = arith.addi %parallel_loop3A_514, %iota3A : vector<16xi32>
      tpu.vector_store_idx %arg6[%parallel_loop3A_515], %broadcast_in_dim3A_1 {add = true} : memref<4096xf32, #tpu.memory_space<vmem>>[vector<16xi32>], vector<16xf32>,
    } {sc.loop_unroll_factor = 10 : i64, sc.parallel_access}
    %broadcast_in_dim3A_253 = vector.broadcast %add3A_242 : i32 to vector<16xi32>
    %gather3A_254 = tpu.vector_load_idx %arg7[%broadcast_in_dim3A_253] : memref<64xi32, #tpu.memory_space<vmem>>[vector<16xi32>], vector<16xi32>,
    %gather3A_255 = tpu.vector_load_idx %arg5[%gather3A_254] : memref<100000xf32, #tpu.memory_space<vmem>>[vector<16xi32>], vector<16xf32>,
    %bitcast_convert_type3A_256 = tpu.bitcast %gather3A_255 : vector<16xf32> -> vector<16xi32>
    %bitcast_convert_type3A_257 = tpu.bitcast %gather3A_255 : vector<16xf32> -> vector<16xi32>
    %broadcast_in_dim3A_258 = arith.constant 31 : i32
    %broadcast_in_dim3A_259 = vector.broadcast %broadcast_in_dim3A_258 : i32 to vector<16xi32>
    %shift_right_arithmetic3A_260 = arith.shrsi %bitcast_convert_type3A_257, %broadcast_in_dim3A_259 : vector<16xi32>
    %bitcast_convert_type3A_261 = tpu.bitcast %shift_right_arithmetic3A_260 : vector<16xi32> -> vector<16xi32>
    %broadcast_in_dim3A_262 = arith.constant -2147483648 : i32
    %broadcast_in_dim3A_263 = vector.broadcast %broadcast_in_dim3A_262 : i32 to vector<16xi32>
    %or3A_264 = arith.ori %bitcast_convert_type3A_261, %broadcast_in_dim3A_263 : vector<16xi32>
    %xor3A_265 = arith.xori %bitcast_convert_type3A_256, %or3A_264 : vector<16xi32>
    %while3A_266 = arith.constant 1.000000e+03 : f32
    %while3A_267 = arith.constant 255 : i32
    %while3A_268 = arith.constant 0.000000e+00 : f32
    %while3A_269 = arith.constant 0.000000e+00 : f32
    %while3A_270:3 = scf.while (%while3A_493 = %while3A_267, %while3A_494 = %while3A_268, %while3A_495 = %while3A_269) : (i32, f32, f32) -> (i32, f32, f32) {
      %lt3A = arith.cmpf olt, %while3A_494, %while3A_266 : f32
      %ge3A_496 = arith.constant 0 : i32
      %ge3A_497 = arith.cmpi sge, %while3A_493, %ge3A_496 : i32
      %and3A = arith.andi %lt3A, %ge3A_497 : i1
      scf.condition(%and3A) %while3A_493, %while3A_494, %while3A_495 : i32, f32, f32
    } do {
    ^bb0(%while3A_493: i32, %while3A_494: f32, %while3A_495: f32):
      %mul3A_496 = arith.constant 16 : i32
      %mul3A_497 = arith.muli %while3A_493, %mul3A_496 : i32
      %get3A = arith.index_cast %mul3A_497 : i32 to index
      %get3A_498 = tpu.vector_load %arg6[%get3A] {strides = array<i32>} : memref<4096xf32, #tpu.memory_space<vmem>>, vector<16xf32>,
      %reduce_sum3A_499 = arith.constant true
      %reduce_sum3A_500 = vector.broadcast %reduce_sum3A_499 : i1 to vector<16xi1>
      %reduce_sum3A_501 = tpu.scan <sum>, %get3A_498 masked %reduce_sum3A_500 : vector<16xf32>, vector<16xi1> -> vector<16xf32>
      %reduce_sum3A_502 = vector.extract %reduce_sum3A_501[15] : f32 from vector<16xf32>
      %sub3A_503 = arith.constant 1 : i32
      %sub3A_504 = arith.subi %while3A_493, %sub3A_503 : i32
      %add3A_505 = arith.addf %while3A_494, %reduce_sum3A_502 : f32
      scf.yield %sub3A_504, %add3A_505, %while3A_494 : i32, f32, f32
    }
    %add3A_271 = arith.constant 1 : i32
    %add3A_272 = arith.addi %while3A_270#0, %add3A_271 : i32
    %broadcast_in_dim3A_273 = vector.broadcast %add3A_272 : i32 to vector<16xi32>
    %sub3A_274 = arith.constant 1.000000e+03 : f32
    %sub3A_275 = arith.subf %sub3A_274, %while3A_270#2 : f32
    %broadcast_in_dim3A_276 = arith.constant 0 : i32
    %broadcast_in_dim3A_277 = vector.broadcast %broadcast_in_dim3A_276 : i32 to vector<16xi32>
    %parallel_loop3A_278 = arith.constant 0 : i32
    %parallel_loop3A_279 = arith.constant 6250 : i32
    %parallel_loop3A_280 = arith.constant 1 : i32
    %parallel_loop3A_281 = scf.for %parallel_loop3A_493 = %parallel_loop3A_278 to %parallel_loop3A_279 step %parallel_loop3A_280 iter_args(%parallel_loop3A_494 = %broadcast_in_dim3A_277) -> (vector<16xi32>)  : i32 {
      %parallel_loop3A_495 = arith.constant 16 : i32
      %parallel_loop3A_496 = arith.muli %parallel_loop3A_493, %parallel_loop3A_495 : i32
      %parallel_loop3A_497 = arith.index_cast %parallel_loop3A_496 : i32 to index
      %parallel_loop3A_498 = tpu.vector_load %arg5[%parallel_loop3A_497] {strides = array<i32>} : memref<100000xf32, #tpu.memory_space<vmem>>, vector<16xf32>,
      %parallel_loop3A_499 = tpu.bitcast %parallel_loop3A_498 : vector<16xf32> -> vector<16xi32>
      %parallel_loop3A_500 = tpu.bitcast %parallel_loop3A_498 : vector<16xf32> -> vector<16xi32>
      %parallel_loop3A_501 = arith.constant 31 : i32
      %parallel_loop3A_502 = vector.broadcast %parallel_loop3A_501 : i32 to vector<16xi32>
      %parallel_loop3A_503 = arith.shrsi %parallel_loop3A_500, %parallel_loop3A_502 : vector<16xi32>
      %parallel_loop3A_504 = tpu.bitcast %parallel_loop3A_503 : vector<16xi32> -> vector<16xi32>
      %parallel_loop3A_505 = arith.constant -2147483648 : i32
      %parallel_loop3A_506 = vector.broadcast %parallel_loop3A_505 : i32 to vector<16xi32>
      %parallel_loop3A_507 = arith.ori %parallel_loop3A_504, %parallel_loop3A_506 : vector<16xi32>
      %parallel_loop3A_508 = arith.xori %parallel_loop3A_499, %parallel_loop3A_507 : vector<16xi32>
      %parallel_loop3A_509 = arith.constant 24 : i32
      %parallel_loop3A_510 = vector.broadcast %parallel_loop3A_509 : i32 to vector<16xi32>
      %parallel_loop3A_511 = arith.shrui %parallel_loop3A_508, %parallel_loop3A_510 : vector<16xi32>
      %parallel_loop3A_512 = arith.cmpi uge, %parallel_loop3A_511, %broadcast_in_dim3A_273 : vector<16xi32>
      %parallel_loop3A_513 = arith.extui %parallel_loop3A_512 : vector<16xi1> to vector<16xi32>
      %parallel_loop3A_514 = arith.constant true
      %parallel_loop3A_515 = vector.broadcast %parallel_loop3A_514 : i1 to vector<16xi1>
      %parallel_loop3A_516 = tpu.scan <sum>, %parallel_loop3A_513 masked %parallel_loop3A_515 : vector<16xi32>, vector<16xi1> -> vector<16xi32>
      %parallel_loop3A_517 = arith.addi %parallel_loop3A_494, %parallel_loop3A_516 : vector<16xi32>
      %parallel_loop3A_518 = arith.subi %parallel_loop3A_517, %parallel_loop3A_513 : vector<16xi32>
      tpu.vector_store_idx %arg5[%parallel_loop3A_518], %parallel_loop3A_498 masked %parallel_loop3A_512 : memref<100000xf32, #tpu.memory_space<vmem>>[vector<16xi32>], vector<16xf32>, vector<16xi1>
      %parallel_loop3A_519 = tpu.all_reduce %parallel_loop3A_512 {dim = 0 : i64, kind = #tpu.reduction_kind<sum>} : vector<16xi1> -> vector<16xi32>
      %parallel_loop3A_520 = arith.addi %parallel_loop3A_494, %parallel_loop3A_519 : vector<16xi32>
      scf.yield %parallel_loop3A_520 : vector<16xi32>
    } {sc.loop_unroll_factor = 10 : i64, sc.parallel_access}
    %reduce_max3A_282 = arith.constant true
    %reduce_max3A_283 = vector.broadcast %reduce_max3A_282 : i1 to vector<16xi1>
    %reduce_max3A_284 = arith.constant -2147483648 : i32
    %reduce_max3A_285 = vector.broadcast %reduce_max3A_284 : i32 to vector<16xi32>
    %reduce_max3A_286 = arith.xori %parallel_loop3A_281, %reduce_max3A_285 : vector<16xi32>
    %reduce_max3A_287 = tpu.scan <max>, %reduce_max3A_286 masked %reduce_max3A_283 : vector<16xi32>, vector<16xi1> -> vector<16xi32>
    %reduce_max3A_288 = arith.xori %reduce_max3A_287, %reduce_max3A_285 : vector<16xi32>
    %reduce_max3A_289 = vector.extract %reduce_max3A_288[15] : i32 from vector<16xi32>
    %add3A_290 = arith.constant 15 : i32
    %add3A_291 = arith.addi %reduce_max3A_289, %add3A_290 : i32
    %div3A_292 = arith.constant 16 : i32
    %div3A_293 = arith.divsi %add3A_291, %div3A_292 : i32
    %broadcast_in_dim3A_294 = arith.constant -2147483648 : i32
    %broadcast_in_dim3A_295 = vector.broadcast %broadcast_in_dim3A_294 : i32 to vector<16xi32>
    %while3A_296 = arith.constant 0 : i32
    %while3A_297 = arith.subi %div3A_293, %while3A_296 : i32
    %while3A_298 = arith.addi %while3A_296, %while3A_297 : i32
    %while3A_299 = arith.constant 1 : i32
    %while3A_300 = arith.divsi %while3A_297, %while3A_299 : i32
    %while3A_301 = arith.muli %while3A_300, %while3A_299 : i32
    %while3A_302 = arith.addi %while3A_296, %while3A_301 : i32
    %while3A_303 = arith.constant 1 : i32
    %while3A_304 = scf.for %while3A_493 = %while3A_296 to %while3A_302 step %while3A_303 iter_args(%while3A_494 = %broadcast_in_dim3A_295) -> (vector<16xi32>)  : i32 {
      %mul3A_495 = arith.constant 16 : i32
      %mul3A_496 = arith.muli %while3A_493, %mul3A_495 : i32
      %get3A = arith.index_cast %mul3A_496 : i32 to index
      %get3A_497 = tpu.vector_load %arg5[%get3A] {strides = array<i32>} : memref<100000xf32, #tpu.memory_space<vmem>>, vector<16xf32>,
      %bitcast_convert_type3A_498 = tpu.bitcast %get3A_497 : vector<16xf32> -> vector<16xi32>
      %bitcast_convert_type3A_499 = tpu.bitcast %get3A_497 : vector<16xf32> -> vector<16xi32>
      %broadcast_in_dim3A_500 = arith.constant 31 : i32
      %broadcast_in_dim3A_501 = vector.broadcast %broadcast_in_dim3A_500 : i32 to vector<16xi32>
      %shift_right_arithmetic3A_502 = arith.shrsi %bitcast_convert_type3A_499, %broadcast_in_dim3A_501 : vector<16xi32>
      %bitcast_convert_type3A_503 = tpu.bitcast %shift_right_arithmetic3A_502 : vector<16xi32> -> vector<16xi32>
      %broadcast_in_dim3A_504 = arith.constant -2147483648 : i32
      %broadcast_in_dim3A_505 = vector.broadcast %broadcast_in_dim3A_504 : i32 to vector<16xi32>
      %or3A_506 = arith.ori %bitcast_convert_type3A_503, %broadcast_in_dim3A_505 : vector<16xi32>
      %xor3A_507 = arith.xori %bitcast_convert_type3A_498, %or3A_506 : vector<16xi32>
      %broadcast_in_dim3A_508 = arith.constant -2147483648 : i32
      %broadcast_in_dim3A_509 = vector.broadcast %broadcast_in_dim3A_508 : i32 to vector<16xi32>
      %xor3A_510 = arith.xori %xor3A_507, %broadcast_in_dim3A_509 : vector<16xi32>
      %bitcast_convert_type3A_511 = tpu.bitcast %xor3A_510 : vector<16xi32> -> vector<16xi32>
      %mul3A_512 = arith.constant 16 : i32
      %mul3A_513 = arith.muli %while3A_493, %mul3A_512 : i32
      %add3A_514 = vector.broadcast %mul3A_513 : i32 to vector<16xi32>
      %add3A_515 = arith.addi %add3A_514, %iota3A : vector<16xi32>
      %lt3A = vector.broadcast %reduce_max3A_289 : i32 to vector<16xi32>
      %lt3A_516 = arith.cmpi slt, %add3A_515, %lt3A : vector<16xi32>
      %broadcast_in_dim3A_517 = arith.constant -2147483648 : i32
      %broadcast_in_dim3A_518 = vector.broadcast %broadcast_in_dim3A_517 : i32 to vector<16xi32>
      %select_n3A_519 = arith.select %lt3A_516, %bitcast_convert_type3A_511, %broadcast_in_dim3A_518 : vector<16xi1>, vector<16xi32>
      %max3A = arith.maxsi %while3A_494, %select_n3A_519 : vector<16xi32>
      scf.yield %max3A : vector<16xi32>
    }
    %while3A_305 = arith.constant 1 : i32
    %while3A_306 = scf.for %while3A_493 = %while3A_302 to %while3A_298 step %while3A_305 iter_args(%while3A_494 = %while3A_304) -> (vector<16xi32>)  : i32 {
      %mul3A_495 = arith.constant 16 : i32
      %mul3A_496 = arith.muli %while3A_493, %mul3A_495 : i32
      %get3A = arith.index_cast %mul3A_496 : i32 to index
      %get3A_497 = tpu.vector_load %arg5[%get3A] {strides = array<i32>} : memref<100000xf32, #tpu.memory_space<vmem>>, vector<16xf32>,
      %bitcast_convert_type3A_498 = tpu.bitcast %get3A_497 : vector<16xf32> -> vector<16xi32>
      %bitcast_convert_type3A_499 = tpu.bitcast %get3A_497 : vector<16xf32> -> vector<16xi32>
      %broadcast_in_dim3A_500 = arith.constant 31 : i32
      %broadcast_in_dim3A_501 = vector.broadcast %broadcast_in_dim3A_500 : i32 to vector<16xi32>
      %shift_right_arithmetic3A_502 = arith.shrsi %bitcast_convert_type3A_499, %broadcast_in_dim3A_501 : vector<16xi32>
      %bitcast_convert_type3A_503 = tpu.bitcast %shift_right_arithmetic3A_502 : vector<16xi32> -> vector<16xi32>
      %broadcast_in_dim3A_504 = arith.constant -2147483648 : i32
      %broadcast_in_dim3A_505 = vector.broadcast %broadcast_in_dim3A_504 : i32 to vector<16xi32>
      %or3A_506 = arith.ori %bitcast_convert_type3A_503, %broadcast_in_dim3A_505 : vector<16xi32>
      %xor3A_507 = arith.xori %bitcast_convert_type3A_498, %or3A_506 : vector<16xi32>
      %broadcast_in_dim3A_508 = arith.constant -2147483648 : i32
      %broadcast_in_dim3A_509 = vector.broadcast %broadcast_in_dim3A_508 : i32 to vector<16xi32>
      %xor3A_510 = arith.xori %xor3A_507, %broadcast_in_dim3A_509 : vector<16xi32>
      %bitcast_convert_type3A_511 = tpu.bitcast %xor3A_510 : vector<16xi32> -> vector<16xi32>
      %mul3A_512 = arith.constant 16 : i32
      %mul3A_513 = arith.muli %while3A_493, %mul3A_512 : i32
      %add3A_514 = vector.broadcast %mul3A_513 : i32 to vector<16xi32>
      %add3A_515 = arith.addi %add3A_514, %iota3A : vector<16xi32>
      %lt3A = vector.broadcast %reduce_max3A_289 : i32 to vector<16xi32>
      %lt3A_516 = arith.cmpi slt, %add3A_515, %lt3A : vector<16xi32>
      %broadcast_in_dim3A_517 = arith.constant -2147483648 : i32
      %broadcast_in_dim3A_518 = vector.broadcast %broadcast_in_dim3A_517 : i32 to vector<16xi32>
      %select_n3A_519 = arith.select %lt3A_516, %bitcast_convert_type3A_511, %broadcast_in_dim3A_518 : vector<16xi1>, vector<16xi32>
      %max3A = arith.maxsi %while3A_494, %select_n3A_519 : vector<16xi32>
      scf.yield %max3A : vector<16xi32>
    }
    %reduce_max3A_307 = arith.constant true
    %reduce_max3A_308 = vector.broadcast %reduce_max3A_307 : i1 to vector<16xi1>
    %reduce_max3A_309 = arith.constant -2147483648 : i32
    %reduce_max3A_310 = vector.broadcast %reduce_max3A_309 : i32 to vector<16xi32>
    %reduce_max3A_311 = arith.xori %while3A_306, %reduce_max3A_310 : vector<16xi32>
    %reduce_max3A_312 = tpu.scan <max>, %reduce_max3A_311 masked %reduce_max3A_308 : vector<16xi32>, vector<16xi1> -> vector<16xi32>
    %reduce_max3A_313 = arith.xori %reduce_max3A_312, %reduce_max3A_310 : vector<16xi32>
    %reduce_max3A_314 = vector.extract %reduce_max3A_313[15] : i32 from vector<16xi32>
    %broadcast_in_dim3A_315 = vector.broadcast %reduce_max3A_314 : i32 to vector<16xi32>
    %bitcast_convert_type3A_316 = tpu.bitcast %broadcast_in_dim3A_315 : vector<16xi32> -> vector<16xi32>
    %broadcast_in_dim3A_317 = arith.constant -2147483648 : i32
    %broadcast_in_dim3A_318 = vector.broadcast %broadcast_in_dim3A_317 : i32 to vector<16xi32>
    %xor3A_319 = arith.xori %bitcast_convert_type3A_316, %broadcast_in_dim3A_318 : vector<16xi32>
    %broadcast_in_dim3A_320 = arith.constant -2147483648 : i32
    %broadcast_in_dim3A_321 = vector.broadcast %broadcast_in_dim3A_320 : i32 to vector<16xi32>
    %ge3A_322 = arith.cmpi uge, %xor3A_319, %broadcast_in_dim3A_321 : vector<16xi32>
    %broadcast_in_dim3A_323 = arith.constant -2147483648 : i32
    %broadcast_in_dim3A_324 = vector.broadcast %broadcast_in_dim3A_323 : i32 to vector<16xi32>
    %xor3A_325 = arith.xori %xor3A_319, %broadcast_in_dim3A_324 : vector<16xi32>
    %not3A_326 = arith.constant dense<-1> : vector<16xi32>
    %not3A_327 = arith.xori %xor3A_319, %not3A_326 : vector<16xi32>
    %select_n3A_328 = arith.select %ge3A_322, %xor3A_325, %not3A_327 : vector<16xi1>, vector<16xi32>
    %bitcast_convert_type3A_329 = tpu.bitcast %select_n3A_328 : vector<16xi32> -> vector<16xf32>
    %scan3A_330 = arith.constant 0 : i32
    %scan3A_331 = arith.constant 0 : i32
    %scan3A_332 = arith.constant 256 : i32
    %scan3A_333 = arith.addi %scan3A_331, %scan3A_332 : i32
    %scan3A_334 = arith.constant 8 : i32
    %scan3A_335 = scf.for %scan3A_493 = %scan3A_331 to %scan3A_333 step %scan3A_334 iter_args(%scan3A_494 = %scan3A_330) -> (i32)  : i32 {
      %mul3A_495 = arith.constant 16 : i32
      %mul3A_496 = arith.muli %scan3A_493, %mul3A_495 : i32
      %swap3A_497 = arith.index_cast %mul3A_496 : i32 to index
      %swap3A_498 = tpu.vector_load %arg6[%swap3A_497] {strides = array<i32>} : memref<4096xf32, #tpu.memory_space<vmem>>, vector<16xf32>,
      tpu.vector_store %arg6[%swap3A_497], %broadcast_in_dim3A_3 {strides = array<i32>} : memref<4096xf32, #tpu.memory_space<vmem>>, vector<16xf32>,
      %scan3A_499 = arith.constant 0 : i32
      %scan3A_500 = arith.constant 1 : i32
      %scan3A_501 = arith.addi %scan3A_493, %scan3A_500 : i32
      %mul3A_502 = arith.constant 16 : i32
      %mul3A_503 = arith.muli %scan3A_501, %mul3A_502 : i32
      %swap3A_504 = arith.index_cast %mul3A_503 : i32 to index
      %swap3A_505 = tpu.vector_load %arg6[%swap3A_504] {strides = array<i32>} : memref<4096xf32, #tpu.memory_space<vmem>>, vector<16xf32>,
      tpu.vector_store %arg6[%swap3A_504], %broadcast_in_dim3A_3 {strides = array<i32>} : memref<4096xf32, #tpu.memory_space<vmem>>, vector<16xf32>,
      %scan3A_506 = arith.constant 0 : i32
      %scan3A_507 = arith.constant 2 : i32
      %scan3A_508 = arith.addi %scan3A_493, %scan3A_507 : i32
      %mul3A_509 = arith.constant 16 : i32
      %mul3A_510 = arith.muli %scan3A_508, %mul3A_509 : i32
      %swap3A_511 = arith.index_cast %mul3A_510 : i32 to index
      %swap3A_512 = tpu.vector_load %arg6[%swap3A_511] {strides = array<i32>} : memref<4096xf32, #tpu.memory_space<vmem>>, vector<16xf32>,
      tpu.vector_store %arg6[%swap3A_511], %broadcast_in_dim3A_3 {strides = array<i32>} : memref<4096xf32, #tpu.memory_space<vmem>>, vector<16xf32>,
      %scan3A_513 = arith.constant 0 : i32
      %scan3A_514 = arith.constant 3 : i32
      %scan3A_515 = arith.addi %scan3A_493, %scan3A_514 : i32
      %mul3A_516 = arith.constant 16 : i32
      %mul3A_517 = arith.muli %scan3A_515, %mul3A_516 : i32
      %swap3A_518 = arith.index_cast %mul3A_517 : i32 to index
      %swap3A_519 = tpu.vector_load %arg6[%swap3A_518] {strides = array<i32>} : memref<4096xf32, #tpu.memory_space<vmem>>, vector<16xf32>,
      tpu.vector_store %arg6[%swap3A_518], %broadcast_in_dim3A_3 {strides = array<i32>} : memref<4096xf32, #tpu.memory_space<vmem>>, vector<16xf32>,
      %scan3A_520 = arith.constant 0 : i32
      %scan3A_521 = arith.constant 4 : i32
      %scan3A_522 = arith.addi %scan3A_493, %scan3A_521 : i32
      %mul3A_523 = arith.constant 16 : i32
      %mul3A_524 = arith.muli %scan3A_522, %mul3A_523 : i32
      %swap3A_525 = arith.index_cast %mul3A_524 : i32 to index
      %swap3A_526 = tpu.vector_load %arg6[%swap3A_525] {strides = array<i32>} : memref<4096xf32, #tpu.memory_space<vmem>>, vector<16xf32>,
      tpu.vector_store %arg6[%swap3A_525], %broadcast_in_dim3A_3 {strides = array<i32>} : memref<4096xf32, #tpu.memory_space<vmem>>, vector<16xf32>,
      %scan3A_527 = arith.constant 0 : i32
      %scan3A_528 = arith.constant 5 : i32
      %scan3A_529 = arith.addi %scan3A_493, %scan3A_528 : i32
      %mul3A_530 = arith.constant 16 : i32
      %mul3A_531 = arith.muli %scan3A_529, %mul3A_530 : i32
      %swap3A_532 = arith.index_cast %mul3A_531 : i32 to index
      %swap3A_533 = tpu.vector_load %arg6[%swap3A_532] {strides = array<i32>} : memref<4096xf32, #tpu.memory_space<vmem>>, vector<16xf32>,
      tpu.vector_store %arg6[%swap3A_532], %broadcast_in_dim3A_3 {strides = array<i32>} : memref<4096xf32, #tpu.memory_space<vmem>>, vector<16xf32>,
      %scan3A_534 = arith.constant 0 : i32
      %scan3A_535 = arith.constant 6 : i32
      %scan3A_536 = arith.addi %scan3A_493, %scan3A_535 : i32
      %mul3A_537 = arith.constant 16 : i32
      %mul3A_538 = arith.muli %scan3A_536, %mul3A_537 : i32
      %swap3A_539 = arith.index_cast %mul3A_538 : i32 to index
      %swap3A_540 = tpu.vector_load %arg6[%swap3A_539] {strides = array<i32>} : memref<4096xf32, #tpu.memory_space<vmem>>, vector<16xf32>,
      tpu.vector_store %arg6[%swap3A_539], %broadcast_in_dim3A_3 {strides = array<i32>} : memref<4096xf32, #tpu.memory_space<vmem>>, vector<16xf32>,
      %scan3A_541 = arith.constant 0 : i32
      %scan3A_542 = arith.constant 7 : i32
      %scan3A_543 = arith.addi %scan3A_493, %scan3A_542 : i32
      %mul3A_544 = arith.constant 16 : i32
      %mul3A_545 = arith.muli %scan3A_543, %mul3A_544 : i32
      %swap3A_546 = arith.index_cast %mul3A_545 : i32 to index
      %swap3A_547 = tpu.vector_load %arg6[%swap3A_546] {strides = array<i32>} : memref<4096xf32, #tpu.memory_space<vmem>>, vector<16xf32>,
      tpu.vector_store %arg6[%swap3A_546], %broadcast_in_dim3A_3 {strides = array<i32>} : memref<4096xf32, #tpu.memory_space<vmem>>, vector<16xf32>,
      %scan3A_548 = arith.constant 0 : i32
      scf.yield %scan3A_548 : i32
    }
    %scan3A_336 = arith.constant 256 : i32
    %while3A_337 = arith.constant 0 : i32
    %while3A_338 = arith.constant 0 : i32
    %while3A_339 = arith.subi %div3A_293, %while3A_337 : i32
    %while3A_340 = arith.addi %while3A_337, %while3A_339 : i32
    %while3A_341 = arith.constant 1 : i32
    %while3A_342 = arith.divsi %while3A_339, %while3A_341 : i32
    %while3A_343 = arith.muli %while3A_342, %while3A_341 : i32
    %while3A_344 = arith.addi %while3A_337, %while3A_343 : i32
    %while3A_345 = arith.constant 1 : i32
    %while3A_346 = scf.for %while3A_493 = %while3A_337 to %while3A_344 step %while3A_345 iter_args(%while3A_494 = %while3A_338) -> (i32)  : i32 {
      %mul3A_495 = arith.constant 16 : i32
      %mul3A_496 = arith.muli %while3A_493, %mul3A_495 : i32
      %get3A = arith.index_cast %mul3A_496 : i32 to index
      %get3A_497 = tpu.vector_load %arg5[%get3A] {strides = array<i32>} : memref<100000xf32, #tpu.memory_space<vmem>>, vector<16xf32>,
      %bitcast_convert_type3A_498 = tpu.bitcast %get3A_497 : vector<16xf32> -> vector<16xi32>
      %bitcast_convert_type3A_499 = tpu.bitcast %get3A_497 : vector<16xf32> -> vector<16xi32>
      %broadcast_in_dim3A_500 = arith.constant 31 : i32
      %broadcast_in_dim3A_501 = vector.broadcast %broadcast_in_dim3A_500 : i32 to vector<16xi32>
      %shift_right_arithmetic3A_502 = arith.shrsi %bitcast_convert_type3A_499, %broadcast_in_dim3A_501 : vector<16xi32>
      %bitcast_convert_type3A_503 = tpu.bitcast %shift_right_arithmetic3A_502 : vector<16xi32> -> vector<16xi32>
      %broadcast_in_dim3A_504 = arith.constant -2147483648 : i32
      %broadcast_in_dim3A_505 = vector.broadcast %broadcast_in_dim3A_504 : i32 to vector<16xi32>
      %or3A_506 = arith.ori %bitcast_convert_type3A_503, %broadcast_in_dim3A_505 : vector<16xi32>
      %xor3A_507 = arith.xori %bitcast_convert_type3A_498, %or3A_506 : vector<16xi32>
      %mul3A_508 = arith.constant 16 : i32
      %mul3A_509 = arith.muli %while3A_493, %mul3A_508 : i32
      %add3A_510 = vector.broadcast %mul3A_509 : i32 to vector<16xi32>
      %add3A_511 = arith.addi %add3A_510, %iota3A : vector<16xi32>
      %lt3A = vector.broadcast %reduce_max3A_289 : i32 to vector<16xi32>
      %lt3A_512 = arith.cmpi slt, %add3A_511, %lt3A : vector<16xi32>
      %broadcast_in_dim3A_513 = arith.constant 24 : i32
      %broadcast_in_dim3A_514 = vector.broadcast %broadcast_in_dim3A_513 : i32 to vector<16xi32>
      %shift_right_logical3A = arith.shrui %xor3A_507, %broadcast_in_dim3A_514 : vector<16xi32>
      %eq3A_515 = arith.cmpi eq, %shift_right_logical3A, %broadcast_in_dim3A_273 : vector<16xi32>
      %broadcast_in_dim3A_516 = arith.constant 16 : i32
      %broadcast_in_dim3A_517 = vector.broadcast %broadcast_in_dim3A_516 : i32 to vector<16xi32>
      %shift_right_logical3A_518 = arith.shrui %xor3A_507, %broadcast_in_dim3A_517 : vector<16xi32>
      %broadcast_in_dim3A_519 = arith.constant 255 : i32
      %broadcast_in_dim3A_520 = vector.broadcast %broadcast_in_dim3A_519 : i32 to vector<16xi32>
      %and3A = arith.andi %shift_right_logical3A_518, %broadcast_in_dim3A_520 : vector<16xi32>
      %bitcast_convert_type3A_521 = tpu.bitcast %and3A : vector<16xi32> -> vector<16xi32>
      %mul3A_522 = arith.constant 16 : i32
      %mul3A_523 = vector.broadcast %mul3A_522 : i32 to vector<16xi32>
      %mul3A_524 = arith.muli %bitcast_convert_type3A_521, %mul3A_523 : vector<16xi32>
      %add3A_525 = arith.addi %mul3A_524, %iota3A : vector<16xi32>
      %and3A_526 = arith.andi %lt3A_512, %eq3A_515 : vector<16xi1>
      tpu.vector_store_idx %arg6[%add3A_525], %broadcast_in_dim3A_1 masked %and3A_526 {add = true} : memref<4096xf32, #tpu.memory_space<vmem>>[vector<16xi32>], vector<16xf32>, vector<16xi1>
      %while3A_527 = arith.constant 0 : i32
      scf.yield %while3A_527 : i32
    }
    %while3A_347 = arith.constant 1 : i32
    %while3A_348 = scf.for %while3A_493 = %while3A_344 to %while3A_340 step %while3A_347 iter_args(%while3A_494 = %while3A_346) -> (i32)  : i32 {
      %mul3A_495 = arith.constant 16 : i32
      %mul3A_496 = arith.muli %while3A_493, %mul3A_495 : i32
      %get3A = arith.index_cast %mul3A_496 : i32 to index
      %get3A_497 = tpu.vector_load %arg5[%get3A] {strides = array<i32>} : memref<100000xf32, #tpu.memory_space<vmem>>, vector<16xf32>,
      %bitcast_convert_type3A_498 = tpu.bitcast %get3A_497 : vector<16xf32> -> vector<16xi32>
      %bitcast_convert_type3A_499 = tpu.bitcast %get3A_497 : vector<16xf32> -> vector<16xi32>
      %broadcast_in_dim3A_500 = arith.constant 31 : i32
      %broadcast_in_dim3A_501 = vector.broadcast %broadcast_in_dim3A_500 : i32 to vector<16xi32>
      %shift_right_arithmetic3A_502 = arith.shrsi %bitcast_convert_type3A_499, %broadcast_in_dim3A_501 : vector<16xi32>
      %bitcast_convert_type3A_503 = tpu.bitcast %shift_right_arithmetic3A_502 : vector<16xi32> -> vector<16xi32>
      %broadcast_in_dim3A_504 = arith.constant -2147483648 : i32
      %broadcast_in_dim3A_505 = vector.broadcast %broadcast_in_dim3A_504 : i32 to vector<16xi32>
      %or3A_506 = arith.ori %bitcast_convert_type3A_503, %broadcast_in_dim3A_505 : vector<16xi32>
      %xor3A_507 = arith.xori %bitcast_convert_type3A_498, %or3A_506 : vector<16xi32>
      %mul3A_508 = arith.constant 16 : i32
      %mul3A_509 = arith.muli %while3A_493, %mul3A_508 : i32
      %add3A_510 = vector.broadcast %mul3A_509 : i32 to vector<16xi32>
      %add3A_511 = arith.addi %add3A_510, %iota3A : vector<16xi32>
      %lt3A = vector.broadcast %reduce_max3A_289 : i32 to vector<16xi32>
      %lt3A_512 = arith.cmpi slt, %add3A_511, %lt3A : vector<16xi32>
      %broadcast_in_dim3A_513 = arith.constant 24 : i32
      %broadcast_in_dim3A_514 = vector.broadcast %broadcast_in_dim3A_513 : i32 to vector<16xi32>
      %shift_right_logical3A = arith.shrui %xor3A_507, %broadcast_in_dim3A_514 : vector<16xi32>
      %eq3A_515 = arith.cmpi eq, %shift_right_logical3A, %broadcast_in_dim3A_273 : vector<16xi32>
      %broadcast_in_dim3A_516 = arith.constant 16 : i32
      %broadcast_in_dim3A_517 = vector.broadcast %broadcast_in_dim3A_516 : i32 to vector<16xi32>
      %shift_right_logical3A_518 = arith.shrui %xor3A_507, %broadcast_in_dim3A_517 : vector<16xi32>
      %broadcast_in_dim3A_519 = arith.constant 255 : i32
      %broadcast_in_dim3A_520 = vector.broadcast %broadcast_in_dim3A_519 : i32 to vector<16xi32>
      %and3A = arith.andi %shift_right_logical3A_518, %broadcast_in_dim3A_520 : vector<16xi32>
      %bitcast_convert_type3A_521 = tpu.bitcast %and3A : vector<16xi32> -> vector<16xi32>
      %mul3A_522 = arith.constant 16 : i32
      %mul3A_523 = vector.broadcast %mul3A_522 : i32 to vector<16xi32>
      %mul3A_524 = arith.muli %bitcast_convert_type3A_521, %mul3A_523 : vector<16xi32>
      %add3A_525 = arith.addi %mul3A_524, %iota3A : vector<16xi32>
      %and3A_526 = arith.andi %lt3A_512, %eq3A_515 : vector<16xi1>
      tpu.vector_store_idx %arg6[%add3A_525], %broadcast_in_dim3A_1 masked %and3A_526 {add = true} : memref<4096xf32, #tpu.memory_space<vmem>>[vector<16xi32>], vector<16xf32>, vector<16xi1>
      %while3A_527 = arith.constant 0 : i32
      scf.yield %while3A_527 : i32
    }
    %while3A_349 = arith.constant 255 : i32
    %while3A_350 = arith.constant 0.000000e+00 : f32
    %while3A_351 = arith.constant 0.000000e+00 : f32
    %while3A_352:3 = scf.while (%while3A_493 = %while3A_349, %while3A_494 = %while3A_350, %while3A_495 = %while3A_351) : (i32, f32, f32) -> (i32, f32, f32) {
      %lt3A = arith.cmpf olt, %while3A_494, %sub3A_275 : f32
      %ge3A_496 = arith.constant 0 : i32
      %ge3A_497 = arith.cmpi sge, %while3A_493, %ge3A_496 : i32
      %and3A = arith.andi %lt3A, %ge3A_497 : i1
      scf.condition(%and3A) %while3A_493, %while3A_494, %while3A_495 : i32, f32, f32
    } do {
    ^bb0(%while3A_493: i32, %while3A_494: f32, %while3A_495: f32):
      %mul3A_496 = arith.constant 16 : i32
      %mul3A_497 = arith.muli %while3A_493, %mul3A_496 : i32
      %get3A = arith.index_cast %mul3A_497 : i32 to index
      %get3A_498 = tpu.vector_load %arg6[%get3A] {strides = array<i32>} : memref<4096xf32, #tpu.memory_space<vmem>>, vector<16xf32>,
      %reduce_sum3A_499 = arith.constant true
      %reduce_sum3A_500 = vector.broadcast %reduce_sum3A_499 : i1 to vector<16xi1>
      %reduce_sum3A_501 = tpu.scan <sum>, %get3A_498 masked %reduce_sum3A_500 : vector<16xf32>, vector<16xi1> -> vector<16xf32>
      %reduce_sum3A_502 = vector.extract %reduce_sum3A_501[15] : f32 from vector<16xf32>
      %sub3A_503 = arith.constant 1 : i32
      %sub3A_504 = arith.subi %while3A_493, %sub3A_503 : i32
      %add3A_505 = arith.addf %while3A_494, %reduce_sum3A_502 : f32
      scf.yield %sub3A_504, %add3A_505, %while3A_494 : i32, f32, f32
    }
    %add3A_353 = arith.constant 1 : i32
    %add3A_354 = arith.addi %while3A_352#0, %add3A_353 : i32
    %broadcast_in_dim3A_355 = arith.constant 8 : i32
    %broadcast_in_dim3A_356 = vector.broadcast %broadcast_in_dim3A_355 : i32 to vector<16xi32>
    %shift_left3A_357 = arith.shli %broadcast_in_dim3A_273, %broadcast_in_dim3A_356 : vector<16xi32>
    %broadcast_in_dim3A_358 = vector.broadcast %add3A_354 : i32 to vector<16xi32>
    %or3A_359 = arith.ori %shift_left3A_357, %broadcast_in_dim3A_358 : vector<16xi32>
    %sub3A_360 = arith.subf %sub3A_275, %while3A_352#2 : f32
    %add3A_361 = arith.addf %while3A_270#2, %while3A_352#2 : f32
    %scan3A_362 = arith.constant 0 : i32
    %scan3A_363 = arith.constant 0 : i32
    %scan3A_364 = arith.constant 256 : i32
    %scan3A_365 = arith.addi %scan3A_363, %scan3A_364 : i32
    %scan3A_366 = arith.constant 8 : i32
    %scan3A_367 = scf.for %scan3A_493 = %scan3A_363 to %scan3A_365 step %scan3A_366 iter_args(%scan3A_494 = %scan3A_362) -> (i32)  : i32 {
      %mul3A_495 = arith.constant 16 : i32
      %mul3A_496 = arith.muli %scan3A_493, %mul3A_495 : i32
      %swap3A_497 = arith.index_cast %mul3A_496 : i32 to index
      %swap3A_498 = tpu.vector_load %arg6[%swap3A_497] {strides = array<i32>} : memref<4096xf32, #tpu.memory_space<vmem>>, vector<16xf32>,
      tpu.vector_store %arg6[%swap3A_497], %broadcast_in_dim3A_3 {strides = array<i32>} : memref<4096xf32, #tpu.memory_space<vmem>>, vector<16xf32>,
      %scan3A_499 = arith.constant 0 : i32
      %scan3A_500 = arith.constant 1 : i32
      %scan3A_501 = arith.addi %scan3A_493, %scan3A_500 : i32
      %mul3A_502 = arith.constant 16 : i32
      %mul3A_503 = arith.muli %scan3A_501, %mul3A_502 : i32
      %swap3A_504 = arith.index_cast %mul3A_503 : i32 to index
      %swap3A_505 = tpu.vector_load %arg6[%swap3A_504] {strides = array<i32>} : memref<4096xf32, #tpu.memory_space<vmem>>, vector<16xf32>,
      tpu.vector_store %arg6[%swap3A_504], %broadcast_in_dim3A_3 {strides = array<i32>} : memref<4096xf32, #tpu.memory_space<vmem>>, vector<16xf32>,
      %scan3A_506 = arith.constant 0 : i32
      %scan3A_507 = arith.constant 2 : i32
      %scan3A_508 = arith.addi %scan3A_493, %scan3A_507 : i32
      %mul3A_509 = arith.constant 16 : i32
      %mul3A_510 = arith.muli %scan3A_508, %mul3A_509 : i32
      %swap3A_511 = arith.index_cast %mul3A_510 : i32 to index
      %swap3A_512 = tpu.vector_load %arg6[%swap3A_511] {strides = array<i32>} : memref<4096xf32, #tpu.memory_space<vmem>>, vector<16xf32>,
      tpu.vector_store %arg6[%swap3A_511], %broadcast_in_dim3A_3 {strides = array<i32>} : memref<4096xf32, #tpu.memory_space<vmem>>, vector<16xf32>,
      %scan3A_513 = arith.constant 0 : i32
      %scan3A_514 = arith.constant 3 : i32
      %scan3A_515 = arith.addi %scan3A_493, %scan3A_514 : i32
      %mul3A_516 = arith.constant 16 : i32
      %mul3A_517 = arith.muli %scan3A_515, %mul3A_516 : i32
      %swap3A_518 = arith.index_cast %mul3A_517 : i32 to index
      %swap3A_519 = tpu.vector_load %arg6[%swap3A_518] {strides = array<i32>} : memref<4096xf32, #tpu.memory_space<vmem>>, vector<16xf32>,
      tpu.vector_store %arg6[%swap3A_518], %broadcast_in_dim3A_3 {strides = array<i32>} : memref<4096xf32, #tpu.memory_space<vmem>>, vector<16xf32>,
      %scan3A_520 = arith.constant 0 : i32
      %scan3A_521 = arith.constant 4 : i32
      %scan3A_522 = arith.addi %scan3A_493, %scan3A_521 : i32
      %mul3A_523 = arith.constant 16 : i32
      %mul3A_524 = arith.muli %scan3A_522, %mul3A_523 : i32
      %swap3A_525 = arith.index_cast %mul3A_524 : i32 to index
      %swap3A_526 = tpu.vector_load %arg6[%swap3A_525] {strides = array<i32>} : memref<4096xf32, #tpu.memory_space<vmem>>, vector<16xf32>,
      tpu.vector_store %arg6[%swap3A_525], %broadcast_in_dim3A_3 {strides = array<i32>} : memref<4096xf32, #tpu.memory_space<vmem>>, vector<16xf32>,
      %scan3A_527 = arith.constant 0 : i32
      %scan3A_528 = arith.constant 5 : i32
      %scan3A_529 = arith.addi %scan3A_493, %scan3A_528 : i32
      %mul3A_530 = arith.constant 16 : i32
      %mul3A_531 = arith.muli %scan3A_529, %mul3A_530 : i32
      %swap3A_532 = arith.index_cast %mul3A_531 : i32 to index
      %swap3A_533 = tpu.vector_load %arg6[%swap3A_532] {strides = array<i32>} : memref<4096xf32, #tpu.memory_space<vmem>>, vector<16xf32>,
      tpu.vector_store %arg6[%swap3A_532], %broadcast_in_dim3A_3 {strides = array<i32>} : memref<4096xf32, #tpu.memory_space<vmem>>, vector<16xf32>,
      %scan3A_534 = arith.constant 0 : i32
      %scan3A_535 = arith.constant 6 : i32
      %scan3A_536 = arith.addi %scan3A_493, %scan3A_535 : i32
      %mul3A_537 = arith.constant 16 : i32
      %mul3A_538 = arith.muli %scan3A_536, %mul3A_537 : i32
      %swap3A_539 = arith.index_cast %mul3A_538 : i32 to index
      %swap3A_540 = tpu.vector_load %arg6[%swap3A_539] {strides = array<i32>} : memref<4096xf32, #tpu.memory_space<vmem>>, vector<16xf32>,
      tpu.vector_store %arg6[%swap3A_539], %broadcast_in_dim3A_3 {strides = array<i32>} : memref<4096xf32, #tpu.memory_space<vmem>>, vector<16xf32>,
      %scan3A_541 = arith.constant 0 : i32
      %scan3A_542 = arith.constant 7 : i32
      %scan3A_543 = arith.addi %scan3A_493, %scan3A_542 : i32
      %mul3A_544 = arith.constant 16 : i32
      %mul3A_545 = arith.muli %scan3A_543, %mul3A_544 : i32
      %swap3A_546 = arith.index_cast %mul3A_545 : i32 to index
      %swap3A_547 = tpu.vector_load %arg6[%swap3A_546] {strides = array<i32>} : memref<4096xf32, #tpu.memory_space<vmem>>, vector<16xf32>,
      tpu.vector_store %arg6[%swap3A_546], %broadcast_in_dim3A_3 {strides = array<i32>} : memref<4096xf32, #tpu.memory_space<vmem>>, vector<16xf32>,
      %scan3A_548 = arith.constant 0 : i32
      scf.yield %scan3A_548 : i32
    }
    %scan3A_368 = arith.constant 256 : i32
    %while3A_369 = arith.constant 0 : i32
    %while3A_370 = arith.constant 0 : i32
    %while3A_371 = arith.subi %div3A_293, %while3A_369 : i32
    %while3A_372 = arith.addi %while3A_369, %while3A_371 : i32
    %while3A_373 = arith.constant 1 : i32
    %while3A_374 = arith.divsi %while3A_371, %while3A_373 : i32
    %while3A_375 = arith.muli %while3A_374, %while3A_373 : i32
    %while3A_376 = arith.addi %while3A_369, %while3A_375 : i32
    %while3A_377 = arith.constant 1 : i32
    %while3A_378 = scf.for %while3A_493 = %while3A_369 to %while3A_376 step %while3A_377 iter_args(%while3A_494 = %while3A_370) -> (i32)  : i32 {
      %mul3A_495 = arith.constant 16 : i32
      %mul3A_496 = arith.muli %while3A_493, %mul3A_495 : i32
      %get3A = arith.index_cast %mul3A_496 : i32 to index
      %get3A_497 = tpu.vector_load %arg5[%get3A] {strides = array<i32>} : memref<100000xf32, #tpu.memory_space<vmem>>, vector<16xf32>,
      %bitcast_convert_type3A_498 = tpu.bitcast %get3A_497 : vector<16xf32> -> vector<16xi32>
      %bitcast_convert_type3A_499 = tpu.bitcast %get3A_497 : vector<16xf32> -> vector<16xi32>
      %broadcast_in_dim3A_500 = arith.constant 31 : i32
      %broadcast_in_dim3A_501 = vector.broadcast %broadcast_in_dim3A_500 : i32 to vector<16xi32>
      %shift_right_arithmetic3A_502 = arith.shrsi %bitcast_convert_type3A_499, %broadcast_in_dim3A_501 : vector<16xi32>
      %bitcast_convert_type3A_503 = tpu.bitcast %shift_right_arithmetic3A_502 : vector<16xi32> -> vector<16xi32>
      %broadcast_in_dim3A_504 = arith.constant -2147483648 : i32
      %broadcast_in_dim3A_505 = vector.broadcast %broadcast_in_dim3A_504 : i32 to vector<16xi32>
      %or3A_506 = arith.ori %bitcast_convert_type3A_503, %broadcast_in_dim3A_505 : vector<16xi32>
      %xor3A_507 = arith.xori %bitcast_convert_type3A_498, %or3A_506 : vector<16xi32>
      %mul3A_508 = arith.constant 16 : i32
      %mul3A_509 = arith.muli %while3A_493, %mul3A_508 : i32
      %add3A_510 = vector.broadcast %mul3A_509 : i32 to vector<16xi32>
      %add3A_511 = arith.addi %add3A_510, %iota3A : vector<16xi32>
      %lt3A = vector.broadcast %reduce_max3A_289 : i32 to vector<16xi32>
      %lt3A_512 = arith.cmpi slt, %add3A_511, %lt3A : vector<16xi32>
      %broadcast_in_dim3A_513 = arith.constant 16 : i32
      %broadcast_in_dim3A_514 = vector.broadcast %broadcast_in_dim3A_513 : i32 to vector<16xi32>
      %shift_right_logical3A = arith.shrui %xor3A_507, %broadcast_in_dim3A_514 : vector<16xi32>
      %eq3A_515 = arith.cmpi eq, %shift_right_logical3A, %or3A_359 : vector<16xi32>
      %broadcast_in_dim3A_516 = arith.constant 8 : i32
      %broadcast_in_dim3A_517 = vector.broadcast %broadcast_in_dim3A_516 : i32 to vector<16xi32>
      %shift_right_logical3A_518 = arith.shrui %xor3A_507, %broadcast_in_dim3A_517 : vector<16xi32>
      %broadcast_in_dim3A_519 = arith.constant 255 : i32
      %broadcast_in_dim3A_520 = vector.broadcast %broadcast_in_dim3A_519 : i32 to vector<16xi32>
      %and3A = arith.andi %shift_right_logical3A_518, %broadcast_in_dim3A_520 : vector<16xi32>
      %bitcast_convert_type3A_521 = tpu.bitcast %and3A : vector<16xi32> -> vector<16xi32>
      %mul3A_522 = arith.constant 16 : i32
      %mul3A_523 = vector.broadcast %mul3A_522 : i32 to vector<16xi32>
      %mul3A_524 = arith.muli %bitcast_convert_type3A_521, %mul3A_523 : vector<16xi32>
      %add3A_525 = arith.addi %mul3A_524, %iota3A : vector<16xi32>
      %and3A_526 = arith.andi %lt3A_512, %eq3A_515 : vector<16xi1>
      tpu.vector_store_idx %arg6[%add3A_525], %broadcast_in_dim3A_1 masked %and3A_526 {add = true} : memref<4096xf32, #tpu.memory_space<vmem>>[vector<16xi32>], vector<16xf32>, vector<16xi1>
      %while3A_527 = arith.constant 0 : i32
      scf.yield %while3A_527 : i32
    }
    %while3A_379 = arith.constant 1 : i32
    %while3A_380 = scf.for %while3A_493 = %while3A_376 to %while3A_372 step %while3A_379 iter_args(%while3A_494 = %while3A_378) -> (i32)  : i32 {
      %mul3A_495 = arith.constant 16 : i32
      %mul3A_496 = arith.muli %while3A_493, %mul3A_495 : i32
      %get3A = arith.index_cast %mul3A_496 : i32 to index
      %get3A_497 = tpu.vector_load %arg5[%get3A] {strides = array<i32>} : memref<100000xf32, #tpu.memory_space<vmem>>, vector<16xf32>,
      %bitcast_convert_type3A_498 = tpu.bitcast %get3A_497 : vector<16xf32> -> vector<16xi32>
      %bitcast_convert_type3A_499 = tpu.bitcast %get3A_497 : vector<16xf32> -> vector<16xi32>
      %broadcast_in_dim3A_500 = arith.constant 31 : i32
      %broadcast_in_dim3A_501 = vector.broadcast %broadcast_in_dim3A_500 : i32 to vector<16xi32>
      %shift_right_arithmetic3A_502 = arith.shrsi %bitcast_convert_type3A_499, %broadcast_in_dim3A_501 : vector<16xi32>
      %bitcast_convert_type3A_503 = tpu.bitcast %shift_right_arithmetic3A_502 : vector<16xi32> -> vector<16xi32>
      %broadcast_in_dim3A_504 = arith.constant -2147483648 : i32
      %broadcast_in_dim3A_505 = vector.broadcast %broadcast_in_dim3A_504 : i32 to vector<16xi32>
      %or3A_506 = arith.ori %bitcast_convert_type3A_503, %broadcast_in_dim3A_505 : vector<16xi32>
      %xor3A_507 = arith.xori %bitcast_convert_type3A_498, %or3A_506 : vector<16xi32>
      %mul3A_508 = arith.constant 16 : i32
      %mul3A_509 = arith.muli %while3A_493, %mul3A_508 : i32
      %add3A_510 = vector.broadcast %mul3A_509 : i32 to vector<16xi32>
      %add3A_511 = arith.addi %add3A_510, %iota3A : vector<16xi32>
      %lt3A = vector.broadcast %reduce_max3A_289 : i32 to vector<16xi32>
      %lt3A_512 = arith.cmpi slt, %add3A_511, %lt3A : vector<16xi32>
      %broadcast_in_dim3A_513 = arith.constant 16 : i32
      %broadcast_in_dim3A_514 = vector.broadcast %broadcast_in_dim3A_513 : i32 to vector<16xi32>
      %shift_right_logical3A = arith.shrui %xor3A_507, %broadcast_in_dim3A_514 : vector<16xi32>
      %eq3A_515 = arith.cmpi eq, %shift_right_logical3A, %or3A_359 : vector<16xi32>
      %broadcast_in_dim3A_516 = arith.constant 8 : i32
      %broadcast_in_dim3A_517 = vector.broadcast %broadcast_in_dim3A_516 : i32 to vector<16xi32>
      %shift_right_logical3A_518 = arith.shrui %xor3A_507, %broadcast_in_dim3A_517 : vector<16xi32>
      %broadcast_in_dim3A_519 = arith.constant 255 : i32
      %broadcast_in_dim3A_520 = vector.broadcast %broadcast_in_dim3A_519 : i32 to vector<16xi32>
      %and3A = arith.andi %shift_right_logical3A_518, %broadcast_in_dim3A_520 : vector<16xi32>
      %bitcast_convert_type3A_521 = tpu.bitcast %and3A : vector<16xi32> -> vector<16xi32>
      %mul3A_522 = arith.constant 16 : i32
      %mul3A_523 = vector.broadcast %mul3A_522 : i32 to vector<16xi32>
      %mul3A_524 = arith.muli %bitcast_convert_type3A_521, %mul3A_523 : vector<16xi32>
      %add3A_525 = arith.addi %mul3A_524, %iota3A : vector<16xi32>
      %and3A_526 = arith.andi %lt3A_512, %eq3A_515 : vector<16xi1>
      tpu.vector_store_idx %arg6[%add3A_525], %broadcast_in_dim3A_1 masked %and3A_526 {add = true} : memref<4096xf32, #tpu.memory_space<vmem>>[vector<16xi32>], vector<16xf32>, vector<16xi1>
      %while3A_527 = arith.constant 0 : i32
      scf.yield %while3A_527 : i32
    }
    %while3A_381 = arith.constant 255 : i32
    %while3A_382 = arith.constant 0.000000e+00 : f32
    %while3A_383 = arith.constant 0.000000e+00 : f32
    %while3A_384:3 = scf.while (%while3A_493 = %while3A_381, %while3A_494 = %while3A_382, %while3A_495 = %while3A_383) : (i32, f32, f32) -> (i32, f32, f32) {
      %lt3A = arith.cmpf olt, %while3A_494, %sub3A_360 : f32
      %ge3A_496 = arith.constant 0 : i32
      %ge3A_497 = arith.cmpi sge, %while3A_493, %ge3A_496 : i32
      %and3A = arith.andi %lt3A, %ge3A_497 : i1
      scf.condition(%and3A) %while3A_493, %while3A_494, %while3A_495 : i32, f32, f32
    } do {
    ^bb0(%while3A_493: i32, %while3A_494: f32, %while3A_495: f32):
      %mul3A_496 = arith.constant 16 : i32
      %mul3A_497 = arith.muli %while3A_493, %mul3A_496 : i32
      %get3A = arith.index_cast %mul3A_497 : i32 to index
      %get3A_498 = tpu.vector_load %arg6[%get3A] {strides = array<i32>} : memref<4096xf32, #tpu.memory_space<vmem>>, vector<16xf32>,
      %reduce_sum3A_499 = arith.constant true
      %reduce_sum3A_500 = vector.broadcast %reduce_sum3A_499 : i1 to vector<16xi1>
      %reduce_sum3A_501 = tpu.scan <sum>, %get3A_498 masked %reduce_sum3A_500 : vector<16xf32>, vector<16xi1> -> vector<16xf32>
      %reduce_sum3A_502 = vector.extract %reduce_sum3A_501[15] : f32 from vector<16xf32>
      %sub3A_503 = arith.constant 1 : i32
      %sub3A_504 = arith.subi %while3A_493, %sub3A_503 : i32
      %add3A_505 = arith.addf %while3A_494, %reduce_sum3A_502 : f32
      scf.yield %sub3A_504, %add3A_505, %while3A_494 : i32, f32, f32
    }
    %add3A_385 = arith.constant 1 : i32
    %add3A_386 = arith.addi %while3A_384#0, %add3A_385 : i32
    %broadcast_in_dim3A_387 = arith.constant 8 : i32
    %broadcast_in_dim3A_388 = vector.broadcast %broadcast_in_dim3A_387 : i32 to vector<16xi32>
    %shift_left3A_389 = arith.shli %or3A_359, %broadcast_in_dim3A_388 : vector<16xi32>
    %broadcast_in_dim3A_390 = vector.broadcast %add3A_386 : i32 to vector<16xi32>
    %or3A_391 = arith.ori %shift_left3A_389, %broadcast_in_dim3A_390 : vector<16xi32>
    %sub3A_392 = arith.subf %sub3A_360, %while3A_384#2 : f32
    %add3A_393 = arith.addf %add3A_361, %while3A_384#2 : f32
    %scan3A_394 = arith.constant 0 : i32
    %scan3A_395 = arith.constant 0 : i32
    %scan3A_396 = arith.constant 256 : i32
    %scan3A_397 = arith.addi %scan3A_395, %scan3A_396 : i32
    %scan3A_398 = arith.constant 8 : i32
    %scan3A_399 = scf.for %scan3A_493 = %scan3A_395 to %scan3A_397 step %scan3A_398 iter_args(%scan3A_494 = %scan3A_394) -> (i32)  : i32 {
      %mul3A_495 = arith.constant 16 : i32
      %mul3A_496 = arith.muli %scan3A_493, %mul3A_495 : i32
      %swap3A_497 = arith.index_cast %mul3A_496 : i32 to index
      %swap3A_498 = tpu.vector_load %arg6[%swap3A_497] {strides = array<i32>} : memref<4096xf32, #tpu.memory_space<vmem>>, vector<16xf32>,
      tpu.vector_store %arg6[%swap3A_497], %broadcast_in_dim3A_3 {strides = array<i32>} : memref<4096xf32, #tpu.memory_space<vmem>>, vector<16xf32>,
      %scan3A_499 = arith.constant 0 : i32
      %scan3A_500 = arith.constant 1 : i32
      %scan3A_501 = arith.addi %scan3A_493, %scan3A_500 : i32
      %mul3A_502 = arith.constant 16 : i32
      %mul3A_503 = arith.muli %scan3A_501, %mul3A_502 : i32
      %swap3A_504 = arith.index_cast %mul3A_503 : i32 to index
      %swap3A_505 = tpu.vector_load %arg6[%swap3A_504] {strides = array<i32>} : memref<4096xf32, #tpu.memory_space<vmem>>, vector<16xf32>,
      tpu.vector_store %arg6[%swap3A_504], %broadcast_in_dim3A_3 {strides = array<i32>} : memref<4096xf32, #tpu.memory_space<vmem>>, vector<16xf32>,
      %scan3A_506 = arith.constant 0 : i32
      %scan3A_507 = arith.constant 2 : i32
      %scan3A_508 = arith.addi %scan3A_493, %scan3A_507 : i32
      %mul3A_509 = arith.constant 16 : i32
      %mul3A_510 = arith.muli %scan3A_508, %mul3A_509 : i32
      %swap3A_511 = arith.index_cast %mul3A_510 : i32 to index
      %swap3A_512 = tpu.vector_load %arg6[%swap3A_511] {strides = array<i32>} : memref<4096xf32, #tpu.memory_space<vmem>>, vector<16xf32>,
      tpu.vector_store %arg6[%swap3A_511], %broadcast_in_dim3A_3 {strides = array<i32>} : memref<4096xf32, #tpu.memory_space<vmem>>, vector<16xf32>,
      %scan3A_513 = arith.constant 0 : i32
      %scan3A_514 = arith.constant 3 : i32
      %scan3A_515 = arith.addi %scan3A_493, %scan3A_514 : i32
      %mul3A_516 = arith.constant 16 : i32
      %mul3A_517 = arith.muli %scan3A_515, %mul3A_516 : i32
      %swap3A_518 = arith.index_cast %mul3A_517 : i32 to index
      %swap3A_519 = tpu.vector_load %arg6[%swap3A_518] {strides = array<i32>} : memref<4096xf32, #tpu.memory_space<vmem>>, vector<16xf32>,
      tpu.vector_store %arg6[%swap3A_518], %broadcast_in_dim3A_3 {strides = array<i32>} : memref<4096xf32, #tpu.memory_space<vmem>>, vector<16xf32>,
      %scan3A_520 = arith.constant 0 : i32
      %scan3A_521 = arith.constant 4 : i32
      %scan3A_522 = arith.addi %scan3A_493, %scan3A_521 : i32
      %mul3A_523 = arith.constant 16 : i32
      %mul3A_524 = arith.muli %scan3A_522, %mul3A_523 : i32
      %swap3A_525 = arith.index_cast %mul3A_524 : i32 to index
      %swap3A_526 = tpu.vector_load %arg6[%swap3A_525] {strides = array<i32>} : memref<4096xf32, #tpu.memory_space<vmem>>, vector<16xf32>,
      tpu.vector_store %arg6[%swap3A_525], %broadcast_in_dim3A_3 {strides = array<i32>} : memref<4096xf32, #tpu.memory_space<vmem>>, vector<16xf32>,
      %scan3A_527 = arith.constant 0 : i32
      %scan3A_528 = arith.constant 5 : i32
      %scan3A_529 = arith.addi %scan3A_493, %scan3A_528 : i32
      %mul3A_530 = arith.constant 16 : i32
      %mul3A_531 = arith.muli %scan3A_529, %mul3A_530 : i32
      %swap3A_532 = arith.index_cast %mul3A_531 : i32 to index
      %swap3A_533 = tpu.vector_load %arg6[%swap3A_532] {strides = array<i32>} : memref<4096xf32, #tpu.memory_space<vmem>>, vector<16xf32>,
      tpu.vector_store %arg6[%swap3A_532], %broadcast_in_dim3A_3 {strides = array<i32>} : memref<4096xf32, #tpu.memory_space<vmem>>, vector<16xf32>,
      %scan3A_534 = arith.constant 0 : i32
      %scan3A_535 = arith.constant 6 : i32
      %scan3A_536 = arith.addi %scan3A_493, %scan3A_535 : i32
      %mul3A_537 = arith.constant 16 : i32
      %mul3A_538 = arith.muli %scan3A_536, %mul3A_537 : i32
      %swap3A_539 = arith.index_cast %mul3A_538 : i32 to index
      %swap3A_540 = tpu.vector_load %arg6[%swap3A_539] {strides = array<i32>} : memref<4096xf32, #tpu.memory_space<vmem>>, vector<16xf32>,
      tpu.vector_store %arg6[%swap3A_539], %broadcast_in_dim3A_3 {strides = array<i32>} : memref<4096xf32, #tpu.memory_space<vmem>>, vector<16xf32>,
      %scan3A_541 = arith.constant 0 : i32
      %scan3A_542 = arith.constant 7 : i32
      %scan3A_543 = arith.addi %scan3A_493, %scan3A_542 : i32
      %mul3A_544 = arith.constant 16 : i32
      %mul3A_545 = arith.muli %scan3A_543, %mul3A_544 : i32
      %swap3A_546 = arith.index_cast %mul3A_545 : i32 to index
      %swap3A_547 = tpu.vector_load %arg6[%swap3A_546] {strides = array<i32>} : memref<4096xf32, #tpu.memory_space<vmem>>, vector<16xf32>,
      tpu.vector_store %arg6[%swap3A_546], %broadcast_in_dim3A_3 {strides = array<i32>} : memref<4096xf32, #tpu.memory_space<vmem>>, vector<16xf32>,
      %scan3A_548 = arith.constant 0 : i32
      scf.yield %scan3A_548 : i32
    }
    %scan3A_400 = arith.constant 256 : i32
    %while3A_401 = arith.constant 0 : i32
    %while3A_402 = arith.constant 0 : i32
    %while3A_403 = arith.subi %div3A_293, %while3A_401 : i32
    %while3A_404 = arith.addi %while3A_401, %while3A_403 : i32
    %while3A_405 = arith.constant 1 : i32
    %while3A_406 = arith.divsi %while3A_403, %while3A_405 : i32
    %while3A_407 = arith.muli %while3A_406, %while3A_405 : i32
    %while3A_408 = arith.addi %while3A_401, %while3A_407 : i32
    %while3A_409 = arith.constant 1 : i32
    %while3A_410 = scf.for %while3A_493 = %while3A_401 to %while3A_408 step %while3A_409 iter_args(%while3A_494 = %while3A_402) -> (i32)  : i32 {
      %mul3A_495 = arith.constant 16 : i32
      %mul3A_496 = arith.muli %while3A_493, %mul3A_495 : i32
      %get3A = arith.index_cast %mul3A_496 : i32 to index
      %get3A_497 = tpu.vector_load %arg5[%get3A] {strides = array<i32>} : memref<100000xf32, #tpu.memory_space<vmem>>, vector<16xf32>,
      %bitcast_convert_type3A_498 = tpu.bitcast %get3A_497 : vector<16xf32> -> vector<16xi32>
      %bitcast_convert_type3A_499 = tpu.bitcast %get3A_497 : vector<16xf32> -> vector<16xi32>
      %broadcast_in_dim3A_500 = arith.constant 31 : i32
      %broadcast_in_dim3A_501 = vector.broadcast %broadcast_in_dim3A_500 : i32 to vector<16xi32>
      %shift_right_arithmetic3A_502 = arith.shrsi %bitcast_convert_type3A_499, %broadcast_in_dim3A_501 : vector<16xi32>
      %bitcast_convert_type3A_503 = tpu.bitcast %shift_right_arithmetic3A_502 : vector<16xi32> -> vector<16xi32>
      %broadcast_in_dim3A_504 = arith.constant -2147483648 : i32
      %broadcast_in_dim3A_505 = vector.broadcast %broadcast_in_dim3A_504 : i32 to vector<16xi32>
      %or3A_506 = arith.ori %bitcast_convert_type3A_503, %broadcast_in_dim3A_505 : vector<16xi32>
      %xor3A_507 = arith.xori %bitcast_convert_type3A_498, %or3A_506 : vector<16xi32>
      %mul3A_508 = arith.constant 16 : i32
      %mul3A_509 = arith.muli %while3A_493, %mul3A_508 : i32
      %add3A_510 = vector.broadcast %mul3A_509 : i32 to vector<16xi32>
      %add3A_511 = arith.addi %add3A_510, %iota3A : vector<16xi32>
      %lt3A = vector.broadcast %reduce_max3A_289 : i32 to vector<16xi32>
      %lt3A_512 = arith.cmpi slt, %add3A_511, %lt3A : vector<16xi32>
      %broadcast_in_dim3A_513 = arith.constant 8 : i32
      %broadcast_in_dim3A_514 = vector.broadcast %broadcast_in_dim3A_513 : i32 to vector<16xi32>
      %shift_right_logical3A = arith.shrui %xor3A_507, %broadcast_in_dim3A_514 : vector<16xi32>
      %eq3A_515 = arith.cmpi eq, %shift_right_logical3A, %or3A_391 : vector<16xi32>
      %broadcast_in_dim3A_516 = arith.constant 0 : i32
      %broadcast_in_dim3A_517 = vector.broadcast %broadcast_in_dim3A_516 : i32 to vector<16xi32>
      %shift_right_logical3A_518 = arith.shrui %xor3A_507, %broadcast_in_dim3A_517 : vector<16xi32>
      %broadcast_in_dim3A_519 = arith.constant 255 : i32
      %broadcast_in_dim3A_520 = vector.broadcast %broadcast_in_dim3A_519 : i32 to vector<16xi32>
      %and3A = arith.andi %shift_right_logical3A_518, %broadcast_in_dim3A_520 : vector<16xi32>
      %bitcast_convert_type3A_521 = tpu.bitcast %and3A : vector<16xi32> -> vector<16xi32>
      %mul3A_522 = arith.constant 16 : i32
      %mul3A_523 = vector.broadcast %mul3A_522 : i32 to vector<16xi32>
      %mul3A_524 = arith.muli %bitcast_convert_type3A_521, %mul3A_523 : vector<16xi32>
      %add3A_525 = arith.addi %mul3A_524, %iota3A : vector<16xi32>
      %and3A_526 = arith.andi %lt3A_512, %eq3A_515 : vector<16xi1>
      tpu.vector_store_idx %arg6[%add3A_525], %broadcast_in_dim3A_1 masked %and3A_526 {add = true} : memref<4096xf32, #tpu.memory_space<vmem>>[vector<16xi32>], vector<16xf32>, vector<16xi1>
      %while3A_527 = arith.constant 0 : i32
      scf.yield %while3A_527 : i32
    }
    %while3A_411 = arith.constant 1 : i32
    %while3A_412 = scf.for %while3A_493 = %while3A_408 to %while3A_404 step %while3A_411 iter_args(%while3A_494 = %while3A_410) -> (i32)  : i32 {
      %mul3A_495 = arith.constant 16 : i32
      %mul3A_496 = arith.muli %while3A_493, %mul3A_495 : i32
      %get3A = arith.index_cast %mul3A_496 : i32 to index
      %get3A_497 = tpu.vector_load %arg5[%get3A] {strides = array<i32>} : memref<100000xf32, #tpu.memory_space<vmem>>, vector<16xf32>,
      %bitcast_convert_type3A_498 = tpu.bitcast %get3A_497 : vector<16xf32> -> vector<16xi32>
      %bitcast_convert_type3A_499 = tpu.bitcast %get3A_497 : vector<16xf32> -> vector<16xi32>
      %broadcast_in_dim3A_500 = arith.constant 31 : i32
      %broadcast_in_dim3A_501 = vector.broadcast %broadcast_in_dim3A_500 : i32 to vector<16xi32>
      %shift_right_arithmetic3A_502 = arith.shrsi %bitcast_convert_type3A_499, %broadcast_in_dim3A_501 : vector<16xi32>
      %bitcast_convert_type3A_503 = tpu.bitcast %shift_right_arithmetic3A_502 : vector<16xi32> -> vector<16xi32>
      %broadcast_in_dim3A_504 = arith.constant -2147483648 : i32
      %broadcast_in_dim3A_505 = vector.broadcast %broadcast_in_dim3A_504 : i32 to vector<16xi32>
      %or3A_506 = arith.ori %bitcast_convert_type3A_503, %broadcast_in_dim3A_505 : vector<16xi32>
      %xor3A_507 = arith.xori %bitcast_convert_type3A_498, %or3A_506 : vector<16xi32>
      %mul3A_508 = arith.constant 16 : i32
      %mul3A_509 = arith.muli %while3A_493, %mul3A_508 : i32
      %add3A_510 = vector.broadcast %mul3A_509 : i32 to vector<16xi32>
      %add3A_511 = arith.addi %add3A_510, %iota3A : vector<16xi32>
      %lt3A = vector.broadcast %reduce_max3A_289 : i32 to vector<16xi32>
      %lt3A_512 = arith.cmpi slt, %add3A_511, %lt3A : vector<16xi32>
      %broadcast_in_dim3A_513 = arith.constant 8 : i32
      %broadcast_in_dim3A_514 = vector.broadcast %broadcast_in_dim3A_513 : i32 to vector<16xi32>
      %shift_right_logical3A = arith.shrui %xor3A_507, %broadcast_in_dim3A_514 : vector<16xi32>
      %eq3A_515 = arith.cmpi eq, %shift_right_logical3A, %or3A_391 : vector<16xi32>
      %broadcast_in_dim3A_516 = arith.constant 0 : i32
      %broadcast_in_dim3A_517 = vector.broadcast %broadcast_in_dim3A_516 : i32 to vector<16xi32>
      %shift_right_logical3A_518 = arith.shrui %xor3A_507, %broadcast_in_dim3A_517 : vector<16xi32>
      %broadcast_in_dim3A_519 = arith.constant 255 : i32
      %broadcast_in_dim3A_520 = vector.broadcast %broadcast_in_dim3A_519 : i32 to vector<16xi32>
      %and3A = arith.andi %shift_right_logical3A_518, %broadcast_in_dim3A_520 : vector<16xi32>
      %bitcast_convert_type3A_521 = tpu.bitcast %and3A : vector<16xi32> -> vector<16xi32>
      %mul3A_522 = arith.constant 16 : i32
      %mul3A_523 = vector.broadcast %mul3A_522 : i32 to vector<16xi32>
      %mul3A_524 = arith.muli %bitcast_convert_type3A_521, %mul3A_523 : vector<16xi32>
      %add3A_525 = arith.addi %mul3A_524, %iota3A : vector<16xi32>
      %and3A_526 = arith.andi %lt3A_512, %eq3A_515 : vector<16xi1>
      tpu.vector_store_idx %arg6[%add3A_525], %broadcast_in_dim3A_1 masked %and3A_526 {add = true} : memref<4096xf32, #tpu.memory_space<vmem>>[vector<16xi32>], vector<16xf32>, vector<16xi1>
      %while3A_527 = arith.constant 0 : i32
      scf.yield %while3A_527 : i32
    }
    %while3A_413 = arith.constant 255 : i32
    %while3A_414 = arith.constant 0.000000e+00 : f32
    %while3A_415 = arith.constant 0.000000e+00 : f32
    %while3A_416:3 = scf.while (%while3A_493 = %while3A_413, %while3A_494 = %while3A_414, %while3A_495 = %while3A_415) : (i32, f32, f32) -> (i32, f32, f32) {
      %lt3A = arith.cmpf olt, %while3A_494, %sub3A_392 : f32
      %ge3A_496 = arith.constant 0 : i32
      %ge3A_497 = arith.cmpi sge, %while3A_493, %ge3A_496 : i32
      %and3A = arith.andi %lt3A, %ge3A_497 : i1
      scf.condition(%and3A) %while3A_493, %while3A_494, %while3A_495 : i32, f32, f32
    } do {
    ^bb0(%while3A_493: i32, %while3A_494: f32, %while3A_495: f32):
      %mul3A_496 = arith.constant 16 : i32
      %mul3A_497 = arith.muli %while3A_493, %mul3A_496 : i32
      %get3A = arith.index_cast %mul3A_497 : i32 to index
      %get3A_498 = tpu.vector_load %arg6[%get3A] {strides = array<i32>} : memref<4096xf32, #tpu.memory_space<vmem>>, vector<16xf32>,
      %reduce_sum3A_499 = arith.constant true
      %reduce_sum3A_500 = vector.broadcast %reduce_sum3A_499 : i1 to vector<16xi1>
      %reduce_sum3A_501 = tpu.scan <sum>, %get3A_498 masked %reduce_sum3A_500 : vector<16xf32>, vector<16xi1> -> vector<16xf32>
      %reduce_sum3A_502 = vector.extract %reduce_sum3A_501[15] : f32 from vector<16xf32>
      %sub3A_503 = arith.constant 1 : i32
      %sub3A_504 = arith.subi %while3A_493, %sub3A_503 : i32
      %add3A_505 = arith.addf %while3A_494, %reduce_sum3A_502 : f32
      scf.yield %sub3A_504, %add3A_505, %while3A_494 : i32, f32, f32
    }
    %add3A_417 = arith.constant 1 : i32
    %add3A_418 = arith.addi %while3A_416#0, %add3A_417 : i32
    %broadcast_in_dim3A_419 = arith.constant 8 : i32
    %broadcast_in_dim3A_420 = vector.broadcast %broadcast_in_dim3A_419 : i32 to vector<16xi32>
    %shift_left3A_421 = arith.shli %or3A_391, %broadcast_in_dim3A_420 : vector<16xi32>
    %broadcast_in_dim3A_422 = vector.broadcast %add3A_418 : i32 to vector<16xi32>
    %or3A_423 = arith.ori %shift_left3A_421, %broadcast_in_dim3A_422 : vector<16xi32>
    %sub3A_424 = arith.subf %sub3A_392, %while3A_416#2 : f32
    %add3A_425 = arith.addf %add3A_393, %while3A_416#2 : f32
    %broadcast_in_dim3A_426 = arith.constant 0.000000e+00 : f32
    %broadcast_in_dim3A_427 = vector.broadcast %broadcast_in_dim3A_426 : f32 to vector<16xf32>
    %while3A_428 = arith.constant 0 : i32
    %while3A_429 = arith.subi %div3A_293, %while3A_428 : i32
    %while3A_430 = arith.addi %while3A_428, %while3A_429 : i32
    %while3A_431 = arith.constant 1 : i32
    %while3A_432 = arith.divsi %while3A_429, %while3A_431 : i32
    %while3A_433 = arith.muli %while3A_432, %while3A_431 : i32
    %while3A_434 = arith.addi %while3A_428, %while3A_433 : i32
    %while3A_435 = arith.constant 1 : i32
    %while3A_436 = scf.for %while3A_493 = %while3A_428 to %while3A_434 step %while3A_435 iter_args(%while3A_494 = %broadcast_in_dim3A_427) -> (vector<16xf32>)  : i32 {
      %mul3A_495 = arith.constant 16 : i32
      %mul3A_496 = arith.muli %while3A_493, %mul3A_495 : i32
      %get3A = arith.index_cast %mul3A_496 : i32 to index
      %get3A_497 = tpu.vector_load %arg5[%get3A] {strides = array<i32>} : memref<100000xf32, #tpu.memory_space<vmem>>, vector<16xf32>,
      %bitcast_convert_type3A_498 = tpu.bitcast %get3A_497 : vector<16xf32> -> vector<16xi32>
      %bitcast_convert_type3A_499 = tpu.bitcast %get3A_497 : vector<16xf32> -> vector<16xi32>
      %broadcast_in_dim3A_500 = arith.constant 31 : i32
      %broadcast_in_dim3A_501 = vector.broadcast %broadcast_in_dim3A_500 : i32 to vector<16xi32>
      %shift_right_arithmetic3A_502 = arith.shrsi %bitcast_convert_type3A_499, %broadcast_in_dim3A_501 : vector<16xi32>
      %bitcast_convert_type3A_503 = tpu.bitcast %shift_right_arithmetic3A_502 : vector<16xi32> -> vector<16xi32>
      %broadcast_in_dim3A_504 = arith.constant -2147483648 : i32
      %broadcast_in_dim3A_505 = vector.broadcast %broadcast_in_dim3A_504 : i32 to vector<16xi32>
      %or3A_506 = arith.ori %bitcast_convert_type3A_503, %broadcast_in_dim3A_505 : vector<16xi32>
      %xor3A_507 = arith.xori %bitcast_convert_type3A_498, %or3A_506 : vector<16xi32>
      %gt3A_508 = arith.cmpi ugt, %xor3A_507, %or3A_423 : vector<16xi32>
      %mul3A_509 = arith.constant 16 : i32
      %mul3A_510 = arith.muli %while3A_493, %mul3A_509 : i32
      %add3A_511 = vector.broadcast %mul3A_510 : i32 to vector<16xi32>
      %add3A_512 = arith.addi %add3A_511, %iota3A : vector<16xi32>
      %lt3A = vector.broadcast %reduce_max3A_289 : i32 to vector<16xi32>
      %lt3A_513 = arith.cmpi slt, %add3A_512, %lt3A : vector<16xi32>
      %and3A = arith.andi %gt3A_508, %lt3A_513 : vector<16xi1>
      %sub3A_514 = arith.subf %get3A_497, %bitcast_convert_type3A_329 : vector<16xf32>
      %mul3A_515 = arith.constant 1.000000e+01 : f32
      %mul3A_516 = vector.broadcast %mul3A_515 : f32 to vector<16xf32>
      %mul3A_517 = arith.mulf %mul3A_516, %sub3A_514 : vector<16xf32>
      %exp3A_518 = math.exp %mul3A_517 : vector<16xf32>
      %jit3A_519 = arith.constant 0.000000e+00 : f32
      %broadcast_in_dim3A_520 = vector.broadcast %jit3A_519 : f32 to vector<16xf32>
      %select_n3A_521 = arith.select %and3A, %exp3A_518, %broadcast_in_dim3A_520 : vector<16xi1>, vector<16xf32>
      %add3A_522 = arith.addf %while3A_494, %select_n3A_521 : vector<16xf32>
      scf.yield %add3A_522 : vector<16xf32>
    }
    %while3A_437 = arith.constant 1 : i32
    %while3A_438 = scf.for %while3A_493 = %while3A_434 to %while3A_430 step %while3A_437 iter_args(%while3A_494 = %while3A_436) -> (vector<16xf32>)  : i32 {
      %mul3A_495 = arith.constant 16 : i32
      %mul3A_496 = arith.muli %while3A_493, %mul3A_495 : i32
      %get3A = arith.index_cast %mul3A_496 : i32 to index
      %get3A_497 = tpu.vector_load %arg5[%get3A] {strides = array<i32>} : memref<100000xf32, #tpu.memory_space<vmem>>, vector<16xf32>,
      %bitcast_convert_type3A_498 = tpu.bitcast %get3A_497 : vector<16xf32> -> vector<16xi32>
      %bitcast_convert_type3A_499 = tpu.bitcast %get3A_497 : vector<16xf32> -> vector<16xi32>
      %broadcast_in_dim3A_500 = arith.constant 31 : i32
      %broadcast_in_dim3A_501 = vector.broadcast %broadcast_in_dim3A_500 : i32 to vector<16xi32>
      %shift_right_arithmetic3A_502 = arith.shrsi %bitcast_convert_type3A_499, %broadcast_in_dim3A_501 : vector<16xi32>
      %bitcast_convert_type3A_503 = tpu.bitcast %shift_right_arithmetic3A_502 : vector<16xi32> -> vector<16xi32>
      %broadcast_in_dim3A_504 = arith.constant -2147483648 : i32
      %broadcast_in_dim3A_505 = vector.broadcast %broadcast_in_dim3A_504 : i32 to vector<16xi32>
      %or3A_506 = arith.ori %bitcast_convert_type3A_503, %broadcast_in_dim3A_505 : vector<16xi32>
      %xor3A_507 = arith.xori %bitcast_convert_type3A_498, %or3A_506 : vector<16xi32>
      %gt3A_508 = arith.cmpi ugt, %xor3A_507, %or3A_423 : vector<16xi32>
      %mul3A_509 = arith.constant 16 : i32
      %mul3A_510 = arith.muli %while3A_493, %mul3A_509 : i32
      %add3A_511 = vector.broadcast %mul3A_510 : i32 to vector<16xi32>
      %add3A_512 = arith.addi %add3A_511, %iota3A : vector<16xi32>
      %lt3A = vector.broadcast %reduce_max3A_289 : i32 to vector<16xi32>
      %lt3A_513 = arith.cmpi slt, %add3A_512, %lt3A : vector<16xi32>
      %and3A = arith.andi %gt3A_508, %lt3A_513 : vector<16xi1>
      %sub3A_514 = arith.subf %get3A_497, %bitcast_convert_type3A_329 : vector<16xf32>
      %mul3A_515 = arith.constant 1.000000e+01 : f32
      %mul3A_516 = vector.broadcast %mul3A_515 : f32 to vector<16xf32>
      %mul3A_517 = arith.mulf %mul3A_516, %sub3A_514 : vector<16xf32>
      %exp3A_518 = math.exp %mul3A_517 : vector<16xf32>
      %jit3A_519 = arith.constant 0.000000e+00 : f32
      %broadcast_in_dim3A_520 = vector.broadcast %jit3A_519 : f32 to vector<16xf32>
      %select_n3A_521 = arith.select %and3A, %exp3A_518, %broadcast_in_dim3A_520 : vector<16xi1>, vector<16xf32>
      %add3A_522 = arith.addf %while3A_494, %select_n3A_521 : vector<16xf32>
      scf.yield %add3A_522 : vector<16xf32>
    }
    %reduce_sum3A_439 = arith.constant true
    %reduce_sum3A_440 = vector.broadcast %reduce_sum3A_439 : i1 to vector<16xi1>
    %reduce_sum3A_441 = tpu.scan <sum>, %while3A_438 masked %reduce_sum3A_440 : vector<16xf32>, vector<16xi1> -> vector<16xf32>
    %reduce_sum3A_442 = vector.extract %reduce_sum3A_441[15] : f32 from vector<16xf32>
    %broadcast_in_dim3A_443 = vector.broadcast %reduce_sum3A_442 : f32 to vector<16xf32>
    %gt3A_444 = arith.cmpi ugt, %xor3A_265, %or3A_423 : vector<16xi32>
    %jit3A_445 = arith.constant 1.000000e+00 : f32
    %jit3A_446 = arith.constant 0.000000e+00 : f32
    %broadcast_in_dim3A_447 = vector.broadcast %jit3A_445 : f32 to vector<16xf32>
    %broadcast_in_dim3A_448 = vector.broadcast %jit3A_446 : f32 to vector<16xf32>
    %select_n3A_449 = arith.select %gt3A_444, %broadcast_in_dim3A_447, %broadcast_in_dim3A_448 : vector<16xi1>, vector<16xf32>
    %sub3A_450 = arith.subf %gather3A_255, %bitcast_convert_type3A_329 : vector<16xf32>
    %mul3A_451 = arith.constant 1.000000e+01 : f32
    %mul3A_452 = vector.broadcast %mul3A_451 : f32 to vector<16xf32>
    %mul3A_453 = arith.mulf %mul3A_452, %sub3A_450 : vector<16xf32>
    %exp3A_454 = math.exp %mul3A_453 : vector<16xf32>
    %broadcast_in_dim3A_455 = arith.constant -2147483648 : i32
    %broadcast_in_dim3A_456 = vector.broadcast %broadcast_in_dim3A_455 : i32 to vector<16xi32>
    %ge3A_457 = arith.cmpi uge, %or3A_423, %broadcast_in_dim3A_456 : vector<16xi32>
    %broadcast_in_dim3A_458 = arith.constant -2147483648 : i32
    %broadcast_in_dim3A_459 = vector.broadcast %broadcast_in_dim3A_458 : i32 to vector<16xi32>
    %xor3A_460 = arith.xori %or3A_423, %broadcast_in_dim3A_459 : vector<16xi32>
    %not3A_461 = arith.constant dense<-1> : vector<16xi32>
    %not3A_462 = arith.xori %or3A_423, %not3A_461 : vector<16xi32>
    %select_n3A_463 = arith.select %ge3A_457, %xor3A_460, %not3A_462 : vector<16xi1>, vector<16xi32>
    %bitcast_convert_type3A_464 = tpu.bitcast %select_n3A_463 : vector<16xi32> -> vector<16xf32>
    %broadcast_in_dim3A_465 = vector.broadcast %add3A_425 : f32 to vector<16xf32>
    %mul3A_466 = arith.mulf %select_n3A_449, %exp3A_454 : vector<16xf32>
    %sub3A_467 = arith.subf %broadcast_in_dim3A_443, %mul3A_466 : vector<16xf32>
    %broadcast_in_dim3A_468 = arith.constant 9.990000e+02 : f32
    %broadcast_in_dim3A_469 = vector.broadcast %broadcast_in_dim3A_468 : f32 to vector<16xf32>
    %sub3A_470 = arith.subf %broadcast_in_dim3A_469, %broadcast_in_dim3A_465 : vector<16xf32>
    %add3A_471 = arith.addf %sub3A_470, %select_n3A_449 : vector<16xf32>
    %sub3A_472 = arith.subf %bitcast_convert_type3A_464, %bitcast_convert_type3A_329 : vector<16xf32>
    %mul3A_473 = arith.constant 1.000000e+01 : f32
    %mul3A_474 = vector.broadcast %mul3A_473 : f32 to vector<16xf32>
    %mul3A_475 = arith.mulf %mul3A_474, %sub3A_472 : vector<16xf32>
    %exp3A_476 = math.exp %mul3A_475 : vector<16xf32>
    %mul3A_477 = arith.mulf %add3A_471, %exp3A_476 : vector<16xf32>
    %add3A_478 = arith.addf %sub3A_467, %mul3A_477 : vector<16xf32>
    %add3A_479 = arith.addf %add3A_478, %exp3A_454 : vector<16xf32>
    %eq3A_480 = arith.constant 3 : i32
    %eq3A_481 = vector.broadcast %eq3A_480 : i32 to vector<16xi32>
    %eq3A_482 = arith.cmpi eq, %iota3A, %eq3A_481 : vector<16xi32>
    %select_n3A_483 = arith.select %eq3A_482, %add3A_479, %select_n3A_238 : vector<16xi1>, vector<16xf32>
    %eq3A_484 = arith.constant 4 : i32
    %eq3A_485 = vector.broadcast %eq3A_484 : i32 to vector<16xi32>
    %eq3A_486 = arith.cmpi eq, %iota3A, %eq3A_485 : vector<16xi32>
    %select_n3A_487 = arith.select %eq3A_486, %bitcast_convert_type3A_329, %select_n3A_483 : vector<16xi1>, vector<16xf32>
    %eq3A_488 = arith.constant 5 : i32
    %eq3A_489 = vector.broadcast %eq3A_488 : i32 to vector<16xi32>
    %eq3A_490 = arith.cmpi eq, %iota3A, %eq3A_489 : vector<16xi32>
    %select_n3A_491 = arith.select %eq3A_490, %gather3A_255, %select_n3A_487 : vector<16xi1>, vector<16xf32>
    %swap3A = arith.constant 0 : index
    %swap3A_492 = tpu.vector_load %arg8[%swap3A] {strides = array<i32>} : memref<16xf32, #tpu.memory_space<vmem>>, vector<16xf32>,
    tpu.vector_store %arg8[%swap3A], %select_n3A_491 {strides = array<i32>} : memref<16xf32, #tpu.memory_space<vmem>>, vector<16xf32>,
    "tpu.region"() ({
      %run_scoped3A = tpu.sem_alloc : memref<!tpu.dma_semaphore, #tpu.memory_space<semaphore_mem>>
      %dma_start3A = arith.constant 0 : i32
      %dma_start3A_493 = tpu.memref_slice %arg4[%add3A, %dma_start3A] : memref<32x16xf32, #tpu.memory_space<hbm>> -> memref<1x16xf32, #tpu.memory_space<hbm>>
      %dma_start3A_494 = tpu.memref_squeeze %dma_start3A_493 : memref<1x16xf32, #tpu.memory_space<hbm>> -> memref<16xf32, #tpu.memory_space<hbm>>
      %dma_start3A_495 = arith.constant 0 : i32
      %dma_start3A_496 = tpu.memref_slice %arg4[%add3A, %dma_start3A_495] : memref<32x16xf32, #tpu.memory_space<hbm>> -> memref<1x16xf32, #tpu.memory_space<hbm>>
      %dma_start3A_497 = tpu.memref_squeeze %dma_start3A_496 : memref<1x16xf32, #tpu.memory_space<hbm>> -> memref<16xf32, #tpu.memory_space<hbm>>
      tpu.enqueue_dma source(%arg8 : memref<16xf32, #tpu.memory_space<vmem>>) target(%dma_start3A_497 : memref<16xf32, #tpu.memory_space<hbm>>) target_semaphore(%run_scoped3A : memref<!tpu.dma_semaphore, #tpu.memory_space<semaphore_mem>>)
      %dma_wait3A = arith.constant 0 : i32
      %dma_wait3A_498 = tpu.memref_slice %arg4[%add3A, %dma_wait3A] : memref<32x16xf32, #tpu.memory_space<hbm>> -> memref<1x16xf32, #tpu.memory_space<hbm>>
      %dma_wait3A_499 = tpu.memref_squeeze %dma_wait3A_498 : memref<1x16xf32, #tpu.memory_space<hbm>> -> memref<16xf32, #tpu.memory_space<hbm>>
      %dma_wait3A_500 = arith.constant 0 : i32
      %dma_wait3A_501 = tpu.memref_slice %arg4[%add3A, %dma_wait3A_500] : memref<32x16xf32, #tpu.memory_space<hbm>> -> memref<1x16xf32, #tpu.memory_space<hbm>>
      %dma_wait3A_502 = tpu.memref_squeeze %dma_wait3A_501 : memref<1x16xf32, #tpu.memory_space<hbm>> -> memref<16xf32, #tpu.memory_space<hbm>>
      tpu.wait_dma2 semaphore(%run_scoped3A : memref<!tpu.dma_semaphore, #tpu.memory_space<semaphore_mem>>) src(%arg8 : memref<16xf32, #tpu.memory_space<vmem>>) dst(%dma_wait3A_502 : memref<16xf32, #tpu.memory_space<hbm>>)
      tpu.yield
    }) : () -> ()
    return
  }
}

module attributes {stable_mosaic.version = 14 : i64} {
  func.func @_fin_body(%arg0: memref<32x16xf32, #tpu.memory_space<vmem>>, %arg1: memref<1x1xf32, #tpu.memory_space<smem>>) attributes {dimension_semantics = [], scalar_prefetch = 0 : i64, scratch_operands = 0 : i64, tpu.core_type = #tpu.core_type<tc>} {
    %get3A = arith.constant 0 : index
    %get3A_0 = arith.constant 0 : index
    %get3A_1 = vector.load %arg0[%get3A, %get3A_0] : memref<32x16xf32, #tpu.memory_space<vmem>>, vector<32x16xf32>
    %slice3A = vector.extract_strided_slice %get3A_1 {offsets = [0, 0], sizes = [32, 1], strides = [1, 1]} : vector<32x16xf32> to vector<32x1xf32>
    %slice3A_2 = vector.extract_strided_slice %get3A_1 {offsets = [0, 1], sizes = [32, 1], strides = [1, 1]} : vector<32x16xf32> to vector<32x1xf32>
    %slice3A_3 = vector.extract_strided_slice %get3A_1 {offsets = [0, 2], sizes = [32, 1], strides = [1, 1]} : vector<32x16xf32> to vector<32x1xf32>
    %mul3A = arith.constant 1.000000e+01 : f32
    %mul3A_4 = vector.broadcast %mul3A : f32 to vector<32x1xf32>
    %mul3A_5 = arith.mulf %mul3A_4, %slice3A_2 : vector<32x1xf32>
    %log3A = math.log %slice3A : vector<32x1xf32>
    %add3A = arith.addf %mul3A_5, %log3A : vector<32x1xf32>
    %mul3A_6 = arith.constant 1.000000e+01 : f32
    %mul3A_7 = vector.broadcast %mul3A_6 : f32 to vector<32x1xf32>
    %mul3A_8 = arith.mulf %mul3A_7, %slice3A_3 : vector<32x1xf32>
    %sub3A = arith.subf %add3A, %mul3A_8 : vector<32x1xf32>
    %reduce_sum3A = vector.shape_cast %sub3A : vector<32x1xf32> to vector<1x32x1xf32>
    %reduce_sum3A_9 = arith.constant dense<0.000000e+00> : vector<1xf32>
    %reduce_sum3A_10 = vector.multi_reduction <add>, %reduce_sum3A, %reduce_sum3A_9 [1, 2] : vector<1x32x1xf32> to vector<1xf32>
    %reduce_sum3A_11 = vector.shape_cast %reduce_sum3A_10 : vector<1xf32> to vector<1x1x1xf32>
    %reduce_sum3A_12 = vector.extract %reduce_sum3A_11[0, 0, 0] : f32 from vector<1x1x1xf32>
    %add3A_13 = arith.constant 0.000000e+00 : f32
    %add3A_14 = arith.addf %add3A_13, %reduce_sum3A_12 : f32
    %slice3A_15 = vector.extract_strided_slice %get3A_1 {offsets = [0, 3], sizes = [32, 1], strides = [1, 1]} : vector<32x16xf32> to vector<32x1xf32>
    %slice3A_16 = vector.extract_strided_slice %get3A_1 {offsets = [0, 4], sizes = [32, 1], strides = [1, 1]} : vector<32x16xf32> to vector<32x1xf32>
    %slice3A_17 = vector.extract_strided_slice %get3A_1 {offsets = [0, 5], sizes = [32, 1], strides = [1, 1]} : vector<32x16xf32> to vector<32x1xf32>
    %mul3A_18 = arith.constant 1.000000e+01 : f32
    %mul3A_19 = vector.broadcast %mul3A_18 : f32 to vector<32x1xf32>
    %mul3A_20 = arith.mulf %mul3A_19, %slice3A_16 : vector<32x1xf32>
    %log3A_21 = math.log %slice3A_15 : vector<32x1xf32>
    %add3A_22 = arith.addf %mul3A_20, %log3A_21 : vector<32x1xf32>
    %mul3A_23 = arith.constant 1.000000e+01 : f32
    %mul3A_24 = vector.broadcast %mul3A_23 : f32 to vector<32x1xf32>
    %mul3A_25 = arith.mulf %mul3A_24, %slice3A_17 : vector<32x1xf32>
    %sub3A_26 = arith.subf %add3A_22, %mul3A_25 : vector<32x1xf32>
    %reduce_sum3A_27 = vector.shape_cast %sub3A_26 : vector<32x1xf32> to vector<1x32x1xf32>
    %reduce_sum3A_28 = arith.constant dense<0.000000e+00> : vector<1xf32>
    %reduce_sum3A_29 = vector.multi_reduction <add>, %reduce_sum3A_27, %reduce_sum3A_28 [1, 2] : vector<1x32x1xf32> to vector<1xf32>
    %reduce_sum3A_30 = vector.shape_cast %reduce_sum3A_29 : vector<1xf32> to vector<1x1x1xf32>
    %reduce_sum3A_31 = vector.extract %reduce_sum3A_30[0, 0, 0] : f32 from vector<1x1x1xf32>
    %add3A_32 = arith.addf %add3A_14, %reduce_sum3A_31 : f32
    %mul3A_33 = arith.constant 1.562500e-02 : f32
    %mul3A_34 = arith.mulf %add3A_32, %mul3A_33 : f32
    %swap3A = arith.constant 0 : index
    %swap3A_35 = arith.constant 0 : index
    %swap3A_36 = memref.load %arg1[%swap3A, %swap3A_35] : memref<1x1xf32, #tpu.memory_space<smem>>
    memref.store %mul3A_34, %arg1[%swap3A, %swap3A_35] : memref<1x1xf32, #tpu.memory_space<smem>>
    return
  }
}

</mosaic_0001>

<sc_bundles>
// kernel: kernel.4.cloned.1.call-start
scs
__scs_entry_jumppad:
0x0: {  	(pc) =	sbr.rel $0x88, $3  }
0x1: {  	(tag) =	ssettag $0x0;
	lr =	simm.s32 $0x1  }
0x2: {  	[smem:$0x3F9F] =	sst lr;
	_ =	strace $0xD0000000  }
0x3: {  	_ = 	snop  }
0x4: {  	_ = 	snop  }
0x5: {  	_ = 	snop  }
0x6: {  	_ = 	snop  }
0x7: {  	_ = 	snop  }
__scs_overlays_trampoline_lowered:
0x8: {  	[smem:$0x3FAE] =	sst s0  }
0x9: {  	[smem:$0x3FAF] =	sst s1  }
0xa: {  	[smem:$0x3FB0] =	sst s2  }
0xb: {  	[smem:$0x3FB1] =	sst s3  }
0xc: {  	[smem:$0x3FB2] =	sst s4  }
0xd: {  	[smem:$0x3FB3] =	sst s5  }
0xe: {  	[smem:$0x3FB4] =	sst s6  }
0xf: {  	[smem:$0x3FB5] =	sst s7  }
0x10: {  	[smem:$0x3FB6] =	sst s8  }
0x11: {  	[smem:$0x3FB7] =	sst s9;
	s0 =	simm.s32 @!p0 $0x0  }
0x12: {  	s1 =	sld [smem:$0x3F9D];
	s0 =	simm.s32 @p0 $0x1  }
0x13: {  	[smem:$0x3FB8] =	sst s0;
	s0 =	simm.s32 @!p1 $0x0  }
0x14: {  	s2 =	sld [smem:$0x3F9C];
	s0 =	simm.s32 @p1 $0x1  }
0x15: {  	[smem:$0x3FB9] =	sst s0;
	s0 =	simm.s32 @!p2 $0x0  }
0x16: {  	s3 =	sld [smem:$0x3FDB];
	s0 =	simm.s32 @p2 $0x1  }
0x17: {  	s4 =	simm.s32 $0x1BF5;
	[smem:$0x3FBB] =	sst s0  }
0x18: {  	s0 =	sld [smem:$0x3F9E];
	_ =	swait.ge [sflag:s4], $0x0  }
0x19: {  	s7 =	sld [smem:$0x3F9F]  }
0x1a: {  	s8 =	sadd.s32 $0xFFFFE003, lr  }
0x1b: {  	s9 =	sadd.s32 $0xFFFFFEF7, lr;
	s5 =	simm.s32 $0xFFFFFFFF;
	p2 =	slt.u32 s8, $0xFFFFF086  }
0x1c: {  	p1 =	slt.u32 s9, $0xF7A;
	s5 =	simm.s32 @!p2 $0x0  }
0x1d: {  	s5 =	simm.s32 @p1 $0x1;
	p0 =	seq.s32 s7, s2  }
0x1e: {  	s7 =	smul.u32 @!p0 $0xF7A, s2;
	p2 =	seq.s32 @!p0 s5, $0x0  }
0x1f: {  	s9 =	smul.u32 $0xF7A, s1;
	s8 =	simm.s32 @!p0 $0x1BF5;
	p2 =	por !p2, p0  }
0x20: {  	[sflag:s8] =	ssyncset.s32 @!p0 $0xFFFFF086;
	s6 =	sadd.s32 @!p0 s3, s7;
	s7 =	simm.s32 @!p0 $0x108  }
0x21: {  	s3 =	sadd.s32 s3, s9;
	s6 =	sadd.s32 @!p0 $0x88, s6;
	s7 =	simm.s32 @p2 $0x1082  }
0x22: {  	[simem:s7], [sflag:s8] =	dma.local @!p0 [hbm:s6], $0xF7A  }
0x23: {  	s9 =	sor.u32 $0xD0000000, s2;
	s6 =	simm.s32 $0x108;
	_ =	swait.ge @!p0 [sflag:s8], $0x0  }
0x24: {  	s3 =	sadd.s32 $0x88, s3;
	s6 =	simm.s32 @!p1 $0x1082;
	[sflag:s4] =	ssyncset.s32 $0xFFFFF086  }
0x25: {  	[simem:s6], [sflag:s4] =	dma.local [hbm:s3], $0xF7A  }
0x26: {  	[smem:$0x3F9F] =	sst s1;
	(tag) =	ssettag s2;
	_ =	strace s9  }
0x27: {  	s1 =	sld [smem:$0x3FAF]  }
0x28: {  	s2 =	sld [smem:$0x3FB0]  }
0x29: {  	s4 =	sld [smem:$0x3FB2]  }
0x2a: {  	p0 =	seq.s32 s5, $0x0;
	s5 =	sld [smem:$0x3FB3]  }
0x2b: {  	s6 =	sld [smem:$0x3FB4]  }
0x2c: {  	s7 =	sld [smem:$0x3FB5]  }
0x2d: {  	s3 =	simm.s32 $0x108;
	s8 =	sld [smem:$0x3FB6]  }
0x2e: {  	s3 =	simm.s32 @!p0 $0x1082;
	s9 =	sld [smem:$0x3FB7]  }
0x2f: {  	lr =	sadd.s32 s0, s3;
	s0 =	sld [smem:$0x3FAE]  }
0x30: {  	s3 =	sld [smem:$0x3FB1]  }
0x31: {  	[smem:$0x3FBA] =	sst s10  }
0x32: {  	s10 =	sld [smem:$0x3FB8];
	_ =	sdelay $0x3  }
0x33: {  	p0 =	seq.s32 s10, $0x1;
	s10 =	sld [smem:$0x3FBA];
	_ =	sdelay $0x3  }
0x34: {  	[smem:$0x3FBA] =	sst s10  }
0x35: {  	s10 =	sld [smem:$0x3FB9];
	_ =	sdelay $0x3  }
0x36: {  	p1 =	seq.s32 s10, $0x1;
	s10 =	sld [smem:$0x3FBA];
	_ =	sdelay $0x3  }
0x37: {  	[smem:$0x3FBA] =	sst s10  }
0x38: {  	s10 =	sld [smem:$0x3FBB]  }
0x39: {  	_ = 	snop;
	(pc) =	sbr.ind lr, $3  }
0x3a: {  	_ = 	snop  }
0x3b: {  	_ = 	snop  }
0x3c: {  	p2 =	seq.s32 s10, $0x1;
	s10 =	sld [smem:$0x3FBA]  }
0x3d: {  	_ =	shalt  }
0x3e: {  	_ =	shalt  }
0x3f: {  	_ =	shalt  }
0x40: {  	_ =	shalt  }
0x41: {  	_ =	shalt  }
0x42: {  	_ =	shalt  }
0x43: {  	_ =	shalt  }
0x44: {  	_ =	shalt  }
0x45: {  	_ =	shalt  }
0x46: {  	_ =	shalt  }
0x47: {  	_ =	shalt  }
0x48: {  	_ =	shalt  }
0x49: {  	_ =	shalt  }
0x4a: {  	_ =	shalt  }
0x4b: {  	_ =	shalt  }
0x4c: {  	_ =	shalt  }
0x4d: {  	_ =	shalt  }
0x4e: {  	_ =	shalt  }
0x4f: {  	_ =	shalt  }
0x50: {  	_ =	shalt  }
0x51: {  	_ =	shalt  }
0x52: {  	_ =	shalt  }
0x53: {  	_ =	shalt  }
0x54: {  	_ =	shalt  }
0x55: {  	_ =	shalt  }
0x56: {  	_ =	shalt  }
0x57: {  	_ =	shalt  }
0x58: {  	_ =	shalt  }
0x59: {  	_ =	shalt  }
0x5a: {  	_ =	shalt  }
0x5b: {  	_ =	shalt  }
0x5c: {  	_ =	shalt  }
0x5d: {  	_ =	shalt  }
0x5e: {  	_ =	shalt  }
0x5f: {  	_ =	shalt  }
0x60: {  	_ =	shalt  }
0x61: {  	_ =	shalt  }
0x62: {  	_ =	shalt  }
0x63: {  	_ =	shalt  }
0x64: {  	_ =	shalt  }
0x65: {  	_ =	shalt  }
0x66: {  	_ =	shalt  }
0x67: {  	_ =	shalt  }
0x68: {  	_ =	shalt  }
0x69: {  	_ =	shalt  }
0x6a: {  	_ =	shalt  }
0x6b: {  	_ =	shalt  }
0x6c: {  	_ =	shalt  }
0x6d: {  	_ =	shalt  }
0x6e: {  	_ =	shalt  }
0x6f: {  	_ =	shalt  }
0x70: {  	_ =	shalt  }
0x71: {  	_ =	shalt  }
0x72: {  	_ =	shalt  }
0x73: {  	_ =	shalt  }
0x74: {  	_ =	shalt  }
0x75: {  	_ =	shalt  }
0x76: {  	_ =	shalt  }
0x77: {  	_ =	shalt  }
0x78: {  	_ =	shalt  }
0x79: {  	_ =	shalt  }
0x7a: {  	_ =	shalt  }
0x7b: {  	_ =	shalt  }
0x7c: {  	_ =	shalt  }
0x7d: {  	_ =	shalt  }
0x7e: {  	_ =	shalt  }
0x7f: {  	_ =	shalt  }
0x80: {  	_ =	shalt  }
0x81: {  	_ =	shalt  }
0x82: {  	_ =	shalt  }
0x83: {  	_ =	shalt  }
0x84: {  	_ =	shalt  }
0x85: {  	_ =	shalt  }
0x86: {  	_ =	shalt  }
0x87: {  	_ =	shalt  }
.Lfunc_end0:
.L_simem_size_0:
called_computation_lowered:
.L_overlay_start_0:
0x88: {  	s2 =	sld [smem:$0x3FD9]  }
0x89: {  	s3 =	sld [smem:$0x3FFE];
	_ =	sdelay $0x1  }
0x8a: {  	s1 =	srdreg.scid  }
0x8b: {  	s0 =	sand.u32 $0x1, s1  }
0x8c: {  	s17 =	sshll.u32 s0, $0xA;
	s2 =	sadd.s32 s3, s2  }
0x8d: {  	s2 =	sadd.s32 s2, s17  }
0x8e: {  	[smem:$0x3FC6] =	sst s2  }
0x8f: {  	_ = 	snop  }
0x90: {  	s2 =	sld [smem:$0x3FC9]  }
0x91: {  	s18 =	sld [smem:$0x3FC8];
	(tm) =	ssettm $0x1  }
0x92: {  	s4 =	sld [smem:$0x3FFB];
	_ =	sdelay $0x3  }
0x93: {  	_ =	strace s4  }
0x94: {  	s4 =	sld [smem:$0x3FFC];
	_ =	sdelay $0x3  }
0x95: {  	_ =	strace s4  }
0x96: {  	s4 =	sld [smem:$0x3FFD];
	_ =	sdelay $0x3  }
0x97: {  	_ =	strace s4  }
0x98: {  	_ =	strace $0x8FFFFFFF  }
0x99: {  	s19 =	sld [smem:$0x3FDB];
	_ =	sdelay $0x1  }
0x9a: {  	s5 =	simm.s32 $_scs_section_size  }
0x9b: {  	s6 =	simm.s32 $_size__tile_overlayer_lowered;
	s7 =	simm.s32 $_tile_overlayer_lowered  }
0x9c: {  	s22 =	simm.s32 $0x1BFF;
	s21 =	sshll.u32 s7, $0x1;
	s4 =	sadd.s32 s5, s19  }
0x9d: {  	s8 =	simm.s32 $0x0;
	s20 =	sshll.u32 s6, $0x1;
	s6 =	sadd.s32 s21, s4  }
0x9e: {  	[timem:s8], [sflag:s22] =	dma.local [hbm:s6], s20  }
0x9f: {  	_ =	swait.ge [sflag:s22], s20  }
0xa0: {  	s5 =	ssub.s32 $0x0, s20;
	[sflag:s22] =	ssyncset.done $0x0  }
0xa1: {  	[sflag:s22] =	ssyncadd.s32 s5;
	_ =	sdelay $0x1  }
0xa2: {  	s23 =	simm.s32 $0x1B8B  }
0xa3: {  	_ =	swait.ge [sflag:s23], $0x1  }
0xa4: {  	[sflag:s23] =	ssyncset.done $0x0  }
0xa5: {  	s25 =	simm.s32 $0x1B8E;
	s24 =	sld [smem:$0x3FFE];
	[sflag:s23] =	ssyncadd.s32 $0xFFFFFFFF  }
0xa6: {  	s26 =	simm.s32 $execute0_lowered;
	[smem:$0x3FD2] =	sst s25  }
0xa7: {  	s6 =	sshll.u32 s26, $0x1;
	_ =	strace $0x80000046;
	[dreg:$0x1] =	wrdreg $0xFFFFFFFF  }
0xa8: {  	s28 =	simm.s32 $_size_execute0_lowered;
	s4 =	sadd.s32 s4, s6;
	[dreg:$0x0] =	wrdreg $0x0  }
0xa9: {  	s6 =	sshll.u32 s28, $0x1;
	[dreg:$0x2] =	wrdreg s4  }
0xaa: {  	[dreg:$0x3] =	wrdreg s6  }
0xab: {  	[dreg:$0x4] =	wrdreg $0xC0  }
0xac: {  	_ =	task [dreg:s8], $0x5FFFF  }
0xad: {  	[dreg:$0x1] =	wrdreg $0xFFFFFFFF  }
0xae: {  	[dreg:$0x0] =	wrdreg $0x60  }
0xaf: {  	[dreg:$0x2] =	wrdreg s2  }
0xb0: {  	[dreg:$0x3] =	wrdreg s18  }
0xb1: {  	[dreg:$0x4] =	wrdreg s24  }
0xb2: {  	[dreg:$0x5] =	wrdreg $0x9  }
0xb3: {  	_ =	task.clear_ibuf [dreg:s8], $0x6FFFF;
	_ =	strace $0x90000046  }
0xb4: {  	s29 =	simm.s32 $0x9;
	_ =	strace $0x80000048  }
0xb5: {  	_ =	swait.ge [sflag:s29], $0x1  }
0xb6: {  	[sflag:s29] =	ssyncadd.s32 $0xFFFFFFFF  }
0xb7: {  	_ =	strace $0x90000048  }
0xb8: {  	_ =	sfence  }
0xb9: {  	s30 =	sld [smem:$0x0];
	_ =	sdelay $0x2  }
0xba: {  	s31 =	sshll.u32 s1, $0xD;
	s1 =	sshrl.u32 s1, $0x2  }
0xbb: {  	s3 =	sand.u32 $0x4000, s31;
	s1 =	sadd.s32 s1, s30  }
0xbc: {  	s0 =	sor.u32 s3, s0;
	s1 =	sshll.u32 s1, $0x11  }
0xbd: {  	s0 =	sor.u32 s1, s0  }
0xbe: {  	s0 =	sadd.s32 $0x8F2B, s0  }
0xbf: {  	[sflag:s0] =	ssyncadd.remote.s32 $0x1  }
0xc0: {  	_ =	sfence.sel $0xFFFF  }
0xc1: {  	[dreg:$0x0] =	wrdreg $0xFFFFFFFF;
	(pc) =	sbr.abs _section_cstart, $3  }
0xc2: {  	[dreg:$0x1] =	wrdreg $0xFFFFFFFF  }
0xc3: {  	_ =	task.clear_ibuf [dreg:s8], $0x2FFFF;
	_ =	strace $0x9FFFFFFF  }
0xc4: {  	(tm) =	ssettm $0x7FFFFFFF  }
0xc5: {  	_ =	shalt  }
tec
execute0_lowered:
.L_overlay_start_1:
0x0: {  	(tag) =	ssettag $0x1  }
0x1: {  	s5 =	rddreg [dreg:$0x0]  }
0x2: {  	s2 =	rddreg [dreg:$0x1]  }
0x3: {  	s4 =	rddreg [dreg:$0x2]  }
0x4: {  	s0 =	rddreg [dreg:$0x3];
	s6 =	srdreg.scid  }
0x5: {  	s1 =	stileid.u32;
	s3 =	simm.s32 $0x0;
	s12 =	simm.s32 $0x18700  }
0x6: {  	s13 =	simm.s32 $0x19780;
	s14 =	simm.s32 $0x0;
	s6 =	sand.u32 $0x1, s6  }
0x7: {  	s7 =	sshll.u32 s1, $0x1;
	[smem:$0x7FF] =	sst s3;
	s29 =	sshrl.u32 s1, $0x1  }
0x8: {  	s7 =	sor.u32 s6, s7;
	_ =	strace $0x80000047;
	s6 =	ssub.s32 $0x2, s6  }
0x9: {  	s8 =	sshll.u32 s7, $0x4;
	s9 =	sshllo.u32 s7, $0x1;
	s10 =	sshll.u32 s7, $0x8  }
0xa: {  	s7 =	sshll.u32 s7, $0x1;
	s30 =	sshrl.u32 s6, $0x1;
	s8 =	sadd.s32 s8, s4  }
0xb: {  	s4 =	smul.u32 $0xC3800, s29;
	s11 =	sshll.u32 s9, $0x7;
	s10 =	sand.u32 $0x300, s10  }
.Ltmp0:
0xc: {  	v1 =	vmov s9;
	s9 =	simm.s32 $0x1;
	s11 =	sand.u32 $0x380, s11;
	(pc) =	sbr.rel .LBB2_1-.Ltmp0, $4  }
0xd: {  	v2 =	vimm.f32 $0.0e+00;
	v3 =	vlaneseq.u32;
	v4 =	vimm.f32 $1.000000000e+00;
	s10 =	sor.u32 s4, s10;
	s4 =	sor.u32 s4, s11;
	s11 =	ssub.s32 s6, s30  }
0xe: {  	v5 =	vimm.s32 $0x0;
	v6 =	vimm.s32 $0x80000000;
	vm0 =	vcmask $0x318;
	s6 =	sadd.s32 $0x600, s8;
	s8 =	simm.s32 $0x19700;
	s10 =	sshrl.u32 s10, $0x3  }
0xf: {  	vm1 =	vcmask $0x718;
	vm2 =	vcmask $0xB18;
	v0 =	vmov s7;
	s31 =	sshrl.u32 s4, $0x3;
	s7 =	smax.u32 s11, $0x1;
	s11 =	simm.s32 $0x400  }
0x10: {  	vm3 =	vcmask $0xF18;
	vm4 =	vcmask $0x1318;
	v0 =	vbroadcast v0, $0x0;
	s4 =	sadd.s32 s5, s10;
	s5 =	sadd.s32 s5, s31;
	s10 =	simm.s32 $0x80  }
.LBB2_109:
0x11: {  	s17 =	simm.s32 $0x0;
	v14 =	vmov v15;
	v17 =	vimm.f32 $0.0e+00  }
.LBB2_116:
0x12: {  	v16 =	vmul.f32 $1.000000000e+01, v16  }
0x13: {  	v18 =	vxor.u32 @p2 v20, v19  }
0x14: {  	v19 =	vor.u32 @p2 s17, v3;
	v16 =	vmul.f32 $1.442695020e+00, v16  }
0x15: {  	vm5 =	vgt.u32 @p2 v18, v11;
	vm6 =	vlt.s32 @p2 v19, v12  }
0x16: {  	vm5 =	vmand @p2 vm6, vm5;
	v18 =	vpop @p2 (erf);
	(erf) = vpow2.f32 v16  }
0x17: {  	v16 =	vshra.s32 @p1 v15, $0x1F;
	v18 =	vnsel @p2 vm5, $0x0, v18  }
0x18: {  	s17 =	sadd.s32 @p2 $0x10, s17;
	s20 =	simm.s32 $0x0;
	v16 =	vor.u32 @p1 $0x80000000, v16;
	v17 =	vadd.f32 @p2 v18, v17  }
0x19: {  	s20 =	smov.u32 @p2 s17;
	v15 =	vpsel p1, v15, v0;
	v16 =	vpsel p1, v16, v0  }
0x1a: {  	v15 =	vxor.u32 @p1 v15, v16;
	v16 =	vor.u32 @p1 s20, v3  }
0x1b: {  	s17 =	sadd.s32 @p1 $0x10, s20;
	vm5 =	vgt.u32 @p1 v15, v11;
	vm6 =	vlt.s32 @p1 v16, v12;
	v15 =	vshra.s32 v14, $0x1F  }
0x1c: {  	s19 =	smov.u32 @p1 s17;
	v16 =	vpsel p2, v17, v13;
	vm5 =	vmand @p1 vm6, vm5;
	v17 =	vpop @p1 (erf);
	v15 =	vor.u32 $0x80000000, v15  }
0x1d: {  	v17 =	vnsel @p1 vm5, $0x0, v17;
	v14 =	vxor.u32 v14, v15;
	v15 =	vor.u32 s19, v3  }
0x1e: {  	v16 =	vadd.f32 @p1 v17, v16;
	vm5 =	vgt.u32 v14, v11;
	vm6 =	vlt.s32 v15, v12  }
0x1f: {  	vm5 =	vmand vm6, vm5;
	v12 =	vpop (erf)  }
0x20: {  	v13 =	vpsel p1, v16, v13;
	v12 =	vnsel vm5, $0x0, v12  }
0x21: {  	v13 =	vadd.f32 v12, v13  }
.LBB2_117:
0x22: {  	vm5 =	vgt.s32 v11, $0xFFFFFFFF  }
0x23: {  	v12 =	vsub.f32 v10, v9;
	v14 =	vsel vm5, $0xFFFFFFFF, v6  }
0x24: {  	v14 =	vxor.u32 v11, v14  }
0x25: {  	v12 =	vmul.f32 $1.000000000e+01, v12;
	v14 =	vsub.f32 v14, v9;
	_ =	sdelay $0x1  }
0x26: {  	(xrf2) =	vadd.scan.msk.f32 $0xffff, v13;
	v12 =	vmul.f32 $1.442695020e+00, v12;
	v14 =	vmul.f32 $1.000000000e+01, v14;
	_ =	sdelay $0x1  }
0x27: {  	(erf) = vpow2.f32 v12;
	v57 =	vmul.f32 $1.442695020e+00, v14;
	_ =	sdelay $0x1  }
0x28: {  	(erf) = vpow2.f32 v57  }
0x29: {  	s15 =	sadd.f32 s16, s15;
	_ =	sdelay $0x1  }
0x2a: {  	s15 =	sadd.f32 s18, s15;
	_ =	sdelay $0x1  }
0x2b: {  	v58 =	vmov s15  }
0x2c: {  	vm5 =	vgt.u32 v8, v11;
	v8 =	vsub.f32 $9.990000000e+02, v58;
	v60, _, _ =	vpop (xrf2)  }
0x2d: {  	v61 =	vsel vm5, $0x3F800000, v2;
	v59 =	vpop (erf)  }
0x2e: {  	v8 =	vadd.f32 v61, v8;
	v11 =	vbroadcast v60, $0xF;
	v62 =	vmul.f32 v61, v59  }
0x2f: {  	v63 =	vpop (erf)  }
0x30: {  	v11 =	vsub.f32 v11, v62;
	v8 =	vmul.f32 v63, v8;
	_ =	sdelay $0x1  }
0x31: {  	v8 =	vadd.f32 v11, v8;
	_ =	sdelay $0x1  }
0x32: {  	v8 =	vadd.f32 v8, v59;
	_ =	sdelay $0x1  }
0x33: {  	v7 =	vsel vm2, v7, v8  }
0x34: {  	s14 =	sadd.s32 $0x1, s14;
	v7 =	vsel vm3, v7, v9  }
0x35: {  	p0 =	sne.s32 s14, s7;
	v7 =	vsel vm4, v7, v10  }
.Ltmp1:
0x36: {  	[tilespmem:$0x19780] =	vst v7;
	(pc) =	sbr.rel @!p0 .LBB2_118-.Ltmp1, $4  }
0x37: {  	[hbm4b:s6+s3] =	stream.linear.scatter [tilespmem:s13], [sflag:$0x1], $0x80, $0x38;
	[tilespmem:$0x19800] =	vst v63  }
0x38: {  	_ =	swait.ge [sflag:s9], $0x80  }
0x39: {  	[sflag:s9] =	ssyncset.done $0x0  }
0x3a: {  	[sflag:s9] =	ssyncadd.s32 $0xFFFFFF80  }
.LBB2_1:
0x3b: {  	[tilespmem:s8], [sflag:$0x1] =	stream.linear.gather [hbm4b:s2+s3], $0x80, $0x38;
	[tilespmem:$0x19800] =	vst v63  }
0x3c: {  	_ =	swait.ge [sflag:s9], $0x80  }
0x3d: {  	[sflag:s9] =	ssyncset.done $0x0  }
0x3e: {  	[sflag:s9] =	ssyncadd.s32 $0xFFFFFF80  }
0x3f: {  	[tilespmem:s3], [sflag:$0x1] =	stream.strided.gather [hbm4b:s4+s10], $0x18700, s11, s10, $0x38;
	[tilespmem:$0x19800] =	vst v63  }
0x40: {  	_ =	swait.ge [sflag:s9], $0x18700  }
0x41: {  	[sflag:s9] =	ssyncset.done $0x0  }
0x42: {  	s15 =	simm.s32 $0x18740;
	[sflag:s9] =	ssyncadd.s32 $0xFFFE7900  }
0x43: {  	[tilespmem:s15+$0xFFFFFFC0] =	vst v2  }
0x44: {  	[tilespmem:s15+$0x30] =	vst v2  }
0x45: {  	[tilespmem:s15+$0x20] =	vst v2  }
0x46: {  	[tilespmem:s15+$0x10] =	vst v2  }
0x47: {  	[tilespmem:s15+$0x0] =	vst v2  }
0x48: {  	[tilespmem:s15+$0xFFFFFFF0] =	vst v2  }
0x49: {  	s17 =	simm.s32 $0x0;
	s16 =	simm.s32 $0x50;
	[tilespmem:s15+$0xFFFFFFE0] =	vst v2  }
.LBB2_2:
0x4a: {  	s17 =	sadd.s32 $0x8, s17;
	[tilespmem:s15+$0xFFFFFFD0] =	vst v2;
	s15 =	sadd.s32 $0x80, s15  }
0x4b: {  	[tilespmem:s15+$0xFFFFFFC0] =	vst v2;
	p0 =	slt.u32 s17, $0xF8  }
0x4c: {  	[tilespmem:s15+$0x30] =	vst v2  }
.Ltmp2:
0x4d: {  	[tilespmem:s15+$0x20] =	vst v2;
	(pc) =	sbr.rel @p0 .LBB2_2-.Ltmp2, $4  }
0x4e: {  	[tilespmem:s15+$0x10] =	vst v2  }
0x4f: {  	[tilespmem:s15+$0x0] =	vst v2  }
0x50: {  	[tilespmem:s15+$0xFFFFFFF0] =	vst v2  }
0x51: {  	s18 =	simm.s32 $0x0;
	[tilespmem:s15+$0xFFFFFFE0] =	vst v2  }
0x52: {  	[tilespmem:s15+$0xFFFFFFD0] =	vst v2  }
0x53: {  	v12 =	vld [tilespmem:s16+$0xFFFFFFC0]  }
0x54: {  	v13 =	vld [tilespmem:s16+$0x0]  }
0x55: {  	s31 =	sand.u32 $0x1FFE0, s18;
	v9 =	vld [tilespmem:s16+$0xFFFFFFB0]  }
0x56: {  	v11 =	vld [tilespmem:s31+$0x80]  }
0x57: {  	v8 =	vld [tilespmem:s16+$0x40]  }
0x58: {  	v15 =	vld [tilespmem:s16+$0xFFFFFFF0]  }
0x59: {  	v17 =	vld [tilespmem:s16+$0xFFFFFFD0]  }
0x5a: {  	v14 =	vshra.s32 v12, $0x1F;
	v16 =	vshra.s32 v9, $0x1F  }
0x5b: {  	v18 =	vshra.s32 v13, $0x1F;
	v20 =	vshra.s32 v11, $0x1F;
	v14 =	vor.u32 $0x80000000, v14  }
0x5c: {  	v10 =	vld [tilespmem:s16+$0xFFFFFFE0];
	v22 =	vshra.s32 v8, $0x1F;
	v18 =	vor.u32 $0x80000000, v18;
	v12 =	vxor.u32 v12, v14  }
0x5d: {  	v7 =	vld [tilespmem:s16+$0x20];
	v14 =	vor.u32 $0x80000000, v16;
	v16 =	vshra.s32 v15, $0x1F;
	v13 =	vxor.u32 v13, v18  }
0x5e: {  	v18 =	vshra.s32 v17, $0x1F;
	v12 =	vshrl.u32 v12, $0x14;
	v21 =	vshrl.u32 v13, $0x14;
	v13 =	vld [tilespmem:s16+$0x10]  }
0x5f: {  	v19 =	vor.u32 $0x80000000, v16;
	v18 =	vor.u32 $0x80000000, v18;
	v12 =	vand.u32 $0xFF0, v12  }
0x60: {  	v18 =	vxor.u32 v17, v18;
	v21 =	vand.u32 $0xFF0, v21;
	v16 =	vor.u32 v3, v12  }
0x61: {  	v12 =	vxor.u32 v15, v19;
	v19 =	vor.u32 $0x80000000, v20;
	v20 =	vshra.s32 v10, $0x1F  }
0x62: {  	s15 =	simm.s32 $0x0;
	s17 =	simm.s32 $0xF0;
	s16 =	simm.s32 $0xA0;
	v17 =	vor.u32 $0x80000000, v22;
	v15 =	vshra.s32 v7, $0x1F;
	v20 =	vor.u32 $0x80000000, v20  }
.LBB2_4:
0x63: {  	v22 =	vld [tilespmem:s17+$0xFFFFFFC0];
	s18 =	sand.u32 $0x1FFE0, s16;
	s15 =	sadd.s32 $0xA, s15;
	v10 =	vxor.u32 v10, v20;
	v20 =	vor.u32 v3, v21;
	v21 =	vshra.s32 v13, $0x1F  }
0x64: {  	v11 =	vxor.u32 v11, v19;
	v23 =	vld [tilespmem:s17+$0x10];
	p0 =	slt.u32 s15, $0x1860;
	v10 =	vshrl.u32 v10, $0x14;
	v21 =	vor.u32 $0x80000000, v21  }
0x65: {  	v9 =	vxor.u32 v9, v14;
	[tilespmem:v16+s12+$0x0] =	vst.idx.add.f32.msk $0xffff, v4;
	v10 =	vand.u32 $0xFF0, v10;
	v13 =	vxor.u32 v13, v21  }
0x66: {  	v14 =	vshrl.u32 v9, $0x14;
	v19 =	vld [tilespmem:s17+$0x0];
	v16 =	vor.u32 v3, v10;
	v10 =	vshrl.u32 v13, $0x14  }
0x67: {  	v11 =	vshrl.u32 v11, $0x14;
	v26 =	vand.u32 $0xFF0, v14;
	v9 =	vld [tilespmem:s17+$0xFFFFFFB0];
	v14 =	vand.u32 $0xFF0, v10  }
0x68: {  	v18 =	vshrl.u32 v18, $0x14;
	v11 =	vand.u32 $0xFF0, v11;
	v10 =	vld [tilespmem:s17+$0xFFFFFFE0];
	v21 =	vor.u32 v3, v14  }
0x69: {  	v25 =	vor.u32 v3, v26;
	v14 =	vand.u32 $0xFF0, v18;
	v18 =	vor.u32 v3, v11;
	v24 =	vld [tilespmem:s17+$0xFFFFFFF0];
	v13 =	vmovc v23  }
0x6a: {  	v8 =	vxor.u32 v8, v17;
	v23 =	vor.u32 v3, v14;
	v14 =	vor.u32 $0x80000000, v15;
	v11 =	vld [tilespmem:s18+$0x80]  }
0x6b: {  	v12 =	vshrl.u32 v12, $0x14;
	v15 =	vshrl.u32 v8, $0x14;
	v14 =	vxor.u32 v7, v14;
	v7 =	vld [tilespmem:s17+$0x20]  }
0x6c: {  	v12 =	vand.u32 $0xFF0, v12;
	v27 =	vshrl.u32 v14, $0x14;
	v17 =	vshra.s32 v9, $0x1F;
	v26 =	vld [tilespmem:s17+$0xFFFFFFD0]  }
0x6d: {  	v28 =	vshra.s32 v22, $0x1F;
	v15 =	vand.u32 $0xFF0, v15;
	v29 =	vshra.s32 v19, $0x1F;
	v8 =	vld [tilespmem:s17+$0x40]  }
0x6e: {  	v14 =	vor.u32 $0x80000000, v17;
	v17 =	vor.u32 $0x80000000, v28;
	v28 =	vor.u32 v3, v15;
	[tilespmem:v16+s12+$0x0] =	vst.idx.add.f32.msk $0xffff, v4  }
0x6f: {  	v15 =	vxor.u32 v22, v17;
	v17 =	vor.u32 v3, v12;
	v12 =	vand.u32 $0xFF0, v27;
	[tilespmem:v18+s12+$0x0] =	vst.idx.add.f32.msk $0xffff, v4  }
0x70: {  	v16 =	vshra.s32 v24, $0x1F;
	v15 =	vshrl.u32 v15, $0x14;
	v18 =	vor.u32 v3, v12;
	[tilespmem:v23+s12+$0x0] =	vst.idx.add.f32.msk $0xffff, v4  }
0x71: {  	v22 =	vor.u32 $0x80000000, v29;
	v12 =	vand.u32 $0xFF0, v15;
	v15 =	vor.u32 $0x80000000, v16;
	[tilespmem:v25+s12+$0x0] =	vst.idx.add.f32.msk $0xffff, v4  }
.Ltmp3:
0x72: {  	v23 =	vshra.s32 v11, $0x1F;
	v16 =	vor.u32 v3, v12;
	v25 =	vshra.s32 v8, $0x1F;
	[tilespmem:v20+s12+$0x0] =	vst.idx.add.f32.msk $0xffff, v4;
	(pc) =	sbr.rel @p0 .LBB2_4-.Ltmp3, $4  }
0x73: {  	v22 =	vxor.u32 v19, v22;
	v12 =	vxor.u32 v24, v15;
	v19 =	vor.u32 $0x80000000, v23;
	[tilespmem:v21+s12+$0x0] =	vst.idx.add.f32.msk $0xffff, v4  }
0x74: {  	v15 =	vshra.s32 v7, $0x1F;
	v20 =	vshra.s32 v26, $0x1F;
	v21 =	vshra.s32 v10, $0x1F;
	[tilespmem:v17+s12+$0x0] =	vst.idx.add.f32.msk $0xffff, v4  }
0x75: {  	v17 =	vor.u32 $0x80000000, v20;
	v20 =	vor.u32 $0x80000000, v21;
	v21 =	vshrl.u32 v22, $0x14;
	[tilespmem:v18+s12+$0x0] =	vst.idx.add.f32.msk $0xffff, v4  }
0x76: {  	s16 =	sadd.s32 $0xA0, s16;
	s17 =	sadd.s32 $0xA0, s17;
	v18 =	vxor.u32 v26, v17;
	v21 =	vand.u32 $0xFF0, v21;
	v17 =	vor.u32 $0x80000000, v25;
	[tilespmem:v28+s12+$0x0] =	vst.idx.add.f32.msk $0xffff, v4  }
0x77: {  	v10 =	vxor.u32 v10, v20  }
0x78: {  	v59 =	vor.u32 v3, v21;
	v60 =	vshra.s32 v13, $0x1F;
	v11 =	vxor.u32 v11, v19  }
0x79: {  	v9 =	vxor.u32 v9, v14;
	v62 =	vshrl.u32 v18, $0x14;
	v15 =	vor.u32 $0x80000000, v15  }
0x7a: {  	v12 =	vshrl.u32 v12, $0x14;
	v8 =	vxor.u32 v8, v17;
	v10 =	vshrl.u32 v10, $0x14  }
0x7b: {  	v21 =	vor.u32 $0x80000000, v60;
	v11 =	vshrl.u32 v11, $0x14;
	v14 =	vand.u32 $0xFF0, v62  }
0x7c: {  	v9 =	vshrl.u32 v9, $0x14;
	v12 =	vand.u32 $0xFF0, v12;
	v14 =	vor.u32 v3, v14  }
0x7d: {  	v7 =	vxor.u32 v7, v15;
	v10 =	vand.u32 $0xFF0, v10;
	v63 =	vor.u32 v3, v12  }
0x7e: {  	v8 =	vshrl.u32 v8, $0x14;
	v11 =	vand.u32 $0xFF0, v11;
	v10 =	vor.u32 v3, v10  }
0x7f: {  	[tilespmem:v16+s12+$0x0] =	vst.idx.add.f32.msk $0xffff, v4;
	v61 =	vxor.u32 v13, v21;
	v9 =	vand.u32 $0xFF0, v9;
	v11 =	vor.u32 v3, v11  }
0x80: {  	v7 =	vshrl.u32 v7, $0x14;
	v8 =	vand.u32 $0xFF0, v8;
	v9 =	vor.u32 v3, v9;
	[tilespmem:v59+s12+$0x0] =	vst.idx.add.f32.msk $0xffff, v4  }
0x81: {  	v13 =	vshrl.u32 v61, $0x14;
	v7 =	vand.u32 $0xFF0, v7;
	v8 =	vor.u32 v3, v8;
	[tilespmem:v14+s12+$0x0] =	vst.idx.add.f32.msk $0xffff, v4  }
0x82: {  	v13 =	vand.u32 $0xFF0, v13;
	v7 =	vor.u32 v3, v7;
	[tilespmem:v63+s12+$0x0] =	vst.idx.add.f32.msk $0xffff, v4  }
0x83: {  	v13 =	vor.u32 v3, v13;
	[tilespmem:v10+s12+$0x0] =	vst.idx.add.f32.msk $0xffff, v4  }
0x84: {  	[tilespmem:v11+s12+$0x0] =	vst.idx.add.f32.msk $0xffff, v4  }
0x85: {  	[tilespmem:v9+s12+$0x0] =	vst.idx.add.f32.msk $0xffff, v4  }
0x86: {  	[tilespmem:v8+s12+$0x0] =	vst.idx.add.f32.msk $0xffff, v4  }
0x87: {  	[tilespmem:v7+s12+$0x0] =	vst.idx.add.f32.msk $0xffff, v4  }
0x88: {  	[tilespmem:v13+s12+$0x0] =	vst.idx.add.f32.msk $0xffff, v4  }
0x89: {  	v7 =	vld.idx.msk [tilespmem:v0+s8+$0x0], $0xffff;
	_ =	sdelay $0x7  }
0x8a: {  	s18 =	simm.f32 $0.0e+00;
	s16 =	simm.s32 $0x100;
	s17 =	simm.s32 $0x196F0;
	v7 =	vld.idx.msk [tilespmem:v7+s3+$0x0], $0xffff  }
.LBB2_6:
0x8b: {  	v8 =	vld [tilespmem:s17+$0x0];
	_ =	sdelay $0x4  }
0x8c: {  	(xrf2) =	vadd.scan.msk.f32 $0xffff, v8;
	_ =	sdelay $0x9  }
0x8d: {  	v8, _, _ =	vpop (xrf2)  }
0x8e: {  	(v2sf) =	vpush v8, $0xF;
	_ =	sdelay $0xe  }
0x8f: {  	s15 =	smov.u32 s18;
	s31 =	spop (v2sf)  }
0x90: {  	s18 =	sadd.f32 s31, s15  }
0x91: {  	p0 =	seq.s32 s16, $0x1  }
0x92: {  	p1 =	slt.f32 @!p0 s18, $1.000000000e+03;
	_ =	sdelay $0x1  }
0x93: {  	p0 =	por p0, !p1  }
.Ltmp4:
0x94: {  	_ = 	snop;
	(pc) =	sbr.rel @!p0 .LBB2_6-.Ltmp4, $2  }
0x95: {  	_ =	sdelay $0x2  }
0x96: {  	s16 =	sadd.s32 $0xFFFFFFFF, s16;
	s17 =	sadd.s32 $0xFFFFFFF0, s17  }
0x97: {  	s17 =	simm.s32 $0x50  }
0x98: {  	v16 =	vld [tilespmem:s17+$0xFFFFFFB0]  }
0x99: {  	v8 =	vld [tilespmem:s17+$0x40]  }
0x9a: {  	v12 =	vld [tilespmem:s17+$0xFFFFFFF0]  }
0x9b: {  	v9 =	vld [tilespmem:s17+$0x0]  }
0x9c: {  	v14 =	vld [tilespmem:s17+$0x20]  }
0x9d: {  	s18 =	simm.s32 $0x0;
	v13 =	vld [tilespmem:s17+$0xFFFFFFE0]  }
0x9e: {  	s18 =	sand.u32 $0x1FFE0, s18;
	v19 =	vld [tilespmem:s17+$0xFFFFFFC0]  }
0x9f: {  	v10 =	vld [tilespmem:s18+$0x80];
	_ =	sdelay $0x1  }
0xa0: {  	v20 =	vimm.s32 $0x0;
	v11 =	vshra.s32 v16, $0x1F;
	v18 =	vshra.s32 v8, $0x1F  }
0xa1: {  	v22 =	vshra.s32 v12, $0x1F;
	v25 =	vshra.s32 v9, $0x1F;
	v26 =	vshra.s32 v14, $0x1F  }
0xa2: {  	v27 =	vshra.s32 v13, $0x1F;
	v28 =	vshra.s32 v19, $0x1F;
	v11 =	vor.u32 $0x80000000, v11  }
0xa3: {  	v21 =	vshra.s32 v10, $0x1F;
	v18 =	vor.u32 $0x80000000, v18;
	v28 =	vor.u32 $0x80000000, v28  }
0xa4: {  	v22 =	vor.u32 $0x80000000, v22;
	v26 =	vor.u32 $0x80000000, v26;
	v17 =	vxor.u32 v16, v11  }
0xa5: {  	v27 =	vor.u32 $0x80000000, v27;
	v11 =	vmov s16;
	v17 =	vshrl.u32 v17, $0x18  }
0xa6: {  	v25 =	vor.u32 $0x80000000, v25;
	v21 =	vor.u32 $0x80000000, v21;
	vm6 =	vge.u32 v17, v11;
	v17 =	vld [tilespmem:s17+$0xFFFFFFD0]  }
0xa7: {  	v28 =	vxor.u32 v19, v28;
	v22 =	vxor.u32 v12, v22;
	v27 =	vxor.u32 v13, v27  }
0xa8: {  	v25 =	vxor.u32 v9, v25;
	v28 =	vshrl.u32 v28, $0x18;
	v22 =	vshrl.u32 v22, $0x18  }
0xa9: {  	v21 =	vxor.u32 v10, v21;
	vm13 =	vge.u32 v28, v11;
	v24 =	vmpcnt.ones.xlane vm6  }
0xaa: {  	v27 =	vshrl.u32 v27, $0x18;
	v23 =	vsel vm6, $0xFFFFFFFF, v5;
	v28 =	vsel vm13, $0x1, v5  }
0xab: {  	v15 =	vld [tilespmem:s17+$0x10];
	v29 =	vadd.s32 v23, v20;
	v20 =	vadd.s32 v20, v24;
	v24 =	vshra.s32 v17, $0x1F  }
0xac: {  	vm5 =	vge.u32 v22, v11;
	v22 =	vxor.u32 v14, v26;
	(xrf0) =	vadd.scan.msk.s32 $0xffff, v28;
	v24 =	vor.u32 $0x80000000, v24  }
0xad: {  	vm8 =	vge.u32 v27, v11;
	v21 =	vshrl.u32 v21, $0x18;
	v24 =	vxor.u32 v17, v24  }
0xae: {  	v30 =	vmpcnt.ones.xlane vm13;
	v31 =	vsel vm13, $0xFFFFFFFF, v5;
	v24 =	vshrl.u32 v24, $0x18  }
0xaf: {  	v22 =	vshrl.u32 v22, $0x18;
	v27 =	vmpcnt.ones.xlane vm8;
	vm10 =	vge.u32 v24, v11  }
0xb0: {  	vm9 =	vge.u32 v21, v11;
	v23 =	vshra.s32 v15, $0x1F;
	v24 =	vsel vm10, $0x1, v5  }
0xb1: {  	vm12 =	vge.u32 v22, v11;
	v26 =	vadd.s32 v20, v30;
	v30 =	vsel vm6, $0x1, v5;
	(xrf0) =	vadd.scan.msk.s32 $0xffff, v24  }
0xb2: {  	v23 =	vor.u32 $0x80000000, v23;
	v22 =	vsel vm12, $0x1, v5;
	v20 =	vadd.s32 v31, v20;
	v32, _, _ =	vpop (xrf0);
	(xrf0) =	vadd.scan.msk.s32 $0xffff, v30  }
0xb3: {  	v23 =	vxor.u32 v15, v23;
	v32 =	vadd.s32 v32, v20;
	v28 =	vmpcnt.ones.xlane vm10  }
0xb4: {  	v31 =	vsel vm10, $0xFFFFFFFF, v5;
	v24 =	vshrl.u32 v25, $0x18;
	v25 =	vshrl.u32 v23, $0x18  }
0xb5: {  	v21 =	vadd.s32 v31, v26;
	v20 =	vadd.s32 v26, v28;
	v28 =	vmpcnt.ones.xlane vm5  }
0xb6: {  	vm7 =	vge.u32 v24, v11;
	v24 =	vmpcnt.ones.xlane vm12;
	vm11 =	vge.u32 v25, v11;
	(xrf0) =	vadd.scan.msk.s32 $0xffff, v22  }
0xb7: {  	v23 =	vadd.s32 v20, v27;
	v26 =	vmpcnt.ones.xlane vm7;
	v33 =	vmpcnt.ones.xlane vm11;
	v22, _, _ =	vpop (xrf0)  }
0xb8: {  	v25 =	vadd.s32 v23, v28;
	v22 =	vadd.s32 v22, v21;
	v21 =	vsel vm9, $0x1, v5;
	v27, _, _ =	vpop (xrf0)  }
0xb9: {  	v28 =	vsel vm7, $0x1, v5;
	(xrf0) =	vadd.scan.msk.s32 $0xffff, v21;
	v27 =	vadd.s32 v27, v29;
	v29 =	vsel vm11, $0x1, v5  }
0xba: {  	v30 =	vsel vm12, $0xFFFFFFFF, v5;
	v26 =	vadd.s32 v25, v26;
	v21 =	vsel vm8, $0x1, v5;
	(xrf0) =	vadd.scan.msk.s32 $0xffff, v28  }
0xbb: {  	v31 =	vsel vm11, $0xFFFFFFFF, v5;
	[tilespmem:v32+s3+$0x0] =	vst.idx.msk vm13, v19;
	v28 =	vadd.s32 v26, v33;
	(xrf0) =	vadd.scan.msk.s32 $0xffff, v21  }
0xbc: {  	s18 =	simm.s32 $0xF0;
	s16 =	simm.s32 $0x0;
	s17 =	simm.s32 $0xA0;
	v26 =	vadd.s32 v31, v26;
	v21 =	vsel vm5, $0x1, v5;
	v19 =	vadd.s32 v30, v28;
	(xrf0) =	vadd.scan.msk.s32 $0xffff, v29;
	v29, _, _ =	vpop (xrf0)  }
.LBB2_8:
0xbd: {  	v30 =	vld [tilespmem:s18+$0xFFFFFFB0];
	s19 =	sand.u32 $0x1FFE0, s17;
	s16 =	sadd.s32 $0xA, s16;
	v31 =	vsel vm8, $0xFFFFFFFF, v5;
	v29 =	vadd.s32 v29, v19;
	v34 =	vxor.u32 v8, v18  }
0xbe: {  	v19 =	vld [tilespmem:s18+$0x40];
	p0 =	slt.u32 s16, $0x1860;
	v20 =	vadd.s32 v31, v20;
	v31 =	vsel vm5, $0xFFFFFFFF, v5;
	v34 =	vshrl.u32 v34, $0x18  }
0xbf: {  	v32 =	vld [tilespmem:s18+$0xFFFFFFF0];
	[tilespmem:v27+s3+$0x0] =	vst.idx.msk vm6, v16;
	v23 =	vadd.s32 v31, v23;
	v16 =	vsel vm7, $0xFFFFFFFF, v5;
	vm13 =	vge.u32 v34, v11;
	v18, _, _ =	vpop (xrf0)  }
0xc0: {  	v39 =	vmpcnt.ones.xlane vm9;
	v27 =	vld [tilespmem:s19+$0x80];
	v25 =	vadd.s32 v16, v25;
	v31 =	vsel vm13, $0xFFFFFFFF, v5;
	v33, _, _ =	vpop (xrf0)  }
0xc1: {  	v24 =	vadd.s32 v28, v24;
	v38 =	vsel vm9, $0xFFFFFFFF, v5;
	v35 =	vmpcnt.ones.xlane vm13;
	v34 =	vld [tilespmem:s18+$0x10];
	v36, _, _ =	vpop (xrf0);
	(xrf0) =	vadd.scan.msk.s32 $0xffff, v21  }
0xc2: {  	v21 =	vshra.s32 v30, $0x1F;
	v37 =	vld [tilespmem:s18+$0x0];
	[tilespmem:v22+s3+$0x0] =	vst.idx.msk vm10, v17;
	v22 =	vadd.s32 v38, v24;
	v24 =	vadd.s32 v24, v39;
	v28, _, _ =	vpop (xrf0)  }
0xc3: {  	v16 =	vmovc v30;
	v17 =	vor.u32 $0x80000000, v21;
	v38 =	vshra.s32 v19, $0x1F;
	[tilespmem:v29+s3+$0x0] =	vst.idx.msk vm12, v14;
	v14 =	vld [tilespmem:s18+$0x20];
	v29 =	vadd.s32 v24, v35  }
0xc4: {  	v39 =	vsel vm13, $0x1, v5;
	v17 =	vxor.u32 v16, v17;
	v30 =	vld [tilespmem:s18+$0xFFFFFFE0];
	v35 =	vshra.s32 v32, $0x1F  }
0xc5: {  	v25 =	vadd.s32 v33, v25;
	v17 =	vshrl.u32 v17, $0x18;
	v21 =	vld [tilespmem:s18+$0xFFFFFFC0];
	v41 =	vshra.s32 v27, $0x1F;
	(xrf0) =	vadd.scan.msk.s32 $0xffff, v39  }
0xc6: {  	v26 =	vadd.s32 v28, v26;
	vm6 =	vge.u32 v17, v11;
	v17 =	vld [tilespmem:s18+$0xFFFFFFD0];
	v33 =	vor.u32 $0x80000000, v41  }
0xc7: {  	v22 =	vadd.s32 v18, v22;
	v28 =	vsel vm6, $0xFFFFFFFF, v5;
	v39 =	vmpcnt.ones.xlane vm6;
	v40, _, _ =	vpop (xrf0)  }
0xc8: {  	v20 =	vadd.s32 v36, v20;
	v41 =	vshra.s32 v37, $0x1F;
	v42 =	vshra.s32 v14, $0x1F  }
0xc9: {  	v18 =	vor.u32 $0x80000000, v38;
	v23 =	vadd.s32 v40, v23;
	v36 =	vshra.s32 v30, $0x1F  }
0xca: {  	v28 =	vadd.s32 v28, v29;
	v40 =	vshra.s32 v34, $0x1F;
	v38 =	vshra.s32 v21, $0x1F  }
0xcb: {  	v29 =	vadd.s32 v29, v39;
	v38 =	vor.u32 $0x80000000, v38;
	v39 =	vshra.s32 v17, $0x1F;
	[tilespmem:v26+s3+$0x0] =	vst.idx.msk vm11, v15;
	v26, _, _ =	vpop (xrf0)  }
0xcc: {  	v35 =	vor.u32 $0x80000000, v35;
	v43 =	vxor.u32 v21, v38;
	v38 =	vor.u32 $0x80000000, v42;
	[tilespmem:v22+s3+$0x0] =	vst.idx.msk vm9, v10;
	v10 =	vmovc v27  }
0xcd: {  	v15 =	vmovc v34;
	v27 =	vor.u32 $0x80000000, v36;
	v36 =	vor.u32 $0x80000000, v41;
	v22 =	vshrl.u32 v43, $0x18;
	[tilespmem:v20+s3+$0x0] =	vst.idx.msk vm8, v13;
	v13 =	vmovc v30  }
0xce: {  	v20 =	vor.u32 $0x80000000, v39;
	vm14 =	vge.u32 v22, v11;
	v22 =	vxor.u32 v32, v35;
	[tilespmem:v23+s3+$0x0] =	vst.idx.msk vm5, v12  }
0xcf: {  	v12 =	vmovc v32;
	v23 =	vsel vm14, $0x1, v5;
	v30 =	vmpcnt.ones.xlane vm14;
	v22 =	vshrl.u32 v22, $0x18;
	[tilespmem:v25+s3+$0x0] =	vst.idx.msk vm7, v9;
	v9 =	vmovc v37  }
0xd0: {  	v25 =	vsel vm14, $0xFFFFFFFF, v5;
	vm5 =	vge.u32 v22, v11;
	v22 =	vxor.u32 v14, v38;
	(xrf0) =	vadd.scan.msk.s32 $0xffff, v23  }
0xd1: {  	v20 =	vxor.u32 v17, v20;
	v23 =	vor.u32 $0x80000000, v40;
	v30 =	vadd.s32 v29, v30  }
0xd2: {  	v24 =	vadd.s32 v31, v24;
	v25 =	vadd.s32 v25, v29;
	v22 =	vshrl.u32 v22, $0x18  }
0xd3: {  	v24 =	vadd.s32 v26, v24;
	v27 =	vxor.u32 v13, v27;
	v20 =	vshrl.u32 v20, $0x18  }
0xd4: {  	v26 =	vxor.u32 v10, v33;
	vm10 =	vge.u32 v20, v11;
	v23 =	vxor.u32 v15, v23  }
0xd5: {  	v31 =	vxor.u32 v9, v36;
	v20 =	vsel vm10, $0x1, v5;
	v29 =	vmpcnt.ones.xlane vm10  }
0xd6: {  	v32 =	vsel vm6, $0x1, v5;
	v27 =	vshrl.u32 v27, $0x18;
	v33 =	vsel vm10, $0xFFFFFFFF, v5;
	v34, _, _ =	vpop (xrf0);
	(xrf0) =	vadd.scan.msk.s32 $0xffff, v20  }
0xd7: {  	vm8 =	vge.u32 v27, v11;
	v20 =	vadd.s32 v30, v29;
	v34 =	vadd.s32 v34, v25  }
0xd8: {  	v27 =	vmpcnt.ones.xlane vm5;
	v29 =	vshrl.u32 v31, $0x18;
	v25 =	vmpcnt.ones.xlane vm8;
	(xrf0) =	vadd.scan.msk.s32 $0xffff, v32  }
0xd9: {  	vm12 =	vge.u32 v22, v11;
	vm7 =	vge.u32 v29, v11;
	v29 =	vshrl.u32 v23, $0x18;
	[tilespmem:v24+s3+$0x0] =	vst.idx.msk vm13, v8  }
0xda: {  	v26 =	vshrl.u32 v26, $0x18;
	v22 =	vsel vm12, $0x1, v5;
	v24 =	vmpcnt.ones.xlane vm12;
	v8 =	vmovc v19  }
0xdb: {  	vm9 =	vge.u32 v26, v11;
	v23 =	vadd.s32 v20, v25;
	v19 =	vsel vm12, $0xFFFFFFFF, v5;
	(xrf0) =	vadd.scan.msk.s32 $0xffff, v22  }
0xdc: {  	v26 =	vmpcnt.ones.xlane vm7;
	vm11 =	vge.u32 v29, v11;
	v22 =	vadd.s32 v33, v30;
	v25, _, _ =	vpop (xrf0)  }
.Ltmp5:
0xdd: {  	v29 =	vsel vm11, $0xFFFFFFFF, v5;
	v30 =	vsel vm9, $0x1, v5;
	v22 =	vadd.s32 v25, v22;
	(pc) =	sbr.rel @p0 .LBB2_8-.Ltmp5, $4  }
0xde: {  	v31 =	vsel vm7, $0x1, v5;
	v32 =	vmpcnt.ones.xlane vm11;
	v25 =	vadd.s32 v23, v27;
	v27, _, _ =	vpop (xrf0);
	(xrf0) =	vadd.scan.msk.s32 $0xffff, v30  }
0xdf: {  	v30 =	vsel vm8, $0x1, v5;
	v26 =	vadd.s32 v25, v26;
	v27 =	vadd.s32 v27, v28;
	(xrf0) =	vadd.scan.msk.s32 $0xffff, v31  }
0xe0: {  	v31 =	vsel vm11, $0x1, v5;
	v28 =	vadd.s32 v26, v32;
	[tilespmem:v34+s3+$0x0] =	vst.idx.msk vm14, v21;
	(xrf0) =	vadd.scan.msk.s32 $0xffff, v30  }
0xe1: {  	s17 =	sadd.s32 $0xA0, s17;
	s18 =	sadd.s32 $0xA0, s18;
	v26 =	vadd.s32 v29, v26;
	v21 =	vsel vm5, $0x1, v5;
	v19 =	vadd.s32 v19, v28;
	(xrf0) =	vadd.scan.msk.s32 $0xffff, v31;
	v29, _, _ =	vpop (xrf0)  }
0xe2: {  	v18 =	vxor.u32 v8, v18  }
0xe3: {  	v18 =	vshrl.u32 v18, $0x18  }
0xe4: {  	v49 =	vmpcnt.ones.xlane vm9;
	vm13 =	vge.u32 v18, v11  }
0xe5: {  	v24 =	vadd.s32 v28, v24;
	v50 =	vmpcnt.ones.xlane vm13  }
0xe6: {  	v18 =	vadd.s32 v24, v49  }
0xe7: {  	(xrf0) =	vadd.scan.msk.s32 $0xffff, v21;
	v52 =	vsel vm13, $0x1, v5;
	v51 =	vadd.s32 v18, v50  }
0xe8: {  	(xrf0) =	vadd.scan.msk.s32 $0xffff, v52;
	v21 =	vxor.u32 $0x80000000, v51  }
0xe9: {  	v53, _, _ =	vpop (xrf0);
	(xrf0) =	vmax.scan.msk.u32 $0xffff, v21  }
0xea: {  	v54, _, _ =	vpop (xrf0)  }
0xeb: {  	v30, _, _ =	vpop (xrf0)  }
0xec: {  	v31, _, _ =	vpop (xrf0)  }
0xed: {  	v32, _, _ =	vpop (xrf0)  }
0xee: {  	v33, _, _ =	vpop (xrf0)  }
0xef: {  	v34, _, _ =	vpop (xrf0)  }
0xf0: {  	(v2sf) =	vpush v34, $0xF;
	_ =	sdelay $0x9  }
0xf1: {  	v19 =	vadd.s32 v29, v19;
	v55 =	vsel vm9, $0xFFFFFFFF, v5;
	v56 =	vsel vm8, $0xFFFFFFFF, v5  }
0xf2: {  	v57 =	vsel vm5, $0xFFFFFFFF, v5;
	v59 =	vsel vm7, $0xFFFFFFFF, v5;
	v24 =	vadd.s32 v55, v24  }
0xf3: {  	v58 =	vadd.s32 v57, v23;
	v23 =	vadd.s32 v59, v25;
	v24 =	vadd.s32 v53, v24  }
0xf4: {  	v20 =	vadd.s32 v56, v20;
	v61 =	vadd.s32 v54, v23  }
0xf5: {  	[tilespmem:v27+s3+$0x0] =	vst.idx.msk vm6, v16;
	v20 =	vadd.s32 v30, v20  }
0xf6: {  	[tilespmem:v22+s3+$0x0] =	vst.idx.msk vm10, v17;
	v60 =	vsel vm13, $0xFFFFFFFF, v5;
	v26 =	vadd.s32 v31, v26;
	s16 =	spop (v2sf)  }
0xf7: {  	v62 =	vadd.s32 v60, v18;
	[tilespmem:v19+s3+$0x0] =	vst.idx.msk vm12, v14;
	v16 =	vadd.s32 v32, v58;
	s17 =	sadd.s32 $0x8000000F, s16  }
0xf8: {  	[tilespmem:v24+s3+$0x0] =	vst.idx.msk vm9, v10;
	v63 =	vadd.s32 v33, v62;
	p1 =	slt.s32 s17, $0x10  }
.Ltmp6:
0xf9: {  	[tilespmem:v61+s3+$0x0] =	vst.idx.msk vm7, v9;
	s18 =	sshra.s32 s17, $0x1F;
	(pc) =	sbr.rel @p1 .LBB2_13-.Ltmp6, $4  }
0xfa: {  	[tilespmem:v20+s3+$0x0] =	vst.idx.msk vm8, v13;
	s18 =	sshrl.u32 s18, $0x1C  }
0xfb: {  	[tilespmem:v26+s3+$0x0] =	vst.idx.msk vm11, v15;
	s18 =	sadd.s32 s18, s17  }
0xfc: {  	[tilespmem:v16+s3+$0x0] =	vst.idx.msk vm5, v12;
	s19 =	sxor.u32 $0x80000000, s16;
	s16 =	sshra.s32 s18, $0x4  }
0xfd: {  	v9 =	vimm.s32 $0x0;
	[tilespmem:v63+s3+$0x0] =	vst.idx.msk vm13, v8;
	v10 =	vmov s19;
	p0 =	sne.s32 s16, $0x1  }
0xfe: {  	s17 =	simm.s32 $0x0  }
0xff: {  	v9 =	vld [tilespmem:s17+$0x0]  }
.Ltmp7:
0x100: {  	_ = 	snop;
	(pc) =	sbr.rel @!p0 .LBB2_12-.Ltmp7, $2  }
0x101: {  	_ =	sdelay $0x2  }
0x102: {  	v8 =	vimm.s32 $0x80000000;
	s18 =	sadd.s32 $0xFFFFFFFF, s16;
	s19 =	simm.s32 $0x10;
	v12 =	vshra.s32 v9, $0x1F  }
.LBB2_11:
0x103: {  	v13 =	vld [tilespmem:s19+$0x0];
	p2 =	sne.s32 s18, $0x1;
	s18 =	sadd.s32 $0xFFFFFFFF, s18;
	v12 =	vand.u32 $0x7FFFFFFF, v12;
	v14 =	vor.u32 s17, v3  }
.Ltmp8:
0x104: {  	v9 =	vxor.u32 v9, v12;
	vm5 =	vlt.s32 v14, v10;
	(pc) =	sbr.rel @p2 .LBB2_11-.Ltmp8, $4  }
0x105: {  	v9 =	vnsel vm5, $0x80000000, v9  }
0x106: {  	vm5 =	vgt.s32 v8, v9  }
0x107: {  	v8 =	vsel vm5, v8, v9  }
0x108: {  	s19 =	sadd.s32 $0x10, s19;
	s17 =	sadd.s32 $0x10, s17;
	v12 =	vshra.s32 v13, $0x1F;
	v9 =	vmov v13  }
.LBB2_12:
0x109: {  	v12 =	vand.u32 $0x7FFFFFFF, v12;
	v13 =	vor.u32 s17, v3  }
0x10a: {  	v9 =	vxor.u32 v9, v12;
	vm5 =	vlt.s32 v13, v10  }
0x10b: {  	v9 =	vnsel vm5, $0x80000000, v9  }
0x10c: {  	vm5 =	vgt.s32 v8, v9  }
0x10d: {  	v8 =	vsel vm5, v8, v9  }
0x10e: {  	v9 =	vxor.u32 $0x80000000, v8  }
.LBB2_13:
0x10f: {  	s18 =	simm.s32 $0x18740  }
0x110: {  	[tilespmem:s18+$0xFFFFFFC0] =	vst v2  }
0x111: {  	[tilespmem:s18+$0x30] =	vst v2  }
0x112: {  	[tilespmem:s18+$0x20] =	vst v2  }
0x113: {  	[tilespmem:s18+$0x10] =	vst v2  }
0x114: {  	v8 =	vshra.s32 v7, $0x1F;
	[tilespmem:s18+$0x0] =	vst v2  }
0x115: {  	v8 =	vor.u32 $0x80000000, v8;
	[tilespmem:s18+$0xFFFFFFF0] =	vst v2  }
0x116: {  	s17 =	ssub.f32 $1.000000000e+03, s15;
	s19 =	simm.s32 $0x0;
	[tilespmem:s18+$0xFFFFFFE0] =	vst v2;
	v8 =	vxor.u32 v7, v8  }
.LBB2_14:
0x117: {  	s19 =	sadd.s32 $0x8, s19;
	[tilespmem:s18+$0xFFFFFFD0] =	vst v2;
	s18 =	sadd.s32 $0x80, s18  }
0x118: {  	[tilespmem:s18+$0xFFFFFFC0] =	vst v2;
	p2 =	slt.u32 s19, $0xF8  }
0x119: {  	[tilespmem:s18+$0x30] =	vst v2  }
.Ltmp9:
0x11a: {  	[tilespmem:s18+$0x20] =	vst v2;
	(pc) =	sbr.rel @p2 .LBB2_14-.Ltmp9, $4  }
0x11b: {  	[tilespmem:s18+$0x10] =	vst v2  }
0x11c: {  	[tilespmem:s18+$0x0] =	vst v2  }
0x11d: {  	[tilespmem:s18+$0xFFFFFFF0] =	vst v2  }
0x11e: {  	[tilespmem:s18+$0xFFFFFFE0] =	vst v2  }
0x11f: {  	(xrf0) =	vmax.scan.msk.u32 $0xffff, v9;
	_ =	sdelay $0x5  }
0x120: {  	v9, _, _ =	vpop (xrf0)  }
0x121: {  	(v2sf) =	vpush v9, $0xF;
	_ =	sdelay $0xa  }
.Ltmp10:
0x122: {  	_ = 	snop;
	(pc) =	sbr.rel @p1 .LBB2_22-.Ltmp10, $2  }
0x123: {  	_ =	sdelay $0x2  }
0x124: {  	[tilespmem:s18+$0xFFFFFFD0] =	vst v2;
	s19 =	spop (v2sf)  }
0x125: {  	p3 =	seq.s32 s16, $0x1  }
.Ltmp11:
0x126: {  	_ = 	snop;
	(pc) =	sbr.rel @p3 .LBB2_17-.Ltmp11, $3  }
0x127: {  	_ =	sdelay $0x1  }
0x128: {  	s18 =	simm.s32 $0x0  }
0x129: {  	s20 =	sadd.s32 $0xFFFFFFFF, s16;
	p2 =	por $0x0, $0x0;
	v9 =	vld [tilespmem:s18+$0x0]  }
0x12a: {  	_ =	sdelay $0x3  }
0x12b: {  	v12 =	vshra.s32 v9, $0x1F  }
0x12c: {  	v12 =	vor.u32 $0x80000000, v12  }
0x12d: {  	v9 =	vxor.u32 v9, v12  }
0x12e: {  	v63 =	vor.u32 s18, v3;
	v13 =	vshrl.u32 v9, $0x18  }
0x12f: {  	vm5 =	vlt.s32 v63, v10;
	v9 =	vshrl.u32 v9, $0xC;
	vm6 =	veq.s32 v13, v11  }
0x130: {  	v9 =	vand.u32 $0xFF0, v9;
	vm5 =	vmand vm5, vm6  }
0x131: {  	v9 =	vor.u32 v3, v9  }
0x132: {  	p3 =	seq.s32 s20, $0x1  }
.Ltmp12:
0x133: {  	_ = 	snop;
	(pc) =	sbr.rel @p3 .LBB2_19-.Ltmp12, $3  }
0x134: {  	_ =	sdelay $0x1  }
0x135: {  	s21 =	simm.s32 $0x10;
	[tilespmem:v9+s12+$0x0] =	vst.idx.add.f32.msk vm5, v4  }
0x136: {  	s22 =	sadd.s32 $0xFFFFFFFF, s20;
	p2 =	por $0x1, $0x1;
	s20 =	simm.s32 $0x0;
	v9 =	vld [tilespmem:s21+$0x0]  }
.LBB2_20:
0x137: {  	p3 =	seq.s32 s22, $0x1;
	_ =	sdelay $0x3  }
0x138: {  	v12 =	vshra.s32 v9, $0x1F  }
0x139: {  	v12 =	vor.u32 $0x80000000, v12  }
0x13a: {  	s20 =	sadd.s32 $0x10, s20;
	v9 =	vxor.u32 v9, v12  }
0x13b: {  	v12 =	vor.u32 s20, v3;
	v13 =	vshrl.u32 v9, $0x18  }
0x13c: {  	vm5 =	vlt.s32 v12, v10;
	v9 =	vshrl.u32 v9, $0xC;
	vm6 =	veq.s32 v13, v11  }
0x13d: {  	v9 =	vand.u32 $0xFF0, v9;
	vm5 =	vmand vm5, vm6  }
0x13e: {  	v9 =	vor.u32 v3, v9;
	_ =	sdelay $0x1  }
.Ltmp13:
0x13f: {  	(pc) =	sbr.rel @!p3 .LBB2_20-.Ltmp13, $3  }
0x140: {  	_ =	sdelay $0x1  }
0x141: {  	s21 =	sadd.s32 $0x10, s21;
	[tilespmem:v9+s12+$0x0] =	vst.idx.add.f32.msk vm5, v4  }
0x142: {  	s22 =	sadd.s32 $0xFFFFFFFF, s22;
	v9 =	vld [tilespmem:s21+$0x0]  }
.LBB2_21:
0x143: {  	_ =	sdelay $0x3  }
0x144: {  	v12 =	vshra.s32 v9, $0x1F  }
0x145: {  	s20 =	sadd.s32 @p2 $0x10, s20;
	v12 =	vor.u32 $0x80000000, v12  }
0x146: {  	s18 =	smov.u32 @p2 s20;
	v9 =	vxor.u32 v9, v12  }
0x147: {  	v63 =	vor.u32 s18, v3;
	v13 =	vshrl.u32 v9, $0x18  }
0x148: {  	vm5 =	vlt.s32 v63, v10;
	v9 =	vshrl.u32 v9, $0xC;
	vm6 =	veq.s32 v13, v11  }
0x149: {  	v9 =	vand.u32 $0xFF0, v9;
	vm5 =	vmand vm5, vm6  }
0x14a: {  	v9 =	vor.u32 v3, v9;
	_ =	sdelay $0x4  }
0x14b: {  	[tilespmem:v9+s12+$0x0] =	vst.idx.add.f32.msk vm5, v4  }
.LBB2_22:
0x14c: {  	p2 =	sgt.f32 s17, $0.0e+00  }
.Ltmp14:
0x14d: {  	_ = 	snop;
	(pc) =	sbr.rel @!p2 .LBB2_25-.Ltmp14, $2  }
0x14e: {  	_ =	sdelay $0x2  }
0x14f: {  	s18 =	simm.f32 $0.0e+00;
	s20 =	simm.s32 $0x100;
	s21 =	simm.s32 $0x196F0  }
.LBB2_23:
0x150: {  	v9 =	vld [tilespmem:s21+$0x0];
	_ =	sdelay $0x4  }
0x151: {  	(xrf2) =	vadd.scan.msk.f32 $0xffff, v9;
	_ =	sdelay $0x9  }
0x152: {  	v9, _, _ =	vpop (xrf2)  }
0x153: {  	(v2sf) =	vpush v9, $0xF;
	_ =	sdelay $0xe  }
0x154: {  	s22 =	smov.u32 s18;
	s31 =	spop (v2sf)  }
0x155: {  	s18 =	sadd.f32 s31, s22  }
0x156: {  	p2 =	seq.s32 s20, $0x1  }
0x157: {  	p3 =	slt.f32 @!p2 s18, s17;
	_ =	sdelay $0x1  }
0x158: {  	p3 =	por p2, !p3  }
.Ltmp15:
0x159: {  	_ = 	snop;
	(pc) =	sbr.rel @!p3 .LBB2_23-.Ltmp15, $2  }
0x15a: {  	_ =	sdelay $0x2  }
0x15b: {  	s20 =	sadd.s32 $0xFFFFFFFF, s20;
	s21 =	sadd.s32 $0xFFFFFFF0, s21  }
0x15c: {  	s22 =	smov.u32 @p2 s22  }
0x15d: {  	s20 =	smov.u32 @p2 s20;
	s18 =	smov.u32 s22  }
.LBB2_25:
0x15e: {  	s19 =	sxor.u32 $0x80000000, s19  }
0x15f: {  	v9 =	vmov s19  }
0x160: {  	v12 =	vxor.u32 $0x7FFFFFFF, v9;
	vm5 =	vlt.s32 v9, $0x0  }
0x161: {  	v9 =	vnsel vm5, s19, v12;
	s19 =	simm.s32 $0x18740  }
0x162: {  	[tilespmem:s19+$0xFFFFFFC0] =	vst v2  }
0x163: {  	[tilespmem:s19+$0x30] =	vst v2  }
0x164: {  	[tilespmem:s19+$0x20] =	vst v2  }
0x165: {  	[tilespmem:s19+$0x10] =	vst v2  }
0x166: {  	[tilespmem:s19+$0x0] =	vst v2  }
0x167: {  	[tilespmem:s19+$0xFFFFFFF0] =	vst v2  }
0x168: {  	s21 =	simm.s32 $0x0;
	[tilespmem:s19+$0xFFFFFFE0] =	vst v2  }
.LBB2_26:
0x169: {  	s21 =	sadd.s32 $0x8, s21;
	[tilespmem:s19+$0xFFFFFFD0] =	vst v2;
	s19 =	sadd.s32 $0x80, s19  }
0x16a: {  	[tilespmem:s19+$0xFFFFFFC0] =	vst v2;
	p2 =	slt.u32 s21, $0xF8  }
0x16b: {  	[tilespmem:s19+$0x30] =	vst v2  }
.Ltmp16:
0x16c: {  	[tilespmem:s19+$0x20] =	vst v2;
	(pc) =	sbr.rel @p2 .LBB2_26-.Ltmp16, $4  }
0x16d: {  	[tilespmem:s19+$0x10] =	vst v2  }
0x16e: {  	[tilespmem:s19+$0x0] =	vst v2  }
0x16f: {  	[tilespmem:s19+$0xFFFFFFF0] =	vst v2  }
0x170: {  	[tilespmem:s19+$0xFFFFFFE0] =	vst v2  }
.Ltmp17:
0x171: {  	(pc) =	sbr.rel @p1 .LBB2_34-.Ltmp17, $3  }
0x172: {  	_ =	sdelay $0x1  }
0x173: {  	v11 =	vshll.u32 v11, $0x8  }
0x174: {  	[tilespmem:s19+$0xFFFFFFD0] =	vst v2;
	v11 =	vor.u32 s20, v11  }
0x175: {  	p3 =	seq.s32 s16, $0x1  }
.Ltmp18:
0x176: {  	_ = 	snop;
	(pc) =	sbr.rel @p3 .LBB2_29-.Ltmp18, $3  }
0x177: {  	_ =	sdelay $0x1  }
0x178: {  	s19 =	simm.s32 $0x0  }
0x179: {  	s20 =	sadd.s32 $0xFFFFFFFF, s16;
	p2 =	por $0x0, $0x0;
	v12 =	vld [tilespmem:s19+$0x0]  }
0x17a: {  	_ =	sdelay $0x3  }
0x17b: {  	v13 =	vshra.s32 v12, $0x1F  }
0x17c: {  	v13 =	vor.u32 $0x80000000, v13  }
0x17d: {  	v12 =	vxor.u32 v12, v13  }
0x17e: {  	v13 =	vor.u32 s19, v3;
	v14 =	vshrl.u32 v12, $0x10  }
0x17f: {  	vm5 =	vlt.s32 v13, v10;
	v12 =	vshrl.u32 v12, $0x4;
	vm6 =	veq.s32 v14, v11  }
0x180: {  	v12 =	vand.u32 $0xFF0, v12;
	vm5 =	vmand vm5, vm6  }
0x181: {  	v12 =	vor.u32 v3, v12  }
0x182: {  	p3 =	seq.s32 s20, $0x1  }
.Ltmp19:
0x183: {  	_ = 	snop;
	(pc) =	sbr.rel @p3 .LBB2_31-.Ltmp19, $3  }
0x184: {  	_ =	sdelay $0x1  }
0x185: {  	s21 =	simm.s32 $0x10;
	[tilespmem:v12+s12+$0x0] =	vst.idx.add.f32.msk vm5, v4  }
0x186: {  	s22 =	sadd.s32 $0xFFFFFFFF, s20;
	p2 =	por $0x1, $0x1;
	s20 =	simm.s32 $0x0;
	v12 =	vld [tilespmem:s21+$0x0]  }
.LBB2_32:
0x187: {  	p3 =	seq.s32 s22, $0x1;
	_ =	sdelay $0x3  }
0x188: {  	v13 =	vshra.s32 v12, $0x1F  }
0x189: {  	v13 =	vor.u32 $0x80000000, v13  }
0x18a: {  	s20 =	sadd.s32 $0x10, s20;
	v12 =	vxor.u32 v12, v13  }
0x18b: {  	v13 =	vor.u32 s20, v3;
	v14 =	vshrl.u32 v12, $0x10  }
0x18c: {  	vm5 =	vlt.s32 v13, v10;
	v12 =	vshrl.u32 v12, $0x4;
	vm6 =	veq.s32 v14, v11  }
0x18d: {  	v12 =	vand.u32 $0xFF0, v12;
	vm5 =	vmand vm5, vm6  }
0x18e: {  	v12 =	vor.u32 v3, v12;
	_ =	sdelay $0x1  }
.Ltmp20:
0x18f: {  	(pc) =	sbr.rel @!p3 .LBB2_32-.Ltmp20, $3  }
0x190: {  	_ =	sdelay $0x1  }
0x191: {  	s21 =	sadd.s32 $0x10, s21;
	[tilespmem:v12+s12+$0x0] =	vst.idx.add.f32.msk vm5, v4  }
0x192: {  	s22 =	sadd.s32 $0xFFFFFFFF, s22;
	v12 =	vld [tilespmem:s21+$0x0]  }
.LBB2_33:
0x193: {  	_ =	sdelay $0x3  }
0x194: {  	v13 =	vshra.s32 v12, $0x1F  }
0x195: {  	s20 =	sadd.s32 @p2 $0x10, s20;
	v13 =	vor.u32 $0x80000000, v13  }
0x196: {  	s19 =	smov.u32 @p2 s20;
	v62 =	vxor.u32 v12, v13  }
0x197: {  	v63 =	vor.u32 s19, v3;
	v14 =	vshrl.u32 v62, $0x10  }
0x198: {  	vm5 =	vlt.s32 v63, v10;
	v12 =	vshrl.u32 v62, $0x4;
	vm6 =	veq.s32 v14, v11  }
0x199: {  	v12 =	vand.u32 $0xFF0, v12;
	vm5 =	vmand vm5, vm6  }
0x19a: {  	v12 =	vor.u32 v3, v12;
	_ =	sdelay $0x4  }
0x19b: {  	[tilespmem:v12+s12+$0x0] =	vst.idx.add.f32.msk vm5, v4  }
.LBB2_34:
0x19c: {  	s19 =	ssub.f32 s17, s18;
	_ =	sdelay $0x1  }
0x19d: {  	p2 =	sgt.f32 s19, $0.0e+00  }
.Ltmp21:
0x19e: {  	_ = 	snop;
	(pc) =	sbr.rel @!p2 .LBB2_37-.Ltmp21, $2  }
0x19f: {  	_ =	sdelay $0x2  }
0x1a0: {  	s17 =	simm.f32 $0.0e+00;
	s20 =	simm.s32 $0x100;
	s21 =	simm.s32 $0x196F0  }
.LBB2_35:
0x1a1: {  	v12 =	vld [tilespmem:s21+$0x0];
	_ =	sdelay $0x4  }
0x1a2: {  	(xrf2) =	vadd.scan.msk.f32 $0xffff, v12;
	_ =	sdelay $0x9  }
0x1a3: {  	v12, _, _ =	vpop (xrf2)  }
0x1a4: {  	(v2sf) =	vpush v12, $0xF;
	_ =	sdelay $0xe  }
0x1a5: {  	s22 =	smov.u32 s17;
	s31 =	spop (v2sf)  }
0x1a6: {  	s17 =	sadd.f32 s31, s22  }
0x1a7: {  	p2 =	seq.s32 s20, $0x1  }
0x1a8: {  	p3 =	slt.f32 @!p2 s17, s19;
	_ =	sdelay $0x1  }
0x1a9: {  	p3 =	por p2, !p3  }
.Ltmp22:
0x1aa: {  	_ = 	snop;
	(pc) =	sbr.rel @!p3 .LBB2_35-.Ltmp22, $2  }
0x1ab: {  	_ =	sdelay $0x2  }
0x1ac: {  	s20 =	sadd.s32 $0xFFFFFFFF, s20;
	s21 =	sadd.s32 $0xFFFFFFF0, s21  }
0x1ad: {  	s22 =	smov.u32 @p2 s22  }
0x1ae: {  	s20 =	smov.u32 @p2 s20;
	s17 =	smov.u32 s22  }
.LBB2_37:
0x1af: {  	s15 =	sadd.f32 s18, s15;
	s18 =	simm.s32 $0x18740  }
0x1b0: {  	[tilespmem:s18+$0xFFFFFFC0] =	vst v2  }
0x1b1: {  	[tilespmem:s18+$0x30] =	vst v2  }
0x1b2: {  	[tilespmem:s18+$0x20] =	vst v2  }
0x1b3: {  	[tilespmem:s18+$0x10] =	vst v2  }
0x1b4: {  	[tilespmem:s18+$0x0] =	vst v2  }
0x1b5: {  	[tilespmem:s18+$0xFFFFFFF0] =	vst v2  }
0x1b6: {  	s21 =	simm.s32 $0x0;
	[tilespmem:s18+$0xFFFFFFE0] =	vst v2  }
.LBB2_38:
0x1b7: {  	s21 =	sadd.s32 $0x8, s21;
	[tilespmem:s18+$0xFFFFFFD0] =	vst v2;
	s18 =	sadd.s32 $0x80, s18  }
0x1b8: {  	[tilespmem:s18+$0xFFFFFFC0] =	vst v2;
	p2 =	slt.u32 s21, $0xF8  }
0x1b9: {  	[tilespmem:s18+$0x30] =	vst v2  }
.Ltmp23:
0x1ba: {  	[tilespmem:s18+$0x20] =	vst v2;
	(pc) =	sbr.rel @p2 .LBB2_38-.Ltmp23, $4  }
0x1bb: {  	[tilespmem:s18+$0x10] =	vst v2  }
0x1bc: {  	[tilespmem:s18+$0x0] =	vst v2  }
0x1bd: {  	[tilespmem:s18+$0xFFFFFFF0] =	vst v2  }
0x1be: {  	[tilespmem:s18+$0xFFFFFFE0] =	vst v2  }
.Ltmp24:
0x1bf: {  	(pc) =	sbr.rel @p1 .LBB2_46-.Ltmp24, $3  }
0x1c0: {  	_ =	sdelay $0x1  }
0x1c1: {  	v11 =	vshll.u32 v11, $0x8  }
0x1c2: {  	[tilespmem:s18+$0xFFFFFFD0] =	vst v2;
	v11 =	vor.u32 s20, v11  }
0x1c3: {  	p3 =	seq.s32 s16, $0x1  }
.Ltmp25:
0x1c4: {  	_ = 	snop;
	(pc) =	sbr.rel @p3 .LBB2_41-.Ltmp25, $3  }
0x1c5: {  	_ =	sdelay $0x1  }
0x1c6: {  	s18 =	simm.s32 $0x0  }
0x1c7: {  	s20 =	sadd.s32 $0xFFFFFFFF, s16;
	p2 =	por $0x0, $0x0;
	v12 =	vld [tilespmem:s18+$0x0]  }
0x1c8: {  	_ =	sdelay $0x3  }
0x1c9: {  	v13 =	vshra.s32 v12, $0x1F  }
0x1ca: {  	v13 =	vor.u32 $0x80000000, v13  }
0x1cb: {  	v12 =	vxor.u32 v12, v13  }
0x1cc: {  	v13 =	vor.u32 s18, v3;
	v14 =	vshrl.u32 v12, $0x8  }
0x1cd: {  	vm5 =	vlt.s32 v13, v10;
	v12 =	vshll.u32 v12, $0x4;
	vm6 =	veq.s32 v14, v11  }
0x1ce: {  	v12 =	vor.u32 v3, v12;
	vm5 =	vmand vm5, vm6  }
0x1cf: {  	v12 =	vand.u32 $0xFFF, v12  }
0x1d0: {  	p3 =	seq.s32 s20, $0x1  }
.Ltmp26:
0x1d1: {  	_ = 	snop;
	(pc) =	sbr.rel @p3 .LBB2_43-.Ltmp26, $3  }
0x1d2: {  	_ =	sdelay $0x1  }
0x1d3: {  	s21 =	simm.s32 $0x10;
	[tilespmem:v12+s12+$0x0] =	vst.idx.add.f32.msk vm5, v4  }
0x1d4: {  	s22 =	sadd.s32 $0xFFFFFFFF, s20;
	p2 =	por $0x1, $0x1;
	s20 =	simm.s32 $0x0;
	v12 =	vld [tilespmem:s21+$0x0]  }
.LBB2_44:
0x1d5: {  	p3 =	seq.s32 s22, $0x1;
	_ =	sdelay $0x3  }
0x1d6: {  	v13 =	vshra.s32 v12, $0x1F  }
0x1d7: {  	v13 =	vor.u32 $0x80000000, v13  }
0x1d8: {  	s20 =	sadd.s32 $0x10, s20;
	v12 =	vxor.u32 v12, v13  }
0x1d9: {  	v13 =	vor.u32 s20, v3;
	v14 =	vshrl.u32 v12, $0x8  }
0x1da: {  	vm5 =	vlt.s32 v13, v10;
	v12 =	vshll.u32 v12, $0x4;
	vm6 =	veq.s32 v14, v11  }
0x1db: {  	v12 =	vor.u32 v3, v12;
	vm5 =	vmand vm5, vm6  }
0x1dc: {  	v12 =	vand.u32 $0xFFF, v12;
	_ =	sdelay $0x1  }
.Ltmp27:
0x1dd: {  	(pc) =	sbr.rel @!p3 .LBB2_44-.Ltmp27, $3  }
0x1de: {  	_ =	sdelay $0x1  }
0x1df: {  	s21 =	sadd.s32 $0x10, s21;
	[tilespmem:v12+s12+$0x0] =	vst.idx.add.f32.msk vm5, v4  }
0x1e0: {  	s22 =	sadd.s32 $0xFFFFFFFF, s22;
	v12 =	vld [tilespmem:s21+$0x0]  }
.LBB2_45:
0x1e1: {  	_ =	sdelay $0x3  }
0x1e2: {  	v13 =	vshra.s32 v12, $0x1F  }
0x1e3: {  	s20 =	sadd.s32 @p2 $0x10, s20;
	v13 =	vor.u32 $0x80000000, v13  }
0x1e4: {  	s18 =	smov.u32 @p2 s20;
	v62 =	vxor.u32 v12, v13  }
0x1e5: {  	v63 =	vor.u32 s18, v3;
	v14 =	vshrl.u32 v62, $0x8  }
0x1e6: {  	vm5 =	vlt.s32 v63, v10;
	v12 =	vshll.u32 v62, $0x4;
	vm6 =	veq.s32 v14, v11  }
0x1e7: {  	v12 =	vor.u32 v3, v12;
	vm5 =	vmand vm5, vm6  }
0x1e8: {  	v12 =	vand.u32 $0xFFF, v12;
	_ =	sdelay $0x4  }
0x1e9: {  	[tilespmem:v12+s12+$0x0] =	vst.idx.add.f32.msk vm5, v4  }
.LBB2_46:
0x1ea: {  	s20 =	ssub.f32 s19, s17;
	_ =	sdelay $0x1  }
0x1eb: {  	p2 =	sgt.f32 s20, $0.0e+00  }
.Ltmp28:
0x1ec: {  	_ = 	snop;
	(pc) =	sbr.rel @!p2 .LBB2_49-.Ltmp28, $2  }
0x1ed: {  	_ =	sdelay $0x2  }
0x1ee: {  	s18 =	simm.f32 $0.0e+00;
	s19 =	simm.s32 $0x100;
	s21 =	simm.s32 $0x196F0  }
.LBB2_47:
0x1ef: {  	v12 =	vld [tilespmem:s21+$0x0];
	_ =	sdelay $0x4  }
0x1f0: {  	(xrf2) =	vadd.scan.msk.f32 $0xffff, v12;
	_ =	sdelay $0x9  }
0x1f1: {  	v12, _, _ =	vpop (xrf2)  }
0x1f2: {  	(v2sf) =	vpush v12, $0xF;
	_ =	sdelay $0xe  }
0x1f3: {  	s22 =	smov.u32 s18;
	s31 =	spop (v2sf)  }
0x1f4: {  	s18 =	sadd.f32 s31, s22  }
0x1f5: {  	p2 =	seq.s32 s19, $0x1  }
0x1f6: {  	p3 =	slt.f32 @!p2 s18, s20;
	_ =	sdelay $0x1  }
0x1f7: {  	p3 =	por p2, !p3  }
.Ltmp29:
0x1f8: {  	_ = 	snop;
	(pc) =	sbr.rel @!p3 .LBB2_47-.Ltmp29, $2  }
0x1f9: {  	_ =	sdelay $0x2  }
0x1fa: {  	s19 =	sadd.s32 $0xFFFFFFFF, s19;
	s21 =	sadd.s32 $0xFFFFFFF0, s21  }
0x1fb: {  	s22 =	smov.u32 @p2 s22  }
0x1fc: {  	s19 =	smov.u32 @p2 s19;
	s18 =	smov.u32 s22  }
.LBB2_49:
.Ltmp30:
0x1fd: {  	(pc) =	sbr.rel @p1 .LBB2_59-.Ltmp30, $3  }
0x1fe: {  	_ =	sdelay $0x1  }
0x1ff: {  	v11 =	vshll.u32 v11, $0x8  }
0x200: {  	v12 =	vimm.f32 $0.0e+00;
	v11 =	vor.u32 s19, v11  }
0x201: {  	s19 =	simm.s32 $0x0  }
0x202: {  	v14 =	vld [tilespmem:s19+$0x0]  }
.Ltmp31:
0x203: {  	_ = 	snop;
	(pc) =	sbr.rel @!p0 .LBB2_51-.Ltmp31, $3  }
0x204: {  	_ =	sdelay $0x1  }
0x205: {  	s16 =	sadd.s32 $0xFFFFFFFF, s16  }
0x206: {  	v12 =	vimm.f32 $0.0e+00;
	s20 =	simm.s32 $0x10;
	p1 =	por $0x0, $0x0;
	p2 =	por $0x0, $0x0;
	v15 =	vsub.f32 v14, v9  }
0x207: {  	_ = 	snop  }
0x208: {  	v15 =	vmul.f32 $1.000000000e+01, v15;
	_ =	sdelay $0x1  }
0x209: {  	v16 =	vmul.f32 $1.442695020e+00, v15;
	_ =	sdelay $0x1  }
0x20a: {  	(erf) = vpow2.f32 v16  }
0x20b: {  	v13 =	vld [tilespmem:s20+$0x0];
	p0 =	sne.s32 s16, $0x1  }
.Ltmp32:
0x20c: {  	_ = 	snop;
	(pc) =	sbr.rel @!p0 .LBB2_53-.Ltmp32, $2  }
0x20d: {  	_ =	sdelay $0x2  }
0x20e: {  	s16 =	sadd.s32 $0xFFFFFFFF, s16;
	s20 =	simm.s32 $0x20;
	p1 =	por $0x1, $0x1;
	v15 =	vsub.f32 v13, v9  }
0x20f: {  	_ = 	snop  }
0x210: {  	v15 =	vmul.f32 $1.000000000e+01, v15;
	_ =	sdelay $0x1  }
0x211: {  	v17 =	vld [tilespmem:s20+$0x0];
	p0 =	sne.s32 s16, $0x1;
	v16 =	vmul.f32 $1.442695020e+00, v15  }
.Ltmp33:
0x212: {  	_ = 	snop;
	(pc) =	sbr.rel @!p0 .LBB2_55-.Ltmp33, $3  }
0x213: {  	(erf) = vpow2.f32 v16;
	_ =	sdelay $0x1  }
0x214: {  	s20 =	sadd.s32 $0xFFFFFFFF, s16;
	v18 =	vshra.s32 v14, $0x1F  }
0x215: {  	s21 =	simm.s32 $0x30;
	p2 =	por $0x1, $0x1;
	s16 =	simm.s32 $0x0;
	v18 =	vor.u32 $0x80000000, v18;
	v15 =	vsub.f32 v17, v9;
	v16 =	vimm.f32 $0.0e+00  }
.LBB2_56:
0x216: {  	p0 =	sne.s32 s20, $0x1;
	s20 =	sadd.s32 $0xFFFFFFFF, s20;
	v20 =	vxor.u32 v14, v18;
	v19 =	vor.u32 s16, v3;
	v14 =	vmovc v13;
	v13 =	vmov v17;
	v17 =	vld [tilespmem:s21+$0x0]  }
.Ltmp34:
0x217: {  	v15 =	vmul.f32 $1.000000000e+01, v15;
	vm5 =	vgt.u32 v20, v11;
	vm6 =	vlt.s32 v19, v10;
	(pc) =	sbr.rel @p0 .LBB2_56-.Ltmp34, $4  }
0x218: {  	vm5 =	vmand vm6, vm5;
	v18 =	vpop (erf)  }
0x219: {  	v19 =	vmul.f32 $1.442695020e+00, v15;
	v15 =	vnsel vm5, $0x0, v18  }
0x21a: {  	v18 =	vshra.s32 v14, $0x1F;
	v16 =	vadd.f32 v15, v16  }
0x21b: {  	s21 =	sadd.s32 $0x10, s21;
	s16 =	sadd.s32 $0x10, s16;
	v18 =	vor.u32 $0x80000000, v18;
	v15 =	vsub.f32 v17, v9;
	(erf) = vpow2.f32 v19  }
0x21c: {  	v19 =	vmov v14;
	v14 =	vmov v13;
	v13 =	vmov v17  }
.LBB2_58:
0x21d: {  	v15 =	vmul.f32 $1.000000000e+01, v15  }
0x21e: {  	v17 =	vxor.u32 @p2 v19, v18  }
0x21f: {  	v18 =	vor.u32 @p2 s16, v3;
	v15 =	vmul.f32 $1.442695020e+00, v15  }
0x220: {  	vm5 =	vgt.u32 @p2 v17, v11;
	vm6 =	vlt.s32 @p2 v18, v10  }
0x221: {  	vm5 =	vmand @p2 vm6, vm5;
	v17 =	vpop @p2 (erf);
	(erf) = vpow2.f32 v15  }
0x222: {  	v15 =	vshra.s32 @p1 v14, $0x1F;
	v17 =	vnsel @p2 vm5, $0x0, v17  }
0x223: {  	s16 =	sadd.s32 @p2 $0x10, s16;
	s20 =	simm.s32 $0x0;
	v15 =	vor.u32 @p1 $0x80000000, v15;
	v16 =	vadd.f32 @p2 v17, v16  }
0x224: {  	s20 =	smov.u32 @p2 s16;
	v14 =	vpsel p1, v14, v0;
	v15 =	vpsel p1, v15, v0  }
0x225: {  	v14 =	vxor.u32 @p1 v14, v15;
	v15 =	vor.u32 @p1 s20, v3  }
0x226: {  	s16 =	sadd.s32 @p1 $0x10, s20;
	vm5 =	vgt.u32 @p1 v14, v11;
	vm6 =	vlt.s32 @p1 v15, v10;
	v14 =	vshra.s32 v13, $0x1F  }
0x227: {  	s19 =	smov.u32 @p1 s16;
	v15 =	vpsel p2, v16, v12;
	vm5 =	vmand @p1 vm6, vm5;
	v16 =	vpop @p1 (erf);
	v14 =	vor.u32 $0x80000000, v14  }
0x228: {  	v16 =	vnsel @p1 vm5, $0x0, v16;
	v13 =	vxor.u32 v13, v14;
	v14 =	vor.u32 s19, v3  }
0x229: {  	v15 =	vadd.f32 @p1 v16, v15;
	vm5 =	vgt.u32 v13, v11;
	vm6 =	vlt.s32 v14, v10  }
0x22a: {  	vm5 =	vmand vm6, vm5;
	v10 =	vpop (erf)  }
0x22b: {  	v12 =	vpsel p1, v15, v12;
	v10 =	vnsel vm5, $0x0, v10  }
0x22c: {  	v12 =	vadd.f32 v10, v12  }
.LBB2_59:
0x22d: {  	[tilespmem:s3], [sflag:$0x1] =	stream.strided.gather [hbm4b:s5+s10], $0x18700, s11, s10, $0x38;
	[tilespmem:$0x19800] =	vst v63  }
0x22e: {  	_ =	swait.ge [sflag:s9], $0x18700  }
0x22f: {  	[sflag:s9] =	ssyncset.done $0x0  }
0x230: {  	s19 =	simm.s32 $0x18740;
	[sflag:s9] =	ssyncadd.s32 $0xFFFE7900  }
0x231: {  	[tilespmem:s19+$0xFFFFFFC0] =	vst v2  }
0x232: {  	[tilespmem:s19+$0x30] =	vst v2  }
0x233: {  	[tilespmem:s19+$0x20] =	vst v2  }
0x234: {  	[tilespmem:s19+$0x10] =	vst v2  }
0x235: {  	s15 =	sadd.f32 s17, s15;
	[tilespmem:s19+$0x0] =	vst v2  }
0x236: {  	[tilespmem:s19+$0xFFFFFFF0] =	vst v2  }
0x237: {  	s16 =	sadd.f32 s18, s15;
	s15 =	simm.s32 $0x0;
	[tilespmem:s19+$0xFFFFFFE0] =	vst v2  }
.LBB2_60:
0x238: {  	s15 =	sadd.s32 $0x8, s15;
	[tilespmem:s19+$0xFFFFFFD0] =	vst v2;
	s19 =	sadd.s32 $0x80, s19  }
0x239: {  	[tilespmem:s19+$0xFFFFFFC0] =	vst v2;
	p0 =	slt.u32 s15, $0xF8  }
0x23a: {  	[tilespmem:s19+$0x30] =	vst v2  }
.Ltmp35:
0x23b: {  	[tilespmem:s19+$0x20] =	vst v2;
	(pc) =	sbr.rel @p0 .LBB2_60-.Ltmp35, $4  }
0x23c: {  	[tilespmem:s19+$0x10] =	vst v2  }
0x23d: {  	[tilespmem:s19+$0x0] =	vst v2  }
0x23e: {  	[tilespmem:s19+$0xFFFFFFF0] =	vst v2  }
0x23f: {  	s18 =	simm.s32 $0x0;
	s17 =	simm.s32 $0x50;
	[tilespmem:s19+$0xFFFFFFE0] =	vst v2  }
0x240: {  	[tilespmem:s19+$0xFFFFFFD0] =	vst v2  }
0x241: {  	v17 =	vld [tilespmem:s17+$0xFFFFFFC0]  }
0x242: {  	v18 =	vld [tilespmem:s17+$0x0]  }
0x243: {  	s15 =	sand.u32 $0x1FFE0, s18;
	v14 =	vld [tilespmem:s17+$0xFFFFFFB0]  }
0x244: {  	v16 =	vld [tilespmem:s15+$0x80]  }
0x245: {  	v13 =	vld [tilespmem:s17+$0x40]  }
0x246: {  	v20 =	vld [tilespmem:s17+$0xFFFFFFF0]  }
0x247: {  	v22 =	vld [tilespmem:s17+$0xFFFFFFD0]  }
0x248: {  	v19 =	vshra.s32 v17, $0x1F;
	v21 =	vshra.s32 v14, $0x1F  }
0x249: {  	v23 =	vshra.s32 v18, $0x1F;
	v25 =	vshra.s32 v16, $0x1F;
	v19 =	vor.u32 $0x80000000, v19  }
0x24a: {  	v15 =	vld [tilespmem:s17+$0xFFFFFFE0];
	v27 =	vshra.s32 v13, $0x1F;
	v23 =	vor.u32 $0x80000000, v23;
	v17 =	vxor.u32 v17, v19  }
0x24b: {  	v10 =	vld [tilespmem:s17+$0x20];
	v19 =	vor.u32 $0x80000000, v21;
	v21 =	vshra.s32 v20, $0x1F;
	v18 =	vxor.u32 v18, v23  }
0x24c: {  	v23 =	vshra.s32 v22, $0x1F;
	v17 =	vshrl.u32 v17, $0x14;
	v26 =	vshrl.u32 v18, $0x14;
	v18 =	vld [tilespmem:s17+$0x10]  }
0x24d: {  	v24 =	vor.u32 $0x80000000, v21;
	v23 =	vor.u32 $0x80000000, v23;
	v17 =	vand.u32 $0xFF0, v17  }
0x24e: {  	v23 =	vxor.u32 v22, v23;
	v26 =	vand.u32 $0xFF0, v26;
	v21 =	vor.u32 v3, v17  }
0x24f: {  	v17 =	vxor.u32 v20, v24;
	v24 =	vor.u32 $0x80000000, v25;
	v25 =	vshra.s32 v15, $0x1F  }
0x250: {  	s18 =	simm.s32 $0xF0;
	s15 =	simm.s32 $0x0;
	s17 =	simm.s32 $0xA0;
	v22 =	vor.u32 $0x80000000, v27;
	v20 =	vshra.s32 v10, $0x1F;
	v25 =	vor.u32 $0x80000000, v25  }
.LBB2_62:
0x251: {  	v27 =	vld [tilespmem:s18+$0xFFFFFFC0];
	s19 =	sand.u32 $0x1FFE0, s17;
	s15 =	sadd.s32 $0xA, s15;
	v15 =	vxor.u32 v15, v25;
	v25 =	vor.u32 v3, v26;
	v26 =	vshra.s32 v18, $0x1F  }
0x252: {  	v16 =	vxor.u32 v16, v24;
	v28 =	vld [tilespmem:s18+$0x10];
	p0 =	slt.u32 s15, $0x1860;
	v15 =	vshrl.u32 v15, $0x14;
	v26 =	vor.u32 $0x80000000, v26  }
0x253: {  	v14 =	vxor.u32 v14, v19;
	[tilespmem:v21+s12+$0x0] =	vst.idx.add.f32.msk $0xffff, v4;
	v15 =	vand.u32 $0xFF0, v15;
	v18 =	vxor.u32 v18, v26  }
0x254: {  	v19 =	vshrl.u32 v14, $0x14;
	v24 =	vld [tilespmem:s18+$0x0];
	v21 =	vor.u32 v3, v15;
	v15 =	vshrl.u32 v18, $0x14  }
0x255: {  	v16 =	vshrl.u32 v16, $0x14;
	v31 =	vand.u32 $0xFF0, v19;
	v14 =	vld [tilespmem:s18+$0xFFFFFFB0];
	v19 =	vand.u32 $0xFF0, v15  }
0x256: {  	v23 =	vshrl.u32 v23, $0x14;
	v16 =	vand.u32 $0xFF0, v16;
	v15 =	vld [tilespmem:s18+$0xFFFFFFE0];
	v26 =	vor.u32 v3, v19  }
0x257: {  	v30 =	vor.u32 v3, v31;
	v19 =	vand.u32 $0xFF0, v23;
	v23 =	vor.u32 v3, v16;
	v29 =	vld [tilespmem:s18+$0xFFFFFFF0];
	v18 =	vmovc v28  }
0x258: {  	v13 =	vxor.u32 v13, v22;
	v28 =	vor.u32 v3, v19;
	v19 =	vor.u32 $0x80000000, v20;
	v16 =	vld [tilespmem:s19+$0x80]  }
0x259: {  	v17 =	vshrl.u32 v17, $0x14;
	v20 =	vshrl.u32 v13, $0x14;
	v19 =	vxor.u32 v10, v19;
	v10 =	vld [tilespmem:s18+$0x20]  }
0x25a: {  	v17 =	vand.u32 $0xFF0, v17;
	v32 =	vshrl.u32 v19, $0x14;
	v22 =	vshra.s32 v14, $0x1F;
	v31 =	vld [tilespmem:s18+$0xFFFFFFD0]  }
0x25b: {  	v33 =	vshra.s32 v27, $0x1F;
	v20 =	vand.u32 $0xFF0, v20;
	v34 =	vshra.s32 v24, $0x1F;
	v13 =	vld [tilespmem:s18+$0x40]  }
0x25c: {  	v19 =	vor.u32 $0x80000000, v22;
	v22 =	vor.u32 $0x80000000, v33;
	v33 =	vor.u32 v3, v20;
	[tilespmem:v21+s12+$0x0] =	vst.idx.add.f32.msk $0xffff, v4  }
0x25d: {  	v20 =	vxor.u32 v27, v22;
	v22 =	vor.u32 v3, v17;
	v17 =	vand.u32 $0xFF0, v32;
	[tilespmem:v23+s12+$0x0] =	vst.idx.add.f32.msk $0xffff, v4  }
0x25e: {  	v21 =	vshra.s32 v29, $0x1F;
	v20 =	vshrl.u32 v20, $0x14;
	v23 =	vor.u32 v3, v17;
	[tilespmem:v28+s12+$0x0] =	vst.idx.add.f32.msk $0xffff, v4  }
0x25f: {  	v27 =	vor.u32 $0x80000000, v34;
	v17 =	vand.u32 $0xFF0, v20;
	v20 =	vor.u32 $0x80000000, v21;
	[tilespmem:v30+s12+$0x0] =	vst.idx.add.f32.msk $0xffff, v4  }
.Ltmp36:
0x260: {  	v28 =	vshra.s32 v16, $0x1F;
	v21 =	vor.u32 v3, v17;
	v30 =	vshra.s32 v13, $0x1F;
	[tilespmem:v25+s12+$0x0] =	vst.idx.add.f32.msk $0xffff, v4;
	(pc) =	sbr.rel @p0 .LBB2_62-.Ltmp36, $4  }
0x261: {  	v27 =	vxor.u32 v24, v27;
	v17 =	vxor.u32 v29, v20;
	v24 =	vor.u32 $0x80000000, v28;
	[tilespmem:v26+s12+$0x0] =	vst.idx.add.f32.msk $0xffff, v4  }
0x262: {  	v20 =	vshra.s32 v10, $0x1F;
	v25 =	vshra.s32 v31, $0x1F;
	v26 =	vshra.s32 v15, $0x1F;
	[tilespmem:v22+s12+$0x0] =	vst.idx.add.f32.msk $0xffff, v4  }
0x263: {  	v22 =	vor.u32 $0x80000000, v25;
	v25 =	vor.u32 $0x80000000, v26;
	v26 =	vshrl.u32 v27, $0x14;
	[tilespmem:v23+s12+$0x0] =	vst.idx.add.f32.msk $0xffff, v4  }
0x264: {  	s17 =	sadd.s32 $0xA0, s17;
	s18 =	sadd.s32 $0xA0, s18;
	v23 =	vxor.u32 v31, v22;
	v26 =	vand.u32 $0xFF0, v26;
	v22 =	vor.u32 $0x80000000, v30;
	[tilespmem:v33+s12+$0x0] =	vst.idx.add.f32.msk $0xffff, v4  }
0x265: {  	v15 =	vxor.u32 v15, v25  }
0x266: {  	v60 =	vor.u32 v3, v26;
	v61 =	vshra.s32 v18, $0x1F;
	v16 =	vxor.u32 v16, v24  }
0x267: {  	v14 =	vxor.u32 v14, v19;
	v63 =	vshrl.u32 v23, $0x14;
	v20 =	vor.u32 $0x80000000, v20  }
0x268: {  	v13 =	vxor.u32 v13, v22;
	v15 =	vshrl.u32 v15, $0x14;
	v26 =	vor.u32 $0x80000000, v61  }
0x269: {  	v16 =	vshrl.u32 v16, $0x14;
	v14 =	vshrl.u32 v14, $0x14;
	v19 =	vand.u32 $0xFF0, v63  }
0x26a: {  	v10 =	vxor.u32 v10, v20;
	v15 =	vand.u32 $0xFF0, v15;
	v19 =	vor.u32 v3, v19  }
0x26b: {  	v13 =	vshrl.u32 v13, $0x14;
	v16 =	vand.u32 $0xFF0, v16;
	v15 =	vor.u32 v3, v15  }
0x26c: {  	v62 =	vxor.u32 v18, v26;
	v14 =	vand.u32 $0xFF0, v14;
	v16 =	vor.u32 v3, v16  }
0x26d: {  	[tilespmem:v21+s12+$0x0] =	vst.idx.add.f32.msk $0xffff, v4;
	v10 =	vshrl.u32 v10, $0x14;
	v13 =	vand.u32 $0xFF0, v13;
	v14 =	vor.u32 v3, v14  }
0x26e: {  	v18 =	vshrl.u32 v62, $0x14;
	v10 =	vand.u32 $0xFF0, v10;
	v13 =	vor.u32 v3, v13;
	[tilespmem:v60+s12+$0x0] =	vst.idx.add.f32.msk $0xffff, v4  }
0x26f: {  	v17 =	vshrl.u32 v17, $0x14;
	v18 =	vand.u32 $0xFF0, v18;
	v10 =	vor.u32 v3, v10;
	[tilespmem:v19+s12+$0x0] =	vst.idx.add.f32.msk $0xffff, v4  }
0x270: {  	v17 =	vand.u32 $0xFF0, v17;
	v18 =	vor.u32 v3, v18;
	[tilespmem:v15+s12+$0x0] =	vst.idx.add.f32.msk $0xffff, v4  }
0x271: {  	v15 =	vor.u32 v3, v17;
	[tilespmem:v16+s12+$0x0] =	vst.idx.add.f32.msk $0xffff, v4  }
0x272: {  	[tilespmem:v14+s12+$0x0] =	vst.idx.add.f32.msk $0xffff, v4  }
0x273: {  	[tilespmem:v13+s12+$0x0] =	vst.idx.add.f32.msk $0xffff, v4  }
0x274: {  	[tilespmem:v10+s12+$0x0] =	vst.idx.add.f32.msk $0xffff, v4  }
0x275: {  	[tilespmem:v18+s12+$0x0] =	vst.idx.add.f32.msk $0xffff, v4  }
0x276: {  	[tilespmem:v15+s12+$0x0] =	vst.idx.add.f32.msk $0xffff, v4  }
0x277: {  	v10 =	vld.idx.msk [tilespmem:v1+s8+$0x0], $0xffff;
	_ =	sdelay $0x7  }
0x278: {  	s19 =	simm.f32 $0.0e+00;
	s17 =	simm.s32 $0x100;
	s18 =	simm.s32 $0x196F0;
	v10 =	vld.idx.msk [tilespmem:v10+s3+$0x0], $0xffff  }
.LBB2_64:
0x279: {  	v13 =	vld [tilespmem:s18+$0x0];
	_ =	sdelay $0x4  }
0x27a: {  	(xrf2) =	vadd.scan.msk.f32 $0xffff, v13;
	_ =	sdelay $0x9  }
0x27b: {  	v13, _, _ =	vpop (xrf2)  }
0x27c: {  	(v2sf) =	vpush v13, $0xF;
	_ =	sdelay $0xe  }
0x27d: {  	s15 =	smov.u32 s19;
	s31 =	spop (v2sf)  }
0x27e: {  	s19 =	sadd.f32 s31, s15  }
0x27f: {  	p0 =	seq.s32 s17, $0x1  }
0x280: {  	p1 =	slt.f32 @!p0 s19, $1.000000000e+03;
	_ =	sdelay $0x1  }
0x281: {  	p0 =	por p0, !p1  }
.Ltmp37:
0x282: {  	_ = 	snop;
	(pc) =	sbr.rel @!p0 .LBB2_64-.Ltmp37, $2  }
0x283: {  	_ =	sdelay $0x2  }
0x284: {  	s17 =	sadd.s32 $0xFFFFFFFF, s17;
	s18 =	sadd.s32 $0xFFFFFFF0, s18  }
0x285: {  	s18 =	simm.s32 $0x50  }
0x286: {  	v21 =	vld [tilespmem:s18+$0xFFFFFFB0]  }
0x287: {  	v14 =	vld [tilespmem:s18+$0x40]  }
0x288: {  	v16 =	vld [tilespmem:s18+$0xFFFFFFF0]  }
0x289: {  	v15 =	vld [tilespmem:s18+$0x0]  }
0x28a: {  	v19 =	vld [tilespmem:s18+$0x20]  }
0x28b: {  	s19 =	simm.s32 $0x0;
	v18 =	vld [tilespmem:s18+$0xFFFFFFE0]  }
0x28c: {  	s19 =	sand.u32 $0x1FFE0, s19;
	v24 =	vld [tilespmem:s18+$0xFFFFFFC0]  }
0x28d: {  	v17 =	vld [tilespmem:s19+$0x80];
	_ =	sdelay $0x1  }
0x28e: {  	v25 =	vimm.s32 $0x0;
	v13 =	vshra.s32 v21, $0x1F;
	v23 =	vshra.s32 v14, $0x1F  }
0x28f: {  	v27 =	vshra.s32 v16, $0x1F;
	v30 =	vshra.s32 v15, $0x1F;
	v31 =	vshra.s32 v19, $0x1F  }
0x290: {  	v32 =	vshra.s32 v18, $0x1F;
	v33 =	vshra.s32 v24, $0x1F;
	v13 =	vor.u32 $0x80000000, v13  }
0x291: {  	v26 =	vshra.s32 v17, $0x1F;
	v23 =	vor.u32 $0x80000000, v23;
	v33 =	vor.u32 $0x80000000, v33  }
0x292: {  	v27 =	vor.u32 $0x80000000, v27;
	v31 =	vor.u32 $0x80000000, v31;
	v32 =	vor.u32 $0x80000000, v32  }
0x293: {  	v30 =	vor.u32 $0x80000000, v30;
	v22 =	vxor.u32 v21, v13;
	v13 =	vmov s17  }
0x294: {  	v26 =	vor.u32 $0x80000000, v26;
	v33 =	vxor.u32 v24, v33;
	v22 =	vshrl.u32 v22, $0x18  }
0x295: {  	v27 =	vxor.u32 v16, v27;
	v30 =	vxor.u32 v15, v30;
	vm6 =	vge.u32 v22, v13;
	v22 =	vld [tilespmem:s18+$0xFFFFFFD0]  }
0x296: {  	v33 =	vshrl.u32 v33, $0x18;
	v27 =	vshrl.u32 v27, $0x18;
	v26 =	vxor.u32 v17, v26  }
0x297: {  	v30 =	vshrl.u32 v30, $0x18;
	vm13 =	vge.u32 v33, v13;
	vm5 =	vge.u32 v27, v13  }
0x298: {  	v27 =	vxor.u32 v19, v31;
	v31 =	vxor.u32 v18, v32;
	v29 =	vmpcnt.ones.xlane vm6  }
0x299: {  	vm7 =	vge.u32 v30, v13;
	v26 =	vshrl.u32 v26, $0x18;
	v28 =	vsel vm6, $0xFFFFFFFF, v5  }
0x29a: {  	v20 =	vld [tilespmem:s18+$0x10];
	v34 =	vadd.s32 v28, v25;
	v25 =	vadd.s32 v25, v29;
	v29 =	vshra.s32 v22, $0x1F  }
0x29b: {  	v33 =	vsel vm13, $0x1, v5;
	v35 =	vmpcnt.ones.xlane vm13;
	v29 =	vor.u32 $0x80000000, v29  }
0x29c: {  	v36 =	vsel vm13, $0xFFFFFFFF, v5;
	v27 =	vshrl.u32 v27, $0x18;
	v29 =	vxor.u32 v22, v29  }
0x29d: {  	v55 =	vsel vm6, $0x1, v5;
	v31 =	vshrl.u32 v31, $0x18;
	(xrf0) =	vadd.scan.msk.s32 $0xffff, v33;
	v29 =	vshrl.u32 v29, $0x18  }
0x29e: {  	v57 =	vmpcnt.ones.xlane vm5;
	vm9 =	vge.u32 v26, v13;
	vm10 =	vge.u32 v29, v13  }
0x29f: {  	v60 =	vsel vm7, $0x1, v5;
	v28 =	vshra.s32 v20, $0x1F;
	v29 =	vsel vm10, $0x1, v5  }
0x2a0: {  	vm8 =	vge.u32 v31, v13;
	vm12 =	vge.u32 v27, v13;
	v59 =	vsel vm9, $0x1, v5;
	(xrf0) =	vadd.scan.msk.s32 $0xffff, v29  }
0x2a1: {  	v28 =	vor.u32 $0x80000000, v28;
	v27 =	vsel vm12, $0x1, v5;
	v31 =	vmpcnt.ones.xlane vm12;
	(xrf0) =	vadd.scan.msk.s32 $0xffff, v55  }
0x2a2: {  	v58 =	vsel vm12, $0xFFFFFFFF, v5;
	v53 =	vadd.s32 v25, v35;
	v29 =	vmpcnt.ones.xlane vm8  }
0x2a3: {  	v25 =	vadd.s32 v36, v25;
	v28 =	vxor.u32 v20, v28;
	v37, _, _ =	vpop (xrf0);
	v54 =	vmpcnt.ones.xlane vm10  }
0x2a4: {  	v62 =	vsel vm8, $0x1, v5;
	v30 =	vshrl.u32 v28, $0x18;
	v37 =	vadd.s32 v37, v25;
	(xrf0) =	vadd.scan.msk.s32 $0xffff, v27  }
0x2a5: {  	vm11 =	vge.u32 v30, v13;
	v56 =	vsel vm10, $0xFFFFFFFF, v5;
	v25 =	vadd.s32 v53, v54  }
0x2a6: {  	v26 =	vadd.s32 v56, v53;
	v28 =	vadd.s32 v25, v29;
	v27 =	vmpcnt.ones.xlane vm7;
	v29, _, _ =	vpop (xrf0)  }
0x2a7: {  	v38 =	vmpcnt.ones.xlane vm11;
	(xrf0) =	vadd.scan.msk.s32 $0xffff, v59;
	v26 =	vadd.s32 v29, v26;
	v29 =	vadd.s32 v28, v57;
	v61, _, _ =	vpop (xrf0)  }
0x2a8: {  	v30 =	vsel vm11, $0xFFFFFFFF, v5;
	(xrf0) =	vadd.scan.msk.s32 $0xffff, v60;
	v32 =	vadd.s32 v61, v34;
	v39 =	vadd.s32 v29, v27  }
0x2a9: {  	v63 =	vsel vm11, $0x1, v5;
	[tilespmem:v37+s3+$0x0] =	vst.idx.msk vm13, v24;
	(xrf0) =	vadd.scan.msk.s32 $0xffff, v62;
	v33 =	vadd.s32 v39, v38  }
0x2aa: {  	s19 =	simm.s32 $0xF0;
	s17 =	simm.s32 $0x0;
	s18 =	simm.s32 $0xA0;
	v27 =	vsel vm5, $0x1, v5;
	v34, _, _ =	vpop (xrf0);
	v30 =	vadd.s32 v30, v39;
	(xrf0) =	vadd.scan.msk.s32 $0xffff, v63;
	v24 =	vadd.s32 v58, v33  }
.LBB2_66:
0x2ab: {  	v35 =	vld [tilespmem:s19+$0xFFFFFFB0];
	s20 =	sand.u32 $0x1FFE0, s18;
	s17 =	sadd.s32 $0xA, s17;
	v36 =	vsel vm8, $0xFFFFFFFF, v5;
	v34 =	vadd.s32 v34, v24;
	v39 =	vxor.u32 v14, v23  }
0x2ac: {  	v24 =	vld [tilespmem:s19+$0x40];
	p0 =	slt.u32 s17, $0x1860;
	v25 =	vadd.s32 v36, v25;
	v36 =	vsel vm5, $0xFFFFFFFF, v5;
	v39 =	vshrl.u32 v39, $0x18  }
0x2ad: {  	v37 =	vld [tilespmem:s19+$0xFFFFFFF0];
	[tilespmem:v32+s3+$0x0] =	vst.idx.msk vm6, v21;
	v28 =	vadd.s32 v36, v28;
	v21 =	vsel vm7, $0xFFFFFFFF, v5;
	vm13 =	vge.u32 v39, v13;
	v23, _, _ =	vpop (xrf0)  }
0x2ae: {  	v44 =	vmpcnt.ones.xlane vm9;
	v32 =	vld [tilespmem:s20+$0x80];
	v29 =	vadd.s32 v21, v29;
	v36 =	vsel vm13, $0xFFFFFFFF, v5;
	v38, _, _ =	vpop (xrf0)  }
0x2af: {  	v31 =	vadd.s32 v33, v31;
	v43 =	vsel vm9, $0xFFFFFFFF, v5;
	v40 =	vmpcnt.ones.xlane vm13;
	v39 =	vld [tilespmem:s19+$0x10];
	v41, _, _ =	vpop (xrf0);
	(xrf0) =	vadd.scan.msk.s32 $0xffff, v27  }
0x2b0: {  	v27 =	vshra.s32 v35, $0x1F;
	v42 =	vld [tilespmem:s19+$0x0];
	[tilespmem:v26+s3+$0x0] =	vst.idx.msk vm10, v22;
	v26 =	vadd.s32 v43, v31;
	v31 =	vadd.s32 v31, v44;
	v33, _, _ =	vpop (xrf0)  }
0x2b1: {  	v21 =	vmovc v35;
	v22 =	vor.u32 $0x80000000, v27;
	v43 =	vshra.s32 v24, $0x1F;
	[tilespmem:v34+s3+$0x0] =	vst.idx.msk vm12, v19;
	v19 =	vld [tilespmem:s19+$0x20];
	v34 =	vadd.s32 v31, v40  }
0x2b2: {  	v44 =	vsel vm13, $0x1, v5;
	v22 =	vxor.u32 v21, v22;
	v35 =	vld [tilespmem:s19+$0xFFFFFFE0];
	v40 =	vshra.s32 v37, $0x1F  }
0x2b3: {  	v29 =	vadd.s32 v38, v29;
	v22 =	vshrl.u32 v22, $0x18;
	v27 =	vld [tilespmem:s19+$0xFFFFFFC0];
	v46 =	vshra.s32 v32, $0x1F;
	(xrf0) =	vadd.scan.msk.s32 $0xffff, v44  }
0x2b4: {  	v30 =	vadd.s32 v33, v30;
	vm6 =	vge.u32 v22, v13;
	v22 =	vld [tilespmem:s19+$0xFFFFFFD0];
	v38 =	vor.u32 $0x80000000, v46  }
0x2b5: {  	v26 =	vadd.s32 v23, v26;
	v33 =	vsel vm6, $0xFFFFFFFF, v5;
	v44 =	vmpcnt.ones.xlane vm6;
	v45, _, _ =	vpop (xrf0)  }
0x2b6: {  	v25 =	vadd.s32 v41, v25;
	v46 =	vshra.s32 v42, $0x1F;
	v47 =	vshra.s32 v19, $0x1F  }
0x2b7: {  	v23 =	vor.u32 $0x80000000, v43;
	v28 =	vadd.s32 v45, v28;
	v41 =	vshra.s32 v35, $0x1F  }
0x2b8: {  	v33 =	vadd.s32 v33, v34;
	v45 =	vshra.s32 v39, $0x1F;
	v43 =	vshra.s32 v27, $0x1F  }
0x2b9: {  	v34 =	vadd.s32 v34, v44;
	v43 =	vor.u32 $0x80000000, v43;
	v44 =	vshra.s32 v22, $0x1F;
	[tilespmem:v30+s3+$0x0] =	vst.idx.msk vm11, v20;
	v30, _, _ =	vpop (xrf0)  }
0x2ba: {  	v40 =	vor.u32 $0x80000000, v40;
	v48 =	vxor.u32 v27, v43;
	v43 =	vor.u32 $0x80000000, v47;
	[tilespmem:v26+s3+$0x0] =	vst.idx.msk vm9, v17;
	v17 =	vmovc v32  }
0x2bb: {  	v20 =	vmovc v39;
	v32 =	vor.u32 $0x80000000, v41;
	v41 =	vor.u32 $0x80000000, v46;
	v26 =	vshrl.u32 v48, $0x18;
	[tilespmem:v25+s3+$0x0] =	vst.idx.msk vm8, v18;
	v18 =	vmovc v35  }
0x2bc: {  	v25 =	vor.u32 $0x80000000, v44;
	vm14 =	vge.u32 v26, v13;
	v26 =	vxor.u32 v37, v40;
	[tilespmem:v28+s3+$0x0] =	vst.idx.msk vm5, v16  }
0x2bd: {  	v16 =	vmovc v37;
	v28 =	vsel vm14, $0x1, v5;
	v35 =	vmpcnt.ones.xlane vm14;
	v26 =	vshrl.u32 v26, $0x18;
	[tilespmem:v29+s3+$0x0] =	vst.idx.msk vm7, v15;
	v15 =	vmovc v42  }
0x2be: {  	v29 =	vsel vm14, $0xFFFFFFFF, v5;
	vm5 =	vge.u32 v26, v13;
	v26 =	vxor.u32 v19, v43;
	(xrf0) =	vadd.scan.msk.s32 $0xffff, v28  }
0x2bf: {  	v25 =	vxor.u32 v22, v25;
	v28 =	vor.u32 $0x80000000, v45;
	v35 =	vadd.s32 v34, v35  }
0x2c0: {  	v31 =	vadd.s32 v36, v31;
	v29 =	vadd.s32 v29, v34;
	v26 =	vshrl.u32 v26, $0x18  }
0x2c1: {  	v30 =	vadd.s32 v30, v31;
	v32 =	vxor.u32 v18, v32;
	v25 =	vshrl.u32 v25, $0x18  }
0x2c2: {  	vm10 =	vge.u32 v25, v13;
	v28 =	vxor.u32 v20, v28;
	v34 =	vxor.u32 v17, v38  }
0x2c3: {  	v36 =	vxor.u32 v15, v41;
	v25 =	vsel vm10, $0x1, v5;
	v31 =	vmpcnt.ones.xlane vm10  }
0x2c4: {  	v37 =	vsel vm6, $0x1, v5;
	v32 =	vshrl.u32 v32, $0x18;
	v38 =	vsel vm10, $0xFFFFFFFF, v5;
	v39, _, _ =	vpop (xrf0);
	(xrf0) =	vadd.scan.msk.s32 $0xffff, v25  }
0x2c5: {  	vm8 =	vge.u32 v32, v13;
	v25 =	vadd.s32 v35, v31;
	v39 =	vadd.s32 v39, v29  }
0x2c6: {  	v32 =	vmpcnt.ones.xlane vm5;
	v31 =	vshrl.u32 v36, $0x18;
	v29 =	vmpcnt.ones.xlane vm8;
	(xrf0) =	vadd.scan.msk.s32 $0xffff, v37  }
0x2c7: {  	vm12 =	vge.u32 v26, v13;
	v36 =	vshrl.u32 v28, $0x18;
	vm7 =	vge.u32 v31, v13;
	[tilespmem:v30+s3+$0x0] =	vst.idx.msk vm13, v14  }
0x2c8: {  	v26 =	vsel vm12, $0x1, v5;
	v31 =	vmpcnt.ones.xlane vm12;
	v30 =	vshrl.u32 v34, $0x18;
	v14 =	vmovc v24  }
0x2c9: {  	v28 =	vadd.s32 v25, v29;
	v24 =	vsel vm12, $0xFFFFFFFF, v5;
	vm9 =	vge.u32 v30, v13;
	(xrf0) =	vadd.scan.msk.s32 $0xffff, v26  }
0x2ca: {  	vm11 =	vge.u32 v36, v13;
	v30 =	vmpcnt.ones.xlane vm7;
	v26 =	vadd.s32 v38, v35;
	v29, _, _ =	vpop (xrf0)  }
.Ltmp38:
0x2cb: {  	v34 =	vsel vm11, $0xFFFFFFFF, v5;
	v35 =	vsel vm9, $0x1, v5;
	v26 =	vadd.s32 v29, v26;
	(pc) =	sbr.rel @p0 .LBB2_66-.Ltmp38, $4  }
0x2cc: {  	v36 =	vsel vm7, $0x1, v5;
	v37 =	vmpcnt.ones.xlane vm11;
	v29 =	vadd.s32 v28, v32;
	v32, _, _ =	vpop (xrf0);
	(xrf0) =	vadd.scan.msk.s32 $0xffff, v35  }
0x2cd: {  	v35 =	vsel vm8, $0x1, v5;
	v30 =	vadd.s32 v29, v30;
	v32 =	vadd.s32 v32, v33;
	(xrf0) =	vadd.scan.msk.s32 $0xffff, v36  }
0x2ce: {  	v36 =	vsel vm11, $0x1, v5;
	v33 =	vadd.s32 v30, v37;
	[tilespmem:v39+s3+$0x0] =	vst.idx.msk vm14, v27;
	(xrf0) =	vadd.scan.msk.s32 $0xffff, v35  }
0x2cf: {  	s18 =	sadd.s32 $0xA0, s18;
	s19 =	sadd.s32 $0xA0, s19;
	v30 =	vadd.s32 v34, v30;
	v27 =	vsel vm5, $0x1, v5;
	v24 =	vadd.s32 v24, v33;
	(xrf0) =	vadd.scan.msk.s32 $0xffff, v36;
	v34, _, _ =	vpop (xrf0)  }
0x2d0: {  	v23 =	vxor.u32 v14, v23  }
0x2d1: {  	v23 =	vshrl.u32 v23, $0x18  }
0x2d2: {  	v50 =	vmpcnt.ones.xlane vm9;
	vm13 =	vge.u32 v23, v13  }
0x2d3: {  	v31 =	vadd.s32 v33, v31;
	v51 =	vmpcnt.ones.xlane vm13  }
0x2d4: {  	v23 =	vadd.s32 v31, v50  }
0x2d5: {  	(xrf0) =	vadd.scan.msk.s32 $0xffff, v27;
	v53 =	vsel vm13, $0x1, v5;
	v52 =	vadd.s32 v23, v51  }
0x2d6: {  	(xrf0) =	vadd.scan.msk.s32 $0xffff, v53;
	v27 =	vxor.u32 $0x80000000, v52  }
0x2d7: {  	v54, _, _ =	vpop (xrf0);
	(xrf0) =	vmax.scan.msk.u32 $0xffff, v27  }
0x2d8: {  	v55, _, _ =	vpop (xrf0)  }
0x2d9: {  	v35, _, _ =	vpop (xrf0)  }
0x2da: {  	v36, _, _ =	vpop (xrf0)  }
0x2db: {  	v37, _, _ =	vpop (xrf0)  }
0x2dc: {  	v38, _, _ =	vpop (xrf0)  }
0x2dd: {  	v39, _, _ =	vpop (xrf0)  }
0x2de: {  	(v2sf) =	vpush v39, $0xF;
	_ =	sdelay $0x3  }
0x2df: {  	vm14 =	vgt.s32 v11, $0xFFFFFFFF  }
0x2e0: {  	v56 =	vsel vm14, $0xFFFFFFFF, v6  }
0x2e1: {  	v40 =	vsub.f32 v7, v9;
	v39 =	vxor.u32 v11, v56  }
0x2e2: {  	v39 =	vsub.f32 v39, v9  }
0x2e3: {  	v24 =	vadd.s32 v34, v24;
	v40 =	vmul.f32 $1.000000000e+01, v40  }
0x2e4: {  	v57 =	vsel vm8, $0xFFFFFFFF, v5;
	(xrf2) =	vadd.scan.msk.f32 $0xffff, v12;
	v12 =	vsel vm9, $0xFFFFFFFF, v5;
	v39 =	vmul.f32 $1.000000000e+01, v39  }
0x2e5: {  	v58 =	vsel vm5, $0xFFFFFFFF, v5;
	v60 =	vsel vm7, $0xFFFFFFFF, v5;
	v40 =	vmul.f32 $1.442695020e+00, v40  }
0x2e6: {  	v25 =	vadd.s32 v57, v25;
	v12 =	vadd.s32 v12, v31;
	v39 =	vmul.f32 $1.442695020e+00, v39  }
0x2e7: {  	v59 =	vadd.s32 v58, v28;
	v12 =	vadd.s32 v54, v12;
	(erf) = vpow2.f32 v40  }
0x2e8: {  	v28 =	vadd.s32 v60, v29;
	v25 =	vadd.s32 v35, v25;
	(erf) = vpow2.f32 v39  }
0x2e9: {  	[tilespmem:v24+s3+$0x0] =	vst.idx.msk vm12, v19;
	v19 =	vadd.s32 v55, v28  }
0x2ea: {  	[tilespmem:v32+s3+$0x0] =	vst.idx.msk vm6, v21;
	v61 =	vsel vm13, $0xFFFFFFFF, v5;
	v30 =	vadd.s32 v36, v30;
	s17 =	spop (v2sf)  }
0x2eb: {  	[tilespmem:v26+s3+$0x0] =	vst.idx.msk vm10, v22;
	v62 =	vadd.s32 v61, v23;
	v21 =	vadd.s32 v37, v59;
	s18 =	sadd.s32 $0x8000000F, s17  }
0x2ec: {  	[tilespmem:v12+s3+$0x0] =	vst.idx.msk vm9, v17;
	v63 =	vadd.s32 v38, v62;
	p1 =	slt.s32 s18, $0x10  }
.Ltmp39:
0x2ed: {  	[tilespmem:v25+s3+$0x0] =	vst.idx.msk vm8, v18;
	s19 =	sshra.s32 s18, $0x1F;
	(pc) =	sbr.rel @p1 .LBB2_71-.Ltmp39, $4  }
0x2ee: {  	[tilespmem:v19+s3+$0x0] =	vst.idx.msk vm7, v15;
	s19 =	sshrl.u32 s19, $0x1C  }
0x2ef: {  	v15, _, _ =	vpop (xrf2);
	[tilespmem:v30+s3+$0x0] =	vst.idx.msk vm11, v20;
	s19 =	sadd.s32 s19, s18  }
0x2f0: {  	[tilespmem:v21+s3+$0x0] =	vst.idx.msk vm5, v16;
	v17 =	vpop (erf);
	s20 =	sxor.u32 $0x80000000, s17;
	s17 =	sshra.s32 s19, $0x4  }
0x2f1: {  	[tilespmem:v63+s3+$0x0] =	vst.idx.msk vm13, v14;
	v14 =	vimm.s32 $0x0;
	v16 =	vpop (erf);
	v12 =	vmov s20;
	p0 =	sne.s32 s17, $0x1  }
0x2f2: {  	s18 =	simm.s32 $0x0  }
0x2f3: {  	v18 =	vld [tilespmem:s18+$0x0]  }
.Ltmp40:
0x2f4: {  	_ = 	snop;
	(pc) =	sbr.rel @!p0 .LBB2_70-.Ltmp40, $2  }
0x2f5: {  	_ =	sdelay $0x2  }
0x2f6: {  	v14 =	vimm.s32 $0x80000000;
	s19 =	sadd.s32 $0xFFFFFFFF, s17;
	s20 =	simm.s32 $0x10;
	v19 =	vshra.s32 v18, $0x1F  }
.LBB2_69:
0x2f7: {  	v20 =	vld [tilespmem:s20+$0x0];
	p2 =	sne.s32 s19, $0x1;
	s19 =	sadd.s32 $0xFFFFFFFF, s19;
	v19 =	vand.u32 $0x7FFFFFFF, v19;
	v21 =	vor.u32 s18, v3  }
.Ltmp41:
0x2f8: {  	v18 =	vxor.u32 v18, v19;
	vm5 =	vlt.s32 v21, v12;
	(pc) =	sbr.rel @p2 .LBB2_69-.Ltmp41, $4  }
0x2f9: {  	v18 =	vnsel vm5, $0x80000000, v18  }
0x2fa: {  	vm5 =	vgt.s32 v14, v18  }
0x2fb: {  	v14 =	vsel vm5, v14, v18  }
0x2fc: {  	s20 =	sadd.s32 $0x10, s20;
	s18 =	sadd.s32 $0x10, s18;
	v19 =	vshra.s32 v20, $0x1F;
	v18 =	vmov v20  }
.LBB2_70:
0x2fd: {  	v19 =	vand.u32 $0x7FFFFFFF, v19;
	v20 =	vor.u32 s18, v3  }
0x2fe: {  	v18 =	vxor.u32 v18, v19;
	vm5 =	vlt.s32 v20, v12  }
0x2ff: {  	v18 =	vnsel vm5, $0x80000000, v18  }
0x300: {  	vm5 =	vgt.s32 v14, v18  }
0x301: {  	v14 =	vsel vm5, v14, v18  }
0x302: {  	v14 =	vxor.u32 $0x80000000, v14  }
.LBB2_71:
0x303: {  	v18 =	vmov s16  }
0x304: {  	vm5 =	vgt.u32 v8, v11;
	v8 =	vsub.f32 $9.990000000e+02, v18  }
0x305: {  	v11 =	vsel vm5, $0x3F800000, v2  }
0x306: {  	v15 =	vbroadcast v15, $0xF;
	v63 =	vmul.f32 v11, v17;
	v8 =	vadd.f32 v11, v8;
	_ =	sdelay $0x1  }
0x307: {  	v11 =	vsub.f32 v15, v63;
	v8 =	vmul.f32 v16, v8  }
0x308: {  	s18 =	simm.s32 $0x18740  }
0x309: {  	[tilespmem:s18+$0xFFFFFFC0] =	vst v2;
	v8 =	vadd.f32 v11, v8  }
0x30a: {  	[tilespmem:s18+$0x30] =	vst v2  }
0x30b: {  	[tilespmem:s18+$0x20] =	vst v2;
	v8 =	vadd.f32 v8, v17  }
0x30c: {  	vm5 =	vmmov $0x1;
	[tilespmem:s18+$0x10] =	vst v2  }
0x30d: {  	[tilespmem:s18+$0x0] =	vst v2;
	v11 =	vshra.s32 v10, $0x1F;
	v8 =	vnsel vm5, $0x0, v8  }
0x30e: {  	[tilespmem:s18+$0xFFFFFFF0] =	vst v2;
	v8 =	vsel vm0, v8, v9;
	v9 =	vor.u32 $0x80000000, v11  }
0x30f: {  	s16 =	ssub.f32 $1.000000000e+03, s15;
	s19 =	simm.s32 $0x0;
	[tilespmem:s18+$0xFFFFFFE0] =	vst v2;
	v7 =	vsel vm1, v8, v7;
	v8 =	vxor.u32 v10, v9  }
.LBB2_72:
0x310: {  	s19 =	sadd.s32 $0x8, s19;
	[tilespmem:s18+$0xFFFFFFD0] =	vst v2;
	s18 =	sadd.s32 $0x80, s18  }
0x311: {  	[tilespmem:s18+$0xFFFFFFC0] =	vst v2;
	p2 =	slt.u32 s19, $0xF8  }
0x312: {  	[tilespmem:s18+$0x30] =	vst v2  }
.Ltmp42:
0x313: {  	[tilespmem:s18+$0x20] =	vst v2;
	(pc) =	sbr.rel @p2 .LBB2_72-.Ltmp42, $4  }
0x314: {  	[tilespmem:s18+$0x10] =	vst v2  }
0x315: {  	[tilespmem:s18+$0x0] =	vst v2  }
0x316: {  	[tilespmem:s18+$0xFFFFFFF0] =	vst v2  }
0x317: {  	[tilespmem:s18+$0xFFFFFFE0] =	vst v2  }
0x318: {  	(xrf0) =	vmax.scan.msk.u32 $0xffff, v14;
	_ =	sdelay $0x5  }
0x319: {  	v9, _, _ =	vpop (xrf0)  }
0x31a: {  	(v2sf) =	vpush v9, $0xF;
	_ =	sdelay $0xa  }
.Ltmp43:
0x31b: {  	_ = 	snop;
	(pc) =	sbr.rel @p1 .LBB2_80-.Ltmp43, $2  }
0x31c: {  	_ =	sdelay $0x2  }
0x31d: {  	[tilespmem:s18+$0xFFFFFFD0] =	vst v2;
	s19 =	spop (v2sf)  }
0x31e: {  	p3 =	seq.s32 s17, $0x1  }
.Ltmp44:
0x31f: {  	_ = 	snop;
	(pc) =	sbr.rel @p3 .LBB2_75-.Ltmp44, $3  }
0x320: {  	_ =	sdelay $0x1  }
0x321: {  	s18 =	simm.s32 $0x0  }
0x322: {  	s20 =	sadd.s32 $0xFFFFFFFF, s17;
	p2 =	por $0x0, $0x0;
	v9 =	vld [tilespmem:s18+$0x0]  }
0x323: {  	_ =	sdelay $0x3  }
0x324: {  	v11 =	vshra.s32 v9, $0x1F  }
0x325: {  	v11 =	vor.u32 $0x80000000, v11  }
0x326: {  	v9 =	vxor.u32 v9, v11  }
0x327: {  	v11 =	vor.u32 s18, v3;
	v14 =	vshrl.u32 v9, $0x18  }
0x328: {  	vm5 =	vlt.s32 v11, v12;
	v9 =	vshrl.u32 v9, $0xC;
	vm6 =	veq.s32 v14, v13  }
0x329: {  	v9 =	vand.u32 $0xFF0, v9;
	vm5 =	vmand vm5, vm6  }
0x32a: {  	v9 =	vor.u32 v3, v9  }
0x32b: {  	p3 =	seq.s32 s20, $0x1  }
.Ltmp45:
0x32c: {  	_ = 	snop;
	(pc) =	sbr.rel @p3 .LBB2_77-.Ltmp45, $3  }
0x32d: {  	_ =	sdelay $0x1  }
0x32e: {  	s21 =	simm.s32 $0x10;
	[tilespmem:v9+s12+$0x0] =	vst.idx.add.f32.msk vm5, v4  }
0x32f: {  	s22 =	sadd.s32 $0xFFFFFFFF, s20;
	p2 =	por $0x1, $0x1;
	s20 =	simm.s32 $0x0;
	v9 =	vld [tilespmem:s21+$0x0]  }
.LBB2_78:
0x330: {  	p3 =	seq.s32 s22, $0x1;
	_ =	sdelay $0x3  }
0x331: {  	v11 =	vshra.s32 v9, $0x1F  }
0x332: {  	v11 =	vor.u32 $0x80000000, v11  }
0x333: {  	s20 =	sadd.s32 $0x10, s20;
	v9 =	vxor.u32 v9, v11  }
0x334: {  	v11 =	vor.u32 s20, v3;
	v14 =	vshrl.u32 v9, $0x18  }
0x335: {  	vm5 =	vlt.s32 v11, v12;
	v9 =	vshrl.u32 v9, $0xC;
	vm6 =	veq.s32 v14, v13  }
0x336: {  	v9 =	vand.u32 $0xFF0, v9;
	vm5 =	vmand vm5, vm6  }
0x337: {  	v9 =	vor.u32 v3, v9;
	_ =	sdelay $0x1  }
.Ltmp46:
0x338: {  	(pc) =	sbr.rel @!p3 .LBB2_78-.Ltmp46, $3  }
0x339: {  	_ =	sdelay $0x1  }
0x33a: {  	s21 =	sadd.s32 $0x10, s21;
	[tilespmem:v9+s12+$0x0] =	vst.idx.add.f32.msk vm5, v4  }
0x33b: {  	s22 =	sadd.s32 $0xFFFFFFFF, s22;
	v9 =	vld [tilespmem:s21+$0x0]  }
.LBB2_79:
0x33c: {  	_ =	sdelay $0x3  }
0x33d: {  	v11 =	vshra.s32 v9, $0x1F  }
0x33e: {  	s20 =	sadd.s32 @p2 $0x10, s20;
	v11 =	vor.u32 $0x80000000, v11  }
0x33f: {  	s18 =	smov.u32 @p2 s20;
	v9 =	vxor.u32 v9, v11  }
0x340: {  	v11 =	vor.u32 s18, v3;
	v14 =	vshrl.u32 v9, $0x18  }
0x341: {  	vm5 =	vlt.s32 v11, v12;
	v9 =	vshrl.u32 v9, $0xC;
	vm6 =	veq.s32 v14, v13  }
0x342: {  	v9 =	vand.u32 $0xFF0, v9;
	vm5 =	vmand vm5, vm6  }
0x343: {  	v9 =	vor.u32 v3, v9;
	_ =	sdelay $0x4  }
0x344: {  	[tilespmem:v9+s12+$0x0] =	vst.idx.add.f32.msk vm5, v4  }
.LBB2_80:
0x345: {  	p2 =	sgt.f32 s16, $0.0e+00  }
.Ltmp47:
0x346: {  	_ = 	snop;
	(pc) =	sbr.rel @!p2 .LBB2_83-.Ltmp47, $2  }
0x347: {  	_ =	sdelay $0x2  }
0x348: {  	s18 =	simm.f32 $0.0e+00;
	s20 =	simm.s32 $0x100;
	s21 =	simm.s32 $0x196F0  }
.LBB2_81:
0x349: {  	v9 =	vld [tilespmem:s21+$0x0];
	_ =	sdelay $0x4  }
0x34a: {  	(xrf2) =	vadd.scan.msk.f32 $0xffff, v9;
	_ =	sdelay $0x9  }
0x34b: {  	v9, _, _ =	vpop (xrf2)  }
0x34c: {  	(v2sf) =	vpush v9, $0xF;
	_ =	sdelay $0xe  }
0x34d: {  	s22 =	smov.u32 s18;
	s31 =	spop (v2sf)  }
0x34e: {  	s18 =	sadd.f32 s31, s22  }
0x34f: {  	p2 =	seq.s32 s20, $0x1  }
0x350: {  	p3 =	slt.f32 @!p2 s18, s16;
	_ =	sdelay $0x1  }
0x351: {  	p3 =	por p2, !p3  }
.Ltmp48:
0x352: {  	_ = 	snop;
	(pc) =	sbr.rel @!p3 .LBB2_81-.Ltmp48, $2  }
0x353: {  	_ =	sdelay $0x2  }
0x354: {  	s20 =	sadd.s32 $0xFFFFFFFF, s20;
	s21 =	sadd.s32 $0xFFFFFFF0, s21  }
0x355: {  	s22 =	smov.u32 @p2 s22  }
0x356: {  	s20 =	smov.u32 @p2 s20;
	s18 =	smov.u32 s22  }
.LBB2_83:
0x357: {  	s19 =	sxor.u32 $0x80000000, s19  }
0x358: {  	v9 =	vmov s19  }
0x359: {  	v11 =	vxor.u32 $0x7FFFFFFF, v9;
	vm5 =	vlt.s32 v9, $0x0  }
0x35a: {  	v9 =	vnsel vm5, s19, v11;
	s19 =	simm.s32 $0x18740  }
0x35b: {  	[tilespmem:s19+$0xFFFFFFC0] =	vst v2  }
0x35c: {  	[tilespmem:s19+$0x30] =	vst v2  }
0x35d: {  	[tilespmem:s19+$0x20] =	vst v2  }
0x35e: {  	[tilespmem:s19+$0x10] =	vst v2  }
0x35f: {  	[tilespmem:s19+$0x0] =	vst v2  }
0x360: {  	[tilespmem:s19+$0xFFFFFFF0] =	vst v2  }
0x361: {  	s21 =	simm.s32 $0x0;
	[tilespmem:s19+$0xFFFFFFE0] =	vst v2  }
.LBB2_84:
0x362: {  	s21 =	sadd.s32 $0x8, s21;
	[tilespmem:s19+$0xFFFFFFD0] =	vst v2;
	s19 =	sadd.s32 $0x80, s19  }
0x363: {  	[tilespmem:s19+$0xFFFFFFC0] =	vst v2;
	p2 =	slt.u32 s21, $0xF8  }
0x364: {  	[tilespmem:s19+$0x30] =	vst v2  }
.Ltmp49:
0x365: {  	[tilespmem:s19+$0x20] =	vst v2;
	(pc) =	sbr.rel @p2 .LBB2_84-.Ltmp49, $4  }
0x366: {  	[tilespmem:s19+$0x10] =	vst v2  }
0x367: {  	[tilespmem:s19+$0x0] =	vst v2  }
0x368: {  	[tilespmem:s19+$0xFFFFFFF0] =	vst v2  }
0x369: {  	[tilespmem:s19+$0xFFFFFFE0] =	vst v2  }
.Ltmp50:
0x36a: {  	(pc) =	sbr.rel @p1 .LBB2_92-.Ltmp50, $3  }
0x36b: {  	_ =	sdelay $0x1  }
0x36c: {  	v11 =	vshll.u32 v13, $0x8  }
0x36d: {  	[tilespmem:s19+$0xFFFFFFD0] =	vst v2;
	v11 =	vor.u32 s20, v11  }
0x36e: {  	p3 =	seq.s32 s17, $0x1  }
.Ltmp51:
0x36f: {  	_ = 	snop;
	(pc) =	sbr.rel @p3 .LBB2_87-.Ltmp51, $3  }
0x370: {  	_ =	sdelay $0x1  }
0x371: {  	s19 =	simm.s32 $0x0  }
0x372: {  	s20 =	sadd.s32 $0xFFFFFFFF, s17;
	p2 =	por $0x0, $0x0;
	v13 =	vld [tilespmem:s19+$0x0]  }
0x373: {  	_ =	sdelay $0x3  }
0x374: {  	v14 =	vshra.s32 v13, $0x1F  }
0x375: {  	v14 =	vor.u32 $0x80000000, v14  }
0x376: {  	v13 =	vxor.u32 v13, v14  }
0x377: {  	v14 =	vor.u32 s19, v3;
	v15 =	vshrl.u32 v13, $0x10  }
0x378: {  	vm5 =	vlt.s32 v14, v12;
	v13 =	vshrl.u32 v13, $0x4;
	vm6 =	veq.s32 v15, v11  }
0x379: {  	v13 =	vand.u32 $0xFF0, v13;
	vm5 =	vmand vm5, vm6  }
0x37a: {  	v13 =	vor.u32 v3, v13  }
0x37b: {  	p3 =	seq.s32 s20, $0x1  }
.Ltmp52:
0x37c: {  	_ = 	snop;
	(pc) =	sbr.rel @p3 .LBB2_89-.Ltmp52, $3  }
0x37d: {  	_ =	sdelay $0x1  }
0x37e: {  	s21 =	simm.s32 $0x10;
	[tilespmem:v13+s12+$0x0] =	vst.idx.add.f32.msk vm5, v4  }
0x37f: {  	s22 =	sadd.s32 $0xFFFFFFFF, s20;
	p2 =	por $0x1, $0x1;
	s20 =	simm.s32 $0x0;
	v13 =	vld [tilespmem:s21+$0x0]  }
.LBB2_90:
0x380: {  	p3 =	seq.s32 s22, $0x1;
	_ =	sdelay $0x3  }
0x381: {  	v14 =	vshra.s32 v13, $0x1F  }
0x382: {  	v14 =	vor.u32 $0x80000000, v14  }
0x383: {  	s20 =	sadd.s32 $0x10, s20;
	v13 =	vxor.u32 v13, v14  }
0x384: {  	v14 =	vor.u32 s20, v3;
	v15 =	vshrl.u32 v13, $0x10  }
0x385: {  	vm5 =	vlt.s32 v14, v12;
	v13 =	vshrl.u32 v13, $0x4;
	vm6 =	veq.s32 v15, v11  }
0x386: {  	v13 =	vand.u32 $0xFF0, v13;
	vm5 =	vmand vm5, vm6  }
0x387: {  	v13 =	vor.u32 v3, v13;
	_ =	sdelay $0x1  }
.Ltmp53:
0x388: {  	(pc) =	sbr.rel @!p3 .LBB2_90-.Ltmp53, $3  }
0x389: {  	_ =	sdelay $0x1  }
0x38a: {  	s21 =	sadd.s32 $0x10, s21;
	[tilespmem:v13+s12+$0x0] =	vst.idx.add.f32.msk vm5, v4  }
0x38b: {  	s22 =	sadd.s32 $0xFFFFFFFF, s22;
	v13 =	vld [tilespmem:s21+$0x0]  }
.LBB2_91:
0x38c: {  	_ =	sdelay $0x3  }
0x38d: {  	v14 =	vshra.s32 v13, $0x1F  }
0x38e: {  	s20 =	sadd.s32 @p2 $0x10, s20;
	v14 =	vor.u32 $0x80000000, v14  }
0x38f: {  	s19 =	smov.u32 @p2 s20;
	v13 =	vxor.u32 v13, v14  }
0x390: {  	v14 =	vor.u32 s19, v3;
	v15 =	vshrl.u32 v13, $0x10  }
0x391: {  	vm5 =	vlt.s32 v14, v12;
	v13 =	vshrl.u32 v13, $0x4;
	vm6 =	veq.s32 v15, v11  }
0x392: {  	v13 =	vand.u32 $0xFF0, v13;
	vm5 =	vmand vm5, vm6  }
0x393: {  	v13 =	vor.u32 v3, v13;
	_ =	sdelay $0x4  }
0x394: {  	[tilespmem:v13+s12+$0x0] =	vst.idx.add.f32.msk vm5, v4  }
.LBB2_92:
0x395: {  	s19 =	ssub.f32 s16, s18;
	_ =	sdelay $0x1  }
0x396: {  	p2 =	sgt.f32 s19, $0.0e+00  }
.Ltmp54:
0x397: {  	_ = 	snop;
	(pc) =	sbr.rel @!p2 .LBB2_95-.Ltmp54, $2  }
0x398: {  	_ =	sdelay $0x2  }
0x399: {  	s16 =	simm.f32 $0.0e+00;
	s20 =	simm.s32 $0x100;
	s21 =	simm.s32 $0x196F0  }
.LBB2_93:
0x39a: {  	v13 =	vld [tilespmem:s21+$0x0];
	_ =	sdelay $0x4  }
0x39b: {  	(xrf2) =	vadd.scan.msk.f32 $0xffff, v13;
	_ =	sdelay $0x9  }
0x39c: {  	v13, _, _ =	vpop (xrf2)  }
0x39d: {  	(v2sf) =	vpush v13, $0xF;
	_ =	sdelay $0xe  }
0x39e: {  	s22 =	smov.u32 s16;
	s31 =	spop (v2sf)  }
0x39f: {  	s16 =	sadd.f32 s31, s22  }
0x3a0: {  	p2 =	seq.s32 s20, $0x1  }
0x3a1: {  	p3 =	slt.f32 @!p2 s16, s19;
	_ =	sdelay $0x1  }
0x3a2: {  	p3 =	por p2, !p3  }
.Ltmp55:
0x3a3: {  	_ = 	snop;
	(pc) =	sbr.rel @!p3 .LBB2_93-.Ltmp55, $2  }
0x3a4: {  	_ =	sdelay $0x2  }
0x3a5: {  	s20 =	sadd.s32 $0xFFFFFFFF, s20;
	s21 =	sadd.s32 $0xFFFFFFF0, s21  }
0x3a6: {  	s22 =	smov.u32 @p2 s22  }
0x3a7: {  	s20 =	smov.u32 @p2 s20;
	s16 =	smov.u32 s22  }
.LBB2_95:
0x3a8: {  	s15 =	sadd.f32 s18, s15;
	s18 =	simm.s32 $0x18740  }
0x3a9: {  	[tilespmem:s18+$0xFFFFFFC0] =	vst v2  }
0x3aa: {  	[tilespmem:s18+$0x30] =	vst v2  }
0x3ab: {  	[tilespmem:s18+$0x20] =	vst v2  }
0x3ac: {  	[tilespmem:s18+$0x10] =	vst v2  }
0x3ad: {  	[tilespmem:s18+$0x0] =	vst v2  }
0x3ae: {  	[tilespmem:s18+$0xFFFFFFF0] =	vst v2  }
0x3af: {  	s21 =	simm.s32 $0x0;
	[tilespmem:s18+$0xFFFFFFE0] =	vst v2  }
.LBB2_96:
0x3b0: {  	s21 =	sadd.s32 $0x8, s21;
	[tilespmem:s18+$0xFFFFFFD0] =	vst v2;
	s18 =	sadd.s32 $0x80, s18  }
0x3b1: {  	[tilespmem:s18+$0xFFFFFFC0] =	vst v2;
	p2 =	slt.u32 s21, $0xF8  }
0x3b2: {  	[tilespmem:s18+$0x30] =	vst v2  }
.Ltmp56:
0x3b3: {  	[tilespmem:s18+$0x20] =	vst v2;
	(pc) =	sbr.rel @p2 .LBB2_96-.Ltmp56, $4  }
0x3b4: {  	[tilespmem:s18+$0x10] =	vst v2  }
0x3b5: {  	[tilespmem:s18+$0x0] =	vst v2  }
0x3b6: {  	[tilespmem:s18+$0xFFFFFFF0] =	vst v2  }
0x3b7: {  	[tilespmem:s18+$0xFFFFFFE0] =	vst v2  }
.Ltmp57:
0x3b8: {  	(pc) =	sbr.rel @p1 .LBB2_104-.Ltmp57, $3  }
0x3b9: {  	_ =	sdelay $0x1  }
0x3ba: {  	v11 =	vshll.u32 v11, $0x8  }
0x3bb: {  	[tilespmem:s18+$0xFFFFFFD0] =	vst v2;
	v11 =	vor.u32 s20, v11  }
0x3bc: {  	p3 =	seq.s32 s17, $0x1  }
.Ltmp58:
0x3bd: {  	_ = 	snop;
	(pc) =	sbr.rel @p3 .LBB2_99-.Ltmp58, $3  }
0x3be: {  	_ =	sdelay $0x1  }
0x3bf: {  	s18 =	simm.s32 $0x0  }
0x3c0: {  	s20 =	sadd.s32 $0xFFFFFFFF, s17;
	p2 =	por $0x0, $0x0;
	v13 =	vld [tilespmem:s18+$0x0]  }
0x3c1: {  	_ =	sdelay $0x3  }
0x3c2: {  	v14 =	vshra.s32 v13, $0x1F  }
0x3c3: {  	v14 =	vor.u32 $0x80000000, v14  }
0x3c4: {  	v13 =	vxor.u32 v13, v14  }
0x3c5: {  	v14 =	vor.u32 s18, v3;
	v15 =	vshrl.u32 v13, $0x8  }
0x3c6: {  	vm5 =	vlt.s32 v14, v12;
	v13 =	vshll.u32 v13, $0x4;
	vm6 =	veq.s32 v15, v11  }
0x3c7: {  	v13 =	vor.u32 v3, v13;
	vm5 =	vmand vm5, vm6  }
0x3c8: {  	v13 =	vand.u32 $0xFFF, v13  }
0x3c9: {  	p3 =	seq.s32 s20, $0x1  }
.Ltmp59:
0x3ca: {  	_ = 	snop;
	(pc) =	sbr.rel @p3 .LBB2_101-.Ltmp59, $3  }
0x3cb: {  	_ =	sdelay $0x1  }
0x3cc: {  	s21 =	simm.s32 $0x10;
	[tilespmem:v13+s12+$0x0] =	vst.idx.add.f32.msk vm5, v4  }
0x3cd: {  	s22 =	sadd.s32 $0xFFFFFFFF, s20;
	p2 =	por $0x1, $0x1;
	s20 =	simm.s32 $0x0;
	v13 =	vld [tilespmem:s21+$0x0]  }
.LBB2_102:
0x3ce: {  	p3 =	seq.s32 s22, $0x1;
	_ =	sdelay $0x3  }
0x3cf: {  	v14 =	vshra.s32 v13, $0x1F  }
0x3d0: {  	v14 =	vor.u32 $0x80000000, v14  }
0x3d1: {  	s20 =	sadd.s32 $0x10, s20;
	v13 =	vxor.u32 v13, v14  }
0x3d2: {  	v14 =	vor.u32 s20, v3;
	v15 =	vshrl.u32 v13, $0x8  }
0x3d3: {  	vm5 =	vlt.s32 v14, v12;
	v13 =	vshll.u32 v13, $0x4;
	vm6 =	veq.s32 v15, v11  }
0x3d4: {  	v13 =	vor.u32 v3, v13;
	vm5 =	vmand vm5, vm6  }
0x3d5: {  	v13 =	vand.u32 $0xFFF, v13;
	_ =	sdelay $0x1  }
.Ltmp60:
0x3d6: {  	(pc) =	sbr.rel @!p3 .LBB2_102-.Ltmp60, $3  }
0x3d7: {  	_ =	sdelay $0x1  }
0x3d8: {  	s21 =	sadd.s32 $0x10, s21;
	[tilespmem:v13+s12+$0x0] =	vst.idx.add.f32.msk vm5, v4  }
0x3d9: {  	s22 =	sadd.s32 $0xFFFFFFFF, s22;
	v13 =	vld [tilespmem:s21+$0x0]  }
.LBB2_103:
0x3da: {  	_ =	sdelay $0x3  }
0x3db: {  	v14 =	vshra.s32 v13, $0x1F  }
0x3dc: {  	s20 =	sadd.s32 @p2 $0x10, s20;
	v14 =	vor.u32 $0x80000000, v14  }
0x3dd: {  	s18 =	smov.u32 @p2 s20;
	v13 =	vxor.u32 v13, v14  }
0x3de: {  	v14 =	vor.u32 s18, v3;
	v15 =	vshrl.u32 v13, $0x8  }
0x3df: {  	vm5 =	vlt.s32 v14, v12;
	v13 =	vshll.u32 v13, $0x4;
	vm6 =	veq.s32 v15, v11  }
0x3e0: {  	v13 =	vor.u32 v3, v13;
	vm5 =	vmand vm5, vm6  }
0x3e1: {  	v13 =	vand.u32 $0xFFF, v13;
	_ =	sdelay $0x4  }
0x3e2: {  	[tilespmem:v13+s12+$0x0] =	vst.idx.add.f32.msk vm5, v4  }
.LBB2_104:
0x3e3: {  	s20 =	ssub.f32 s19, s16;
	_ =	sdelay $0x1  }
0x3e4: {  	p2 =	sgt.f32 s20, $0.0e+00  }
.Ltmp61:
0x3e5: {  	_ = 	snop;
	(pc) =	sbr.rel @!p2 .LBB2_107-.Ltmp61, $2  }
0x3e6: {  	_ =	sdelay $0x2  }
0x3e7: {  	s18 =	simm.f32 $0.0e+00;
	s19 =	simm.s32 $0x100;
	s21 =	simm.s32 $0x196F0  }
.LBB2_105:
0x3e8: {  	v13 =	vld [tilespmem:s21+$0x0];
	_ =	sdelay $0x4  }
0x3e9: {  	(xrf2) =	vadd.scan.msk.f32 $0xffff, v13;
	_ =	sdelay $0x9  }
0x3ea: {  	v13, _, _ =	vpop (xrf2)  }
0x3eb: {  	(v2sf) =	vpush v13, $0xF;
	_ =	sdelay $0xe  }
0x3ec: {  	s22 =	smov.u32 s18;
	s31 =	spop (v2sf)  }
0x3ed: {  	s18 =	sadd.f32 s31, s22  }
0x3ee: {  	p2 =	seq.s32 s19, $0x1  }
0x3ef: {  	p3 =	slt.f32 @!p2 s18, s20;
	_ =	sdelay $0x1  }
0x3f0: {  	p3 =	por p2, !p3  }
.Ltmp62:
0x3f1: {  	_ = 	snop;
	(pc) =	sbr.rel @!p3 .LBB2_105-.Ltmp62, $2  }
0x3f2: {  	_ =	sdelay $0x2  }
0x3f3: {  	s19 =	sadd.s32 $0xFFFFFFFF, s19;
	s21 =	sadd.s32 $0xFFFFFFF0, s21  }
0x3f4: {  	s22 =	smov.u32 @p2 s22  }
0x3f5: {  	s19 =	smov.u32 @p2 s19;
	s18 =	smov.u32 s22  }
.LBB2_107:
.Ltmp63:
0x3f6: {  	(pc) =	sbr.rel @p1 .LBB2_117-.Ltmp63, $3  }
0x3f7: {  	_ =	sdelay $0x1  }
0x3f8: {  	v11 =	vshll.u32 v11, $0x8  }
0x3f9: {  	v13 =	vimm.f32 $0.0e+00;
	v11 =	vor.u32 s19, v11  }
0x3fa: {  	s19 =	simm.s32 $0x0  }
0x3fb: {  	v15 =	vld [tilespmem:s19+$0x0];
	_ =	sdelay $0x1  }
.Ltmp64:
0x3fc: {  	_ = 	snop;
	(pc) =	sbr.rel @!p0 .LBB2_109-.Ltmp64, $3  }
0x3fd: {  	_ =	sdelay $0x1  }
0x3fe: {  	s17 =	sadd.s32 $0xFFFFFFFF, s17;
	v16 =	vsub.f32 v15, v9  }
0x3ff: {  	v13 =	vimm.f32 $0.0e+00;
	s20 =	simm.s32 $0x10;
	p1 =	por $0x0, $0x0;
	p2 =	por $0x0, $0x0  }
0x400: {  	v16 =	vmul.f32 $1.000000000e+01, v16;
	_ =	sdelay $0x1  }
0x401: {  	v17 =	vmul.f32 $1.442695020e+00, v16;
	_ =	sdelay $0x1  }
0x402: {  	v14 =	vld [tilespmem:s20+$0x0];
	(erf) = vpow2.f32 v17  }
0x403: {  	p0 =	sne.s32 s17, $0x1  }
.Ltmp65:
0x404: {  	_ = 	snop;
	(pc) =	sbr.rel @!p0 .LBB2_111-.Ltmp65, $3  }
0x405: {  	_ =	sdelay $0x1  }
0x406: {  	v16 =	vsub.f32 v14, v9  }
0x407: {  	s17 =	sadd.s32 $0xFFFFFFFF, s17;
	s20 =	simm.s32 $0x20;
	p1 =	por $0x1, $0x1  }
0x408: {  	v16 =	vmul.f32 $1.000000000e+01, v16  }
0x409: {  	v18 =	vld [tilespmem:s20+$0x0]  }
0x40a: {  	p0 =	sne.s32 s17, $0x1;
	v17 =	vmul.f32 $1.442695020e+00, v16  }
.Ltmp66:
0x40b: {  	_ = 	snop;
	(pc) =	sbr.rel @!p0 .LBB2_113-.Ltmp66, $3  }
0x40c: {  	(erf) = vpow2.f32 v17;
	_ =	sdelay $0x1  }
0x40d: {  	s20 =	sadd.s32 $0xFFFFFFFF, s17;
	v19 =	vshra.s32 v15, $0x1F;
	v16 =	vsub.f32 v18, v9  }
0x40e: {  	s21 =	simm.s32 $0x30;
	p2 =	por $0x1, $0x1;
	s17 =	simm.s32 $0x0;
	v19 =	vor.u32 $0x80000000, v19;
	v17 =	vimm.f32 $0.0e+00  }
.LBB2_114:
0x40f: {  	p0 =	sne.s32 s20, $0x1;
	s20 =	sadd.s32 $0xFFFFFFFF, s20;
	v21 =	vxor.u32 v15, v19;
	v20 =	vor.u32 s17, v3;
	v15 =	vmovc v14;
	v14 =	vmov v18;
	v18 =	vld [tilespmem:s21+$0x0]  }
.Ltmp67:
0x410: {  	v16 =	vmul.f32 $1.000000000e+01, v16;
	vm5 =	vgt.u32 v21, v11;
	vm6 =	vlt.s32 v20, v12;
	(pc) =	sbr.rel @p0 .LBB2_114-.Ltmp67, $4  }
0x411: {  	vm5 =	vmand vm6, vm5;
	v19 =	vpop (erf)  }
0x412: {  	v20 =	vmul.f32 $1.442695020e+00, v16;
	v16 =	vnsel vm5, $0x0, v19  }
0x413: {  	v19 =	vshra.s32 v15, $0x1F;
	v17 =	vadd.f32 v16, v17  }
0x414: {  	s21 =	sadd.s32 $0x10, s21;
	s17 =	sadd.s32 $0x10, s17;
	v19 =	vor.u32 $0x80000000, v19;
	v16 =	vsub.f32 v18, v9;
	(erf) = vpow2.f32 v20  }
.Ltmp68:
0x415: {  	(pc) =	sbr.rel .LBB2_116-.Ltmp68, $2  }
0x416: {  	_ =	sdelay $0x2  }
0x417: {  	v20 =	vmov v15;
	v15 =	vmov v14;
	v14 =	vmov v18  }
.LBB2_17:
.Ltmp69:
0x418: {  	(pc) =	sbr.rel .LBB2_21-.Ltmp69, $2  }
0x419: {  	_ =	sdelay $0x2  }
0x41a: {  	s20 =	simm.s32 $0x0  }
.LBB2_29:
.Ltmp70:
0x41b: {  	(pc) =	sbr.rel .LBB2_33-.Ltmp70, $2  }
0x41c: {  	_ =	sdelay $0x2  }
0x41d: {  	s20 =	simm.s32 $0x0  }
.LBB2_41:
.Ltmp71:
0x41e: {  	(pc) =	sbr.rel .LBB2_45-.Ltmp71, $2  }
0x41f: {  	_ =	sdelay $0x2  }
0x420: {  	s20 =	simm.s32 $0x0  }
.LBB2_51:
.Ltmp72:
0x421: {  	(pc) =	sbr.rel .LBB2_58-.Ltmp72, $2  }
0x422: {  	_ =	sdelay $0x2  }
0x423: {  	s16 =	simm.s32 $0x0;
	v13 =	vmov v14;
	v16 =	vimm.f32 $0.0e+00  }
.LBB2_75:
.Ltmp73:
0x424: {  	(pc) =	sbr.rel .LBB2_79-.Ltmp73, $2  }
0x425: {  	_ =	sdelay $0x2  }
0x426: {  	s20 =	simm.s32 $0x0  }
.LBB2_87:
.Ltmp74:
0x427: {  	(pc) =	sbr.rel .LBB2_91-.Ltmp74, $2  }
0x428: {  	_ =	sdelay $0x2  }
0x429: {  	s20 =	simm.s32 $0x0  }
.LBB2_99:
.Ltmp75:
0x42a: {  	(pc) =	sbr.rel .LBB2_103-.Ltmp75, $2  }
0x42b: {  	_ =	sdelay $0x2  }
0x42c: {  	s20 =	simm.s32 $0x0  }
.LBB2_19:
.Ltmp76:
0x42d: {  	(pc) =	sbr.rel .LBB2_21-.Ltmp76, $2  }
0x42e: {  	_ =	sdelay $0x2  }
0x42f: {  	s20 =	simm.s32 $0x0  }
.LBB2_31:
.Ltmp77:
0x430: {  	(pc) =	sbr.rel .LBB2_33-.Ltmp77, $2  }
0x431: {  	_ =	sdelay $0x2  }
0x432: {  	s20 =	simm.s32 $0x0  }
.LBB2_43:
.Ltmp78:
0x433: {  	(pc) =	sbr.rel .LBB2_45-.Ltmp78, $2  }
0x434: {  	_ =	sdelay $0x2  }
0x435: {  	s20 =	simm.s32 $0x0  }
.LBB2_53:
.Ltmp79:
0x436: {  	(pc) =	sbr.rel .LBB2_58-.Ltmp79, $2  }
0x437: {  	_ =	sdelay $0x2  }
0x438: {  	s16 =	simm.s32 $0x0;
	v16 =	vimm.f32 $0.0e+00  }
.LBB2_77:
.Ltmp80:
0x439: {  	(pc) =	sbr.rel .LBB2_79-.Ltmp80, $2  }
0x43a: {  	_ =	sdelay $0x2  }
0x43b: {  	s20 =	simm.s32 $0x0  }
.LBB2_89:
.Ltmp81:
0x43c: {  	(pc) =	sbr.rel .LBB2_91-.Ltmp81, $2  }
0x43d: {  	_ =	sdelay $0x2  }
0x43e: {  	s20 =	simm.s32 $0x0  }
.LBB2_101:
.Ltmp82:
0x43f: {  	(pc) =	sbr.rel .LBB2_103-.Ltmp82, $2  }
0x440: {  	_ =	sdelay $0x2  }
0x441: {  	s20 =	simm.s32 $0x0  }
.LBB2_111:
.Ltmp83:
0x442: {  	(pc) =	sbr.rel .LBB2_116-.Ltmp83, $2  }
0x443: {  	_ =	sdelay $0x2  }
0x444: {  	s17 =	simm.s32 $0x0;
	v17 =	vimm.f32 $0.0e+00  }
.LBB2_55:
.Ltmp84:
0x445: {  	(pc) =	sbr.rel .LBB2_58-.Ltmp84, $2  }
0x446: {  	_ =	sdelay $0x2  }
0x447: {  	v19 =	vmovc v14;
	v14 =	vmov v13;
	s16 =	simm.s32 $0x0;
	v13 =	vmov v17;
	v16 =	vimm.f32 $0.0e+00  }
.LBB2_113:
.Ltmp85:
0x448: {  	(pc) =	sbr.rel .LBB2_116-.Ltmp85, $2  }
0x449: {  	_ =	sdelay $0x2  }
0x44a: {  	v20 =	vmovc v15;
	v15 =	vmov v14;
	s17 =	simm.s32 $0x0;
	v14 =	vmov v18;
	v17 =	vimm.f32 $0.0e+00  }
.LBB2_118:
0x44b: {  	_ =	sfence.sel $0x180000  }
0x44c: {  	[bflag:$0x0] =	sbarrier.arrive $0xFFFF  }
0x44d: {  	p0 =	sne.s32 s1, $0x0;
	_ =	strace $0x90000047  }
0x44e: {  	s0 =	sadd.s32 @!p0 $0x100000, s0;
	[bflag:$0x2] =	sbarrier.arrive $0xFFFF  }
0x44f: {  	[sflag:s0] =	ssyncadd.tile.s32 @!p0 $0x1;
	_ =	shalt  }
.Lfunc_end2:
_tile_overlayer_lowered:
.L_overlay_start_2:
0x450: {  	(tag) =	ssettag $0x2  }
0x451: {  	s0 =	rddreg [dreg:$0x0];
	s2 =	stileid.u32  }
0x452: {  	s1 =	rddreg [dreg:$0x1];
	p0 =	sne.s32 s2, $0x0  }
0x453: {  	s3 =	rddreg [dreg:$0x2];
	[bflag:$0x3] =	sbarrier.arrive $0xFFFF;
	s2 =	simm.s32 @!p0 $0x1C01  }
0x454: {  	[timem:s3], [sflag:s2] =	dma.local @!p0 [hbm:s0], s1  }
0x455: {  	s0 =	simm.s32 @!p0 $0x1  }
0x456: {  	_ =	swait.ge @!p0 [sflag:s0], s1  }
0x457: {  	s1 =	ssub.s32 @!p0 $0x0, s1;
	[sflag:s0] =	ssyncset.done @!p0 $0x0  }
0x458: {  	[sflag:s0] =	ssyncadd.s32 @!p0 s1  }
0x459: {  	[bflag:$0x3] =	sbarrier.arrive $0xFFFF  }
0x45a: {  	_ =	shalt  }

</sc_bundles>
